<compile_context>
chip_gen: v7x
topology: tpu7x:2x2x1
jax: 0.10.2.dev20260603
libtpu: 0.0.44.dev20260713+nightly
codegen_flags: <defaults>
</compile_context>

<pallas_src>
import functools

import jax
import jax.numpy as jnp
from jax import lax
from jax.experimental import pallas as pl
from jax.experimental.pallas import tpu as pltpu
from jax.experimental.pallas import tpu_sc as plsc

N = 10000
E = 320000
NT = 32
EPT = E // NT
NV = EPT // 16

_mesh = plsc.VectorSubcoreMesh(core_axis_name="c", subcore_axis_name="s")
_sc_params = pltpu.CompilerParams(needs_layout_passes=False)


EBUF = EPT + 112


def _edge_window(wid):
    off = 16 * lax.rem(wid, 8)
    start = pl.multiple_of(wid * EPT - off, 128)
    return start, off


def _deg_body(ei, out, ei_v, acc_v, sem):
    cid = lax.axis_index("c")
    sid = lax.axis_index("s")
    wid = cid * 16 + sid
    start, off = _edge_window(wid)
    cp = pltpu.async_copy(ei.at[:, pl.ds(start, EBUF)], ei_v, sem)

    @plsc.parallel_loop(0, NV, unroll=8)
    def zero(i):
        acc_v[pl.ds(i * 16, 16)] = jnp.zeros((16,), jnp.float32)

    cp.wait()
    ones = jnp.full((16,), 1.0, jnp.float32)

    @plsc.parallel_loop(0, NV, unroll=8)
    def step(v):
        d16 = ei_v[1, pl.ds(off + v * 16, 16)]
        plsc.addupdate_scatter(acc_v, [d16], ones)
    pltpu.sync_copy(acc_v, out.at[wid])


_deg_kernel = functools.partial(
    pl.kernel,
    out_type=jax.ShapeDtypeStruct((NT, N), jnp.float32),
    mesh=_mesh,
    compiler_params=_sc_params,
    scratch_types=[
        pltpu.VMEM((2, EBUF), jnp.int32),
        pltpu.VMEM((N,), jnp.float32),
        pltpu.SemaphoreType.DMA,
    ],
)(_deg_body)


def _prop_body(C, tbl_h, ei, out, tbl_v, ei_v, acc_v, sem, sem2):
    cid = lax.axis_index("c")
    sid = lax.axis_index("s")
    wid = cid * 16 + sid
    start, off = _edge_window(wid)
    cp1 = pltpu.async_copy(ei.at[:, pl.ds(start, EBUF)], ei_v, sem)
    cp2 = pltpu.async_copy(tbl_h, tbl_v, sem2)

    @plsc.parallel_loop(0, NV, unroll=8)
    def zero(i):
        for c in range(C):
            acc_v[c, pl.ds(i * 16, 16)] = jnp.zeros((16,), jnp.float32)

    cp1.wait()
    cp2.wait()

    @plsc.parallel_loop(0, NV, unroll=8)
    def step(v):
        s16 = ei_v[0, pl.ds(off + v * 16, 16)]
        d16 = ei_v[1, pl.ds(off + v * 16, 16)]
        for c in range(C):
            cc = jnp.full((16,), c, jnp.int32)
            g = plsc.load_gather(tbl_v, [cc, s16])
            plsc.addupdate_scatter(acc_v, [cc, d16], g)
    pltpu.sync_copy(acc_v, out.at[wid])


def _make_prop(C):
    return functools.partial(
        pl.kernel,
        out_type=jax.ShapeDtypeStruct((NT, C, N), jnp.float32),
        mesh=_mesh,
        compiler_params=_sc_params,
        scratch_types=[
            pltpu.VMEM((C, N), jnp.float32),
            pltpu.VMEM((2, EBUF), jnp.int32),
            pltpu.VMEM((C, N), jnp.float32),
            pltpu.SemaphoreType.DMA,
            pltpu.SemaphoreType.DMA,
        ],
    )(functools.partial(_prop_body, C))


_prop4 = _make_prop(4)
_prop2 = _make_prop(2)



def _t1a_body(x, w1t, out_h1):
    out_h1[...] = lax.dot_general(
        w1t[...], x[...], (((1,), (1,)), ((), ())),
        preferred_element_type=jnp.float32)


def _t1b_body(degp, h1, out_dinv, out_h1s):
    deg = jnp.sum(degp[...], axis=0, keepdims=True) + 1.0
    dinv = lax.rsqrt(jnp.maximum(deg, 1.0))
    out_dinv[...] = dinv
    out_h1s[...] = h1[...] * dinv


def _t2_body(p1, h1s, dinv, w2t, b1c, out):
    z1 = jnp.maximum(
        (jnp.sum(p1[...], axis=0) + h1s[...]) * dinv[...] + b1c[...], 0.0)
    h2 = jnp.dot(w2t[...], z1, preferred_element_type=jnp.float32)
    out[...] = h2 * dinv[...]


def _t3_body(p2, h2s, dinv, b2c, out):
    z2 = (jnp.sum(p2[...], axis=0) + h2s[...]) * dinv[...] + b2c[...]
    out[...] = z2 * dinv[...]


def _t4_body(p3, q, dinv, w3t, b3c, w4t, out):
    az = (jnp.sum(p3[...], axis=0) + q[...]) * dinv[...]
    h3 = jnp.maximum(
        jnp.dot(w3t[...], az, preferred_element_type=jnp.float32) + b3c[...], 0.0)
    h4 = jnp.dot(w4t[...], h3, preferred_element_type=jnp.float32)
    out[...] = h4 * dinv[...]


def _t5_body(p4, h4s, dinv, b4c, out):
    out[...] = (jnp.sum(p4[...], axis=0) + h4s[...]) * dinv[...] + b4c[...]


def _tc(body, out_ch):
    if isinstance(out_ch, tuple):
        outs = tuple(jax.ShapeDtypeStruct((c, N), jnp.float32) for c in out_ch)
    else:
        outs = jax.ShapeDtypeStruct((out_ch, N), jnp.float32)
    return pl.pallas_call(body, out_shape=outs)


def kernel(x, edge_index, W1, b1, W2, b2, W3, b3, W4, b4):
    ei = edge_index.astype(jnp.int32)

    degp = _deg_kernel(ei)
    h1 = _tc(_t1a_body, 4)(x, W1.T)
    dinv, h1s = _tc(_t1b_body, (1, 4))(degp, h1)
    p1 = _prop4(h1s, ei)
    h2s = _tc(_t2_body, 2)(p1, h1s, dinv, W2.T, b1.reshape(4, 1))
    p2 = _prop2(h2s, ei)
    q = _tc(_t3_body, 2)(p2, h2s, dinv, b2.reshape(2, 1))
    p3 = _prop2(q, ei)
    h4s = _tc(_t4_body, 2)(p3, q, dinv, W3.T, b3.reshape(64, 1), W4.T)
    p4 = _prop2(h4s, ei)
    c = _tc(_t5_body, 2)(p4, h4s, dinv, b4.reshape(2, 1))
    return c.T

# --- scband reference (transcript-rebuilt; emitter-appended) ---
"""Pipeline reference for scband-model-61272003445148 (READ-ONLY COPY).

The authoritative reference and input builder live on the scoring server;
editing this copy changes nothing except your own understanding.
"""

import jax, jax.numpy as jnp
import numpy as np

N = 10000
E = 320000
D_IN = 128
OUT_CH = 2
HID = 64


def glorot(key, shape):
    lim = float(np.sqrt(6.0 / (shape[0] + shape[1])))
    return jax.random.uniform(key, shape, minval=-lim, maxval=lim, dtype=jnp.float32)


def setup_inputs(seed: int = 0) -> dict:
    key = jax.random.key(seed)
    ks = jax.random.split(key, 8)
    x = jax.random.normal(ks[0], (N, D_IN), dtype=jnp.float32)
    edge_index = jax.random.randint(ks[1], (2, E), 0, N)
    # GAE encoder: GCNEncoder(num_features, out_channels) = GCNConv(in, 2*out) -> ReLU -> GCNConv(2*out, out)
    W1 = glorot(ks[2], (D_IN, 2 * OUT_CH))
    b1 = jnp.zeros((2 * OUT_CH,), jnp.float32)
    W2 = glorot(ks[3], (2 * OUT_CH, OUT_CH))
    b2 = jnp.zeros((OUT_CH,), jnp.float32)
    # Classifier GCN(out_channels, hidden): GCNConv(out, hidden) -> ReLU -> GCNConv(hidden, 2)
    W3 = glorot(ks[4], (OUT_CH, HID))
    b3 = jnp.zeros((HID,), jnp.float32)
    W4 = glorot(ks[5], (HID, OUT_CH))
    b4 = jnp.zeros((OUT_CH,), jnp.float32)
    return {"x": x, "edge_index": edge_index, "W1": W1, "b1": b1, "W2": W2, "b2": b2, "W3": W3, "b3": b3, "W4": W4, "b4": b4}


def gcn_conv(x, src, dst, W, b, n):
    # GCNConv with self-loops already appended in src/dst: D^-1/2 (A+I) D^-1/2 X W + b
    h = x @ W
    deg = jnp.zeros((n,), x.dtype).at[dst].add(1.0)
    dinv = jax.lax.rsqrt(jnp.clip(deg, 1.0, None))
    norm = dinv[src] * dinv[dst]
    msg = jnp.take(h, src, axis=0) * norm[:, None]
    out = jax.ops.segment_sum(msg, dst, num_segments=n)
    return out + b


def reference(x, edge_index, W1, b1, W2, b2, W3, b3, W4, b4):
    loops = jnp.arange(N, dtype=edge_index.dtype)
    src = jnp.concatenate([edge_index[0], loops])
    dst = jnp.concatenate([edge_index[1], loops])
    # GAE encoder forward
    z = jax.nn.relu(gcn_conv(x, src, dst, W1, b1, N))
    z = gcn_conv(z, src, dst, W2, b2, N)
    # classifier forward
    h = jax.nn.relu(gcn_conv(z, src, dst, W3, b3, N))
    c = gcn_conv(h, src, dst, W4, b4, N)
    return c

if __name__ == "__main__":
    import jax
    _d = setup_inputs()
    print(jax.jit(kernel)(*tuple(_d.values())))

</pallas_src>

<mosaic_0001>
#map = affine_map<(d0, d1) -> (0, 0)>
module attributes {stable_mosaic.version = 14 : i64} {
  func.func @_deg_body(%arg0: i32, %arg1: i32, %arg2: memref<2x320000xi32, #tpu.memory_space<hbm>>, %arg3: memref<32x10000xf32, #tpu.memory_space<hbm>>, %arg4: memref<2x10112xi32, #tpu.memory_space<vmem>>, %arg5: memref<10000xf32, #tpu.memory_space<vmem>>, %arg6: memref<!tpu.dma_semaphore, #tpu.memory_space<semaphore_mem>>) attributes {dimension_semantics = [#tpu.dimension_semantics<core_parallel>, #tpu.dimension_semantics<subcore_parallel>], iteration_bounds = array<i64: 2, 16>, scalar_prefetch = 0 : i64, scratch_operands = 3 : i64, tpu.core_type = #tpu.core_type<sc_vector_subcore>, window_params = [{transform_indices = #map}, {transform_indices = #map}]} {
    %mul3A = arith.constant 16 : i32
    %mul3A_0 = arith.muli %arg0, %mul3A : i32
    %add3A = arith.addi %mul3A_0, %arg1 : i32
    %rem3A = arith.constant 8 : i32
    %rem3A_1 = arith.remsi %add3A, %rem3A : i32
    %mul3A_2 = arith.constant 16 : i32
    %mul3A_3 = arith.muli %mul3A_2, %rem3A_1 : i32
    %mul3A_4 = arith.constant 10000 : i32
    %mul3A_5 = arith.muli %add3A, %mul3A_4 : i32
    %sub3A = arith.subi %mul3A_5, %mul3A_3 : i32
    %multiple_of3A = tpu.assume_multiple %sub3A, 128 : i32
    %dma_start3A = arith.constant 0 : i32
    %dma_start3A_6 = tpu.memref_slice %arg2[%dma_start3A, %multiple_of3A] : memref<2x320000xi32, #tpu.memory_space<hbm>> -> memref<2x10112xi32, #tpu.memory_space<hbm>>
    %dma_start3A_7 = arith.constant 0 : i32
    %dma_start3A_8 = tpu.memref_slice %arg2[%dma_start3A_7, %multiple_of3A] : memref<2x320000xi32, #tpu.memory_space<hbm>> -> memref<2x10112xi32, #tpu.memory_space<hbm>>
    tpu.enqueue_dma source(%dma_start3A_8 : memref<2x10112xi32, #tpu.memory_space<hbm>>) target(%arg4 : memref<2x10112xi32, #tpu.memory_space<vmem>>) target_semaphore(%arg6 : memref<!tpu.dma_semaphore, #tpu.memory_space<semaphore_mem>>)
    %parallel_loop3A = arith.constant 0 : i32
    %parallel_loop3A_9 = arith.constant 625 : i32
    %parallel_loop3A_10 = arith.constant 1 : i32
    scf.for %parallel_loop3A_18 = %parallel_loop3A to %parallel_loop3A_9 step %parallel_loop3A_10  : i32 {
      %parallel_loop3A_19 = arith.constant 0.000000e+00 : f32
      %parallel_loop3A_20 = vector.broadcast %parallel_loop3A_19 : f32 to vector<16xf32>
      %parallel_loop3A_21 = arith.constant 16 : i32
      %parallel_loop3A_22 = arith.muli %parallel_loop3A_18, %parallel_loop3A_21 : i32
      %parallel_loop3A_23 = arith.index_cast %parallel_loop3A_22 : i32 to index
      %parallel_loop3A_24 = tpu.vector_load %arg5[%parallel_loop3A_23] {strides = array<i32>} : memref<10000xf32, #tpu.memory_space<vmem>>, vector<16xf32>,
      tpu.vector_store %arg5[%parallel_loop3A_23], %parallel_loop3A_20 {strides = array<i32>} : memref<10000xf32, #tpu.memory_space<vmem>>, vector<16xf32>,
    } {sc.loop_unroll_factor = 8 : i64, sc.parallel_access}
    %dma_wait3A = arith.constant 0 : i32
    %dma_wait3A_11 = tpu.memref_slice %arg2[%dma_wait3A, %multiple_of3A] : memref<2x320000xi32, #tpu.memory_space<hbm>> -> memref<2x10112xi32, #tpu.memory_space<hbm>>
    %dma_wait3A_12 = arith.constant 0 : i32
    %dma_wait3A_13 = tpu.memref_slice %arg2[%dma_wait3A_12, %multiple_of3A] : memref<2x320000xi32, #tpu.memory_space<hbm>> -> memref<2x10112xi32, #tpu.memory_space<hbm>>
    tpu.wait_dma2 semaphore(%arg6 : memref<!tpu.dma_semaphore, #tpu.memory_space<semaphore_mem>>) src(%dma_wait3A_13 : memref<2x10112xi32, #tpu.memory_space<hbm>>) dst(%arg4 : memref<2x10112xi32, #tpu.memory_space<vmem>>)
    %broadcast_in_dim3A = arith.constant 1.000000e+00 : f32
    %broadcast_in_dim3A_14 = vector.broadcast %broadcast_in_dim3A : f32 to vector<16xf32>
    %parallel_loop3A_15 = arith.constant 0 : i32
    %parallel_loop3A_16 = arith.constant 625 : i32
    %parallel_loop3A_17 = arith.constant 1 : i32
    scf.for %parallel_loop3A_18 = %parallel_loop3A_15 to %parallel_loop3A_16 step %parallel_loop3A_17  : i32 {
      %parallel_loop3A_19 = arith.constant 16 : i32
      %parallel_loop3A_20 = arith.muli %parallel_loop3A_18, %parallel_loop3A_19 : i32
      %parallel_loop3A_21 = arith.addi %mul3A_3, %parallel_loop3A_20 : i32
      %parallel_loop3A_22 = arith.constant 1 : i32
      %parallel_loop3A_23 = arith.index_cast %parallel_loop3A_22 : i32 to index
      %parallel_loop3A_24 = arith.index_cast %parallel_loop3A_21 : i32 to index
      %parallel_loop3A_25 = tpu.vector_load %arg4[%parallel_loop3A_23, %parallel_loop3A_24] {strides = array<i32>} : memref<2x10112xi32, #tpu.memory_space<vmem>>, vector<16xi32>,
      tpu.vector_store_idx %arg5[%parallel_loop3A_25], %broadcast_in_dim3A_14 {add = true} : memref<10000xf32, #tpu.memory_space<vmem>>[vector<16xi32>], vector<16xf32>,
    } {sc.loop_unroll_factor = 8 : i64, sc.parallel_access}
    "tpu.region"() ({
      %run_scoped3A = tpu.sem_alloc : memref<!tpu.dma_semaphore, #tpu.memory_space<semaphore_mem>>
      %dma_start3A_18 = arith.constant 0 : i32
      %dma_start3A_19 = tpu.memref_slice %arg3[%add3A, %dma_start3A_18] : memref<32x10000xf32, #tpu.memory_space<hbm>> -> memref<1x10000xf32, #tpu.memory_space<hbm>>
      %dma_start3A_20 = tpu.memref_squeeze %dma_start3A_19 : memref<1x10000xf32, #tpu.memory_space<hbm>> -> memref<10000xf32, #tpu.memory_space<hbm>>
      %dma_start3A_21 = arith.constant 0 : i32
      %dma_start3A_22 = tpu.memref_slice %arg3[%add3A, %dma_start3A_21] : memref<32x10000xf32, #tpu.memory_space<hbm>> -> memref<1x10000xf32, #tpu.memory_space<hbm>>
      %dma_start3A_23 = tpu.memref_squeeze %dma_start3A_22 : memref<1x10000xf32, #tpu.memory_space<hbm>> -> memref<10000xf32, #tpu.memory_space<hbm>>
      tpu.enqueue_dma source(%arg5 : memref<10000xf32, #tpu.memory_space<vmem>>) target(%dma_start3A_23 : memref<10000xf32, #tpu.memory_space<hbm>>) target_semaphore(%run_scoped3A : memref<!tpu.dma_semaphore, #tpu.memory_space<semaphore_mem>>)
      %dma_wait3A_24 = arith.constant 0 : i32
      %dma_wait3A_25 = tpu.memref_slice %arg3[%add3A, %dma_wait3A_24] : memref<32x10000xf32, #tpu.memory_space<hbm>> -> memref<1x10000xf32, #tpu.memory_space<hbm>>
      %dma_wait3A_26 = tpu.memref_squeeze %dma_wait3A_25 : memref<1x10000xf32, #tpu.memory_space<hbm>> -> memref<10000xf32, #tpu.memory_space<hbm>>
      %dma_wait3A_27 = arith.constant 0 : i32
      %dma_wait3A_28 = tpu.memref_slice %arg3[%add3A, %dma_wait3A_27] : memref<32x10000xf32, #tpu.memory_space<hbm>> -> memref<1x10000xf32, #tpu.memory_space<hbm>>
      %dma_wait3A_29 = tpu.memref_squeeze %dma_wait3A_28 : memref<1x10000xf32, #tpu.memory_space<hbm>> -> memref<10000xf32, #tpu.memory_space<hbm>>
      tpu.wait_dma2 semaphore(%run_scoped3A : memref<!tpu.dma_semaphore, #tpu.memory_space<semaphore_mem>>) src(%arg5 : memref<10000xf32, #tpu.memory_space<vmem>>) dst(%dma_wait3A_29 : memref<10000xf32, #tpu.memory_space<hbm>>)
      tpu.yield
    }) : () -> ()
    return
  }
}

#map = affine_map<(d0, d1) -> (0, 0)>
#map1 = affine_map<(d0, d1) -> (0, 0, 0)>
module attributes {stable_mosaic.version = 14 : i64} {
  func.func @_prop_body(%arg0: i32, %arg1: i32, %arg2: memref<2x10000xf32, #tpu.memory_space<hbm>>, %arg3: memref<2x320000xi32, #tpu.memory_space<hbm>>, %arg4: memref<32x2x10000xf32, #tpu.memory_space<hbm>>, %arg5: memref<2x10000xf32, #tpu.memory_space<vmem>>, %arg6: memref<2x10112xi32, #tpu.memory_space<vmem>>, %arg7: memref<2x10000xf32, #tpu.memory_space<vmem>>, %arg8: memref<!tpu.dma_semaphore, #tpu.memory_space<semaphore_mem>>, %arg9: memref<!tpu.dma_semaphore, #tpu.memory_space<semaphore_mem>>) attributes {dimension_semantics = [#tpu.dimension_semantics<core_parallel>, #tpu.dimension_semantics<subcore_parallel>], iteration_bounds = array<i64: 2, 16>, scalar_prefetch = 0 : i64, scratch_operands = 5 : i64, tpu.core_type = #tpu.core_type<sc_vector_subcore>, window_params = [{transform_indices = #map}, {transform_indices = #map}, {transform_indices = #map1}]} {
    %mul3A = arith.constant 16 : i32
    %mul3A_0 = arith.muli %arg0, %mul3A : i32
    %add3A = arith.addi %mul3A_0, %arg1 : i32
    %rem3A = arith.constant 8 : i32
    %rem3A_1 = arith.remsi %add3A, %rem3A : i32
    %mul3A_2 = arith.constant 16 : i32
    %mul3A_3 = arith.muli %mul3A_2, %rem3A_1 : i32
    %mul3A_4 = arith.constant 10000 : i32
    %mul3A_5 = arith.muli %add3A, %mul3A_4 : i32
    %sub3A = arith.subi %mul3A_5, %mul3A_3 : i32
    %multiple_of3A = tpu.assume_multiple %sub3A, 128 : i32
    %dma_start3A = arith.constant 0 : i32
    %dma_start3A_6 = tpu.memref_slice %arg3[%dma_start3A, %multiple_of3A] : memref<2x320000xi32, #tpu.memory_space<hbm>> -> memref<2x10112xi32, #tpu.memory_space<hbm>>
    %dma_start3A_7 = arith.constant 0 : i32
    %dma_start3A_8 = tpu.memref_slice %arg3[%dma_start3A_7, %multiple_of3A] : memref<2x320000xi32, #tpu.memory_space<hbm>> -> memref<2x10112xi32, #tpu.memory_space<hbm>>
    tpu.enqueue_dma source(%dma_start3A_8 : memref<2x10112xi32, #tpu.memory_space<hbm>>) target(%arg6 : memref<2x10112xi32, #tpu.memory_space<vmem>>) target_semaphore(%arg8 : memref<!tpu.dma_semaphore, #tpu.memory_space<semaphore_mem>>)
    tpu.enqueue_dma source(%arg2 : memref<2x10000xf32, #tpu.memory_space<hbm>>) target(%arg5 : memref<2x10000xf32, #tpu.memory_space<vmem>>) target_semaphore(%arg9 : memref<!tpu.dma_semaphore, #tpu.memory_space<semaphore_mem>>)
    %parallel_loop3A = arith.constant 0 : i32
    %parallel_loop3A_9 = arith.constant 625 : i32
    %parallel_loop3A_10 = arith.constant 1 : i32
    scf.for %parallel_loop3A_17 = %parallel_loop3A to %parallel_loop3A_9 step %parallel_loop3A_10  : i32 {
      %parallel_loop3A_18 = arith.constant 0.000000e+00 : f32
      %parallel_loop3A_19 = vector.broadcast %parallel_loop3A_18 : f32 to vector<16xf32>
      %parallel_loop3A_20 = arith.constant 16 : i32
      %parallel_loop3A_21 = arith.muli %parallel_loop3A_17, %parallel_loop3A_20 : i32
      %parallel_loop3A_22 = arith.constant 0 : i32
      %parallel_loop3A_23 = arith.index_cast %parallel_loop3A_22 : i32 to index
      %parallel_loop3A_24 = arith.index_cast %parallel_loop3A_21 : i32 to index
      %parallel_loop3A_25 = tpu.vector_load %arg7[%parallel_loop3A_23, %parallel_loop3A_24] {strides = array<i32>} : memref<2x10000xf32, #tpu.memory_space<vmem>>, vector<16xf32>,
      tpu.vector_store %arg7[%parallel_loop3A_23, %parallel_loop3A_24], %parallel_loop3A_19 {strides = array<i32>} : memref<2x10000xf32, #tpu.memory_space<vmem>>, vector<16xf32>,
      %parallel_loop3A_26 = arith.constant 0.000000e+00 : f32
      %parallel_loop3A_27 = vector.broadcast %parallel_loop3A_26 : f32 to vector<16xf32>
      %parallel_loop3A_28 = arith.constant 16 : i32
      %parallel_loop3A_29 = arith.muli %parallel_loop3A_17, %parallel_loop3A_28 : i32
      %parallel_loop3A_30 = arith.constant 1 : i32
      %parallel_loop3A_31 = arith.index_cast %parallel_loop3A_30 : i32 to index
      %parallel_loop3A_32 = arith.index_cast %parallel_loop3A_29 : i32 to index
      %parallel_loop3A_33 = tpu.vector_load %arg7[%parallel_loop3A_31, %parallel_loop3A_32] {strides = array<i32>} : memref<2x10000xf32, #tpu.memory_space<vmem>>, vector<16xf32>,
      tpu.vector_store %arg7[%parallel_loop3A_31, %parallel_loop3A_32], %parallel_loop3A_27 {strides = array<i32>} : memref<2x10000xf32, #tpu.memory_space<vmem>>, vector<16xf32>,
    } {sc.loop_unroll_factor = 8 : i64, sc.parallel_access}
    %dma_wait3A = arith.constant 0 : i32
    %dma_wait3A_11 = tpu.memref_slice %arg3[%dma_wait3A, %multiple_of3A] : memref<2x320000xi32, #tpu.memory_space<hbm>> -> memref<2x10112xi32, #tpu.memory_space<hbm>>
    %dma_wait3A_12 = arith.constant 0 : i32
    %dma_wait3A_13 = tpu.memref_slice %arg3[%dma_wait3A_12, %multiple_of3A] : memref<2x320000xi32, #tpu.memory_space<hbm>> -> memref<2x10112xi32, #tpu.memory_space<hbm>>
    tpu.wait_dma2 semaphore(%arg8 : memref<!tpu.dma_semaphore, #tpu.memory_space<semaphore_mem>>) src(%dma_wait3A_13 : memref<2x10112xi32, #tpu.memory_space<hbm>>) dst(%arg6 : memref<2x10112xi32, #tpu.memory_space<vmem>>)
    tpu.wait_dma2 semaphore(%arg9 : memref<!tpu.dma_semaphore, #tpu.memory_space<semaphore_mem>>) src(%arg2 : memref<2x10000xf32, #tpu.memory_space<hbm>>) dst(%arg5 : memref<2x10000xf32, #tpu.memory_space<vmem>>)
    %parallel_loop3A_14 = arith.constant 0 : i32
    %parallel_loop3A_15 = arith.constant 625 : i32
    %parallel_loop3A_16 = arith.constant 1 : i32
    scf.for %parallel_loop3A_17 = %parallel_loop3A_14 to %parallel_loop3A_15 step %parallel_loop3A_16  : i32 {
      %parallel_loop3A_18 = arith.constant 16 : i32
      %parallel_loop3A_19 = arith.muli %parallel_loop3A_17, %parallel_loop3A_18 : i32
      %parallel_loop3A_20 = arith.addi %mul3A_3, %parallel_loop3A_19 : i32
      %parallel_loop3A_21 = arith.constant 0 : i32
      %parallel_loop3A_22 = arith.index_cast %parallel_loop3A_21 : i32 to index
      %parallel_loop3A_23 = arith.index_cast %parallel_loop3A_20 : i32 to index
      %parallel_loop3A_24 = tpu.vector_load %arg6[%parallel_loop3A_22, %parallel_loop3A_23] {strides = array<i32>} : memref<2x10112xi32, #tpu.memory_space<vmem>>, vector<16xi32>,
      %parallel_loop3A_25 = arith.constant 16 : i32
      %parallel_loop3A_26 = arith.muli %parallel_loop3A_17, %parallel_loop3A_25 : i32
      %parallel_loop3A_27 = arith.addi %mul3A_3, %parallel_loop3A_26 : i32
      %parallel_loop3A_28 = arith.constant 1 : i32
      %parallel_loop3A_29 = arith.index_cast %parallel_loop3A_28 : i32 to index
      %parallel_loop3A_30 = arith.index_cast %parallel_loop3A_27 : i32 to index
      %parallel_loop3A_31 = tpu.vector_load %arg6[%parallel_loop3A_29, %parallel_loop3A_30] {strides = array<i32>} : memref<2x10112xi32, #tpu.memory_space<vmem>>, vector<16xi32>,
      %parallel_loop3A_32 = arith.constant 0 : i32
      %parallel_loop3A_33 = vector.broadcast %parallel_loop3A_32 : i32 to vector<16xi32>
      %parallel_loop3A_34 = tpu.vector_load_idx %arg5[%parallel_loop3A_33, %parallel_loop3A_24] : memref<2x10000xf32, #tpu.memory_space<vmem>>[vector<16xi32>, vector<16xi32>], vector<16xf32>,
      tpu.vector_store_idx %arg7[%parallel_loop3A_33, %parallel_loop3A_31], %parallel_loop3A_34 {add = true} : memref<2x10000xf32, #tpu.memory_space<vmem>>[vector<16xi32>, vector<16xi32>], vector<16xf32>,
      %parallel_loop3A_35 = arith.constant 1 : i32
      %parallel_loop3A_36 = vector.broadcast %parallel_loop3A_35 : i32 to vector<16xi32>
      %parallel_loop3A_37 = tpu.vector_load_idx %arg5[%parallel_loop3A_36, %parallel_loop3A_24] : memref<2x10000xf32, #tpu.memory_space<vmem>>[vector<16xi32>, vector<16xi32>], vector<16xf32>,
      tpu.vector_store_idx %arg7[%parallel_loop3A_36, %parallel_loop3A_31], %parallel_loop3A_37 {add = true} : memref<2x10000xf32, #tpu.memory_space<vmem>>[vector<16xi32>, vector<16xi32>], vector<16xf32>,
    } {sc.loop_unroll_factor = 8 : i64, sc.parallel_access}
    "tpu.region"() ({
      %run_scoped3A = tpu.sem_alloc : memref<!tpu.dma_semaphore, #tpu.memory_space<semaphore_mem>>
      %dma_start3A_17 = arith.constant 0 : i32
      %dma_start3A_18 = arith.constant 0 : i32
      %dma_start3A_19 = tpu.memref_slice %arg4[%add3A, %dma_start3A_17, %dma_start3A_18] : memref<32x2x10000xf32, #tpu.memory_space<hbm>> -> memref<1x2x10000xf32, #tpu.memory_space<hbm>>
      %dma_start3A_20 = tpu.memref_squeeze %dma_start3A_19 : memref<1x2x10000xf32, #tpu.memory_space<hbm>> -> memref<2x10000xf32, #tpu.memory_space<hbm>>
      %dma_start3A_21 = arith.constant 0 : i32
      %dma_start3A_22 = arith.constant 0 : i32
      %dma_start3A_23 = tpu.memref_slice %arg4[%add3A, %dma_start3A_21, %dma_start3A_22] : memref<32x2x10000xf32, #tpu.memory_space<hbm>> -> memref<1x2x10000xf32, #tpu.memory_space<hbm>>
      %dma_start3A_24 = tpu.memref_squeeze %dma_start3A_23 : memref<1x2x10000xf32, #tpu.memory_space<hbm>> -> memref<2x10000xf32, #tpu.memory_space<hbm>>
      tpu.enqueue_dma source(%arg7 : memref<2x10000xf32, #tpu.memory_space<vmem>>) target(%dma_start3A_24 : memref<2x10000xf32, #tpu.memory_space<hbm>>) target_semaphore(%run_scoped3A : memref<!tpu.dma_semaphore, #tpu.memory_space<semaphore_mem>>)
      %dma_wait3A_25 = arith.constant 0 : i32
      %dma_wait3A_26 = arith.constant 0 : i32
      %dma_wait3A_27 = tpu.memref_slice %arg4[%add3A, %dma_wait3A_25, %dma_wait3A_26] : memref<32x2x10000xf32, #tpu.memory_space<hbm>> -> memref<1x2x10000xf32, #tpu.memory_space<hbm>>
      %dma_wait3A_28 = tpu.memref_squeeze %dma_wait3A_27 : memref<1x2x10000xf32, #tpu.memory_space<hbm>> -> memref<2x10000xf32, #tpu.memory_space<hbm>>
      %dma_wait3A_29 = arith.constant 0 : i32
      %dma_wait3A_30 = arith.constant 0 : i32
      %dma_wait3A_31 = tpu.memref_slice %arg4[%add3A, %dma_wait3A_29, %dma_wait3A_30] : memref<32x2x10000xf32, #tpu.memory_space<hbm>> -> memref<1x2x10000xf32, #tpu.memory_space<hbm>>
      %dma_wait3A_32 = tpu.memref_squeeze %dma_wait3A_31 : memref<1x2x10000xf32, #tpu.memory_space<hbm>> -> memref<2x10000xf32, #tpu.memory_space<hbm>>
      tpu.wait_dma2 semaphore(%run_scoped3A : memref<!tpu.dma_semaphore, #tpu.memory_space<semaphore_mem>>) src(%arg7 : memref<2x10000xf32, #tpu.memory_space<vmem>>) dst(%dma_wait3A_32 : memref<2x10000xf32, #tpu.memory_space<hbm>>)
      tpu.yield
    }) : () -> ()
    return
  }
}

#map = affine_map<(d0, d1) -> (0, 0)>
#map1 = affine_map<(d0, d1) -> (0, 0, 0)>
module attributes {stable_mosaic.version = 14 : i64} {
  func.func @_prop_body(%arg0: i32, %arg1: i32, %arg2: memref<4x10000xf32, #tpu.memory_space<hbm>>, %arg3: memref<2x320000xi32, #tpu.memory_space<hbm>>, %arg4: memref<32x4x10000xf32, #tpu.memory_space<hbm>>, %arg5: memref<4x10000xf32, #tpu.memory_space<vmem>>, %arg6: memref<2x10112xi32, #tpu.memory_space<vmem>>, %arg7: memref<4x10000xf32, #tpu.memory_space<vmem>>, %arg8: memref<!tpu.dma_semaphore, #tpu.memory_space<semaphore_mem>>, %arg9: memref<!tpu.dma_semaphore, #tpu.memory_space<semaphore_mem>>) attributes {dimension_semantics = [#tpu.dimension_semantics<core_parallel>, #tpu.dimension_semantics<subcore_parallel>], iteration_bounds = array<i64: 2, 16>, scalar_prefetch = 0 : i64, scratch_operands = 5 : i64, tpu.core_type = #tpu.core_type<sc_vector_subcore>, window_params = [{transform_indices = #map}, {transform_indices = #map}, {transform_indices = #map1}]} {
    %mul3A = arith.constant 16 : i32
    %mul3A_0 = arith.muli %arg0, %mul3A : i32
    %add3A = arith.addi %mul3A_0, %arg1 : i32
    %rem3A = arith.constant 8 : i32
    %rem3A_1 = arith.remsi %add3A, %rem3A : i32
    %mul3A_2 = arith.constant 16 : i32
    %mul3A_3 = arith.muli %mul3A_2, %rem3A_1 : i32
    %mul3A_4 = arith.constant 10000 : i32
    %mul3A_5 = arith.muli %add3A, %mul3A_4 : i32
    %sub3A = arith.subi %mul3A_5, %mul3A_3 : i32
    %multiple_of3A = tpu.assume_multiple %sub3A, 128 : i32
    %dma_start3A = arith.constant 0 : i32
    %dma_start3A_6 = tpu.memref_slice %arg3[%dma_start3A, %multiple_of3A] : memref<2x320000xi32, #tpu.memory_space<hbm>> -> memref<2x10112xi32, #tpu.memory_space<hbm>>
    %dma_start3A_7 = arith.constant 0 : i32
    %dma_start3A_8 = tpu.memref_slice %arg3[%dma_start3A_7, %multiple_of3A] : memref<2x320000xi32, #tpu.memory_space<hbm>> -> memref<2x10112xi32, #tpu.memory_space<hbm>>
    tpu.enqueue_dma source(%dma_start3A_8 : memref<2x10112xi32, #tpu.memory_space<hbm>>) target(%arg6 : memref<2x10112xi32, #tpu.memory_space<vmem>>) target_semaphore(%arg8 : memref<!tpu.dma_semaphore, #tpu.memory_space<semaphore_mem>>)
    tpu.enqueue_dma source(%arg2 : memref<4x10000xf32, #tpu.memory_space<hbm>>) target(%arg5 : memref<4x10000xf32, #tpu.memory_space<vmem>>) target_semaphore(%arg9 : memref<!tpu.dma_semaphore, #tpu.memory_space<semaphore_mem>>)
    %parallel_loop3A = arith.constant 0 : i32
    %parallel_loop3A_9 = arith.constant 625 : i32
    %parallel_loop3A_10 = arith.constant 1 : i32
    scf.for %parallel_loop3A_17 = %parallel_loop3A to %parallel_loop3A_9 step %parallel_loop3A_10  : i32 {
      %parallel_loop3A_18 = arith.constant 0.000000e+00 : f32
      %parallel_loop3A_19 = vector.broadcast %parallel_loop3A_18 : f32 to vector<16xf32>
      %parallel_loop3A_20 = arith.constant 16 : i32
      %parallel_loop3A_21 = arith.muli %parallel_loop3A_17, %parallel_loop3A_20 : i32
      %parallel_loop3A_22 = arith.constant 0 : i32
      %parallel_loop3A_23 = arith.index_cast %parallel_loop3A_22 : i32 to index
      %parallel_loop3A_24 = arith.index_cast %parallel_loop3A_21 : i32 to index
      %parallel_loop3A_25 = tpu.vector_load %arg7[%parallel_loop3A_23, %parallel_loop3A_24] {strides = array<i32>} : memref<4x10000xf32, #tpu.memory_space<vmem>>, vector<16xf32>,
      tpu.vector_store %arg7[%parallel_loop3A_23, %parallel_loop3A_24], %parallel_loop3A_19 {strides = array<i32>} : memref<4x10000xf32, #tpu.memory_space<vmem>>, vector<16xf32>,
      %parallel_loop3A_26 = arith.constant 0.000000e+00 : f32
      %parallel_loop3A_27 = vector.broadcast %parallel_loop3A_26 : f32 to vector<16xf32>
      %parallel_loop3A_28 = arith.constant 16 : i32
      %parallel_loop3A_29 = arith.muli %parallel_loop3A_17, %parallel_loop3A_28 : i32
      %parallel_loop3A_30 = arith.constant 1 : i32
      %parallel_loop3A_31 = arith.index_cast %parallel_loop3A_30 : i32 to index
      %parallel_loop3A_32 = arith.index_cast %parallel_loop3A_29 : i32 to index
      %parallel_loop3A_33 = tpu.vector_load %arg7[%parallel_loop3A_31, %parallel_loop3A_32] {strides = array<i32>} : memref<4x10000xf32, #tpu.memory_space<vmem>>, vector<16xf32>,
      tpu.vector_store %arg7[%parallel_loop3A_31, %parallel_loop3A_32], %parallel_loop3A_27 {strides = array<i32>} : memref<4x10000xf32, #tpu.memory_space<vmem>>, vector<16xf32>,
      %parallel_loop3A_34 = arith.constant 0.000000e+00 : f32
      %parallel_loop3A_35 = vector.broadcast %parallel_loop3A_34 : f32 to vector<16xf32>
      %parallel_loop3A_36 = arith.constant 16 : i32
      %parallel_loop3A_37 = arith.muli %parallel_loop3A_17, %parallel_loop3A_36 : i32
      %parallel_loop3A_38 = arith.constant 2 : i32
      %parallel_loop3A_39 = arith.index_cast %parallel_loop3A_38 : i32 to index
      %parallel_loop3A_40 = arith.index_cast %parallel_loop3A_37 : i32 to index
      %parallel_loop3A_41 = tpu.vector_load %arg7[%parallel_loop3A_39, %parallel_loop3A_40] {strides = array<i32>} : memref<4x10000xf32, #tpu.memory_space<vmem>>, vector<16xf32>,
      tpu.vector_store %arg7[%parallel_loop3A_39, %parallel_loop3A_40], %parallel_loop3A_35 {strides = array<i32>} : memref<4x10000xf32, #tpu.memory_space<vmem>>, vector<16xf32>,
      %parallel_loop3A_42 = arith.constant 0.000000e+00 : f32
      %parallel_loop3A_43 = vector.broadcast %parallel_loop3A_42 : f32 to vector<16xf32>
      %parallel_loop3A_44 = arith.constant 16 : i32
      %parallel_loop3A_45 = arith.muli %parallel_loop3A_17, %parallel_loop3A_44 : i32
      %parallel_loop3A_46 = arith.constant 3 : i32
      %parallel_loop3A_47 = arith.index_cast %parallel_loop3A_46 : i32 to index
      %parallel_loop3A_48 = arith.index_cast %parallel_loop3A_45 : i32 to index
      %parallel_loop3A_49 = tpu.vector_load %arg7[%parallel_loop3A_47, %parallel_loop3A_48] {strides = array<i32>} : memref<4x10000xf32, #tpu.memory_space<vmem>>, vector<16xf32>,
      tpu.vector_store %arg7[%parallel_loop3A_47, %parallel_loop3A_48], %parallel_loop3A_43 {strides = array<i32>} : memref<4x10000xf32, #tpu.memory_space<vmem>>, vector<16xf32>,
    } {sc.loop_unroll_factor = 8 : i64, sc.parallel_access}
    %dma_wait3A = arith.constant 0 : i32
    %dma_wait3A_11 = tpu.memref_slice %arg3[%dma_wait3A, %multiple_of3A] : memref<2x320000xi32, #tpu.memory_space<hbm>> -> memref<2x10112xi32, #tpu.memory_space<hbm>>
    %dma_wait3A_12 = arith.constant 0 : i32
    %dma_wait3A_13 = tpu.memref_slice %arg3[%dma_wait3A_12, %multiple_of3A] : memref<2x320000xi32, #tpu.memory_space<hbm>> -> memref<2x10112xi32, #tpu.memory_space<hbm>>
    tpu.wait_dma2 semaphore(%arg8 : memref<!tpu.dma_semaphore, #tpu.memory_space<semaphore_mem>>) src(%dma_wait3A_13 : memref<2x10112xi32, #tpu.memory_space<hbm>>) dst(%arg6 : memref<2x10112xi32, #tpu.memory_space<vmem>>)
    tpu.wait_dma2 semaphore(%arg9 : memref<!tpu.dma_semaphore, #tpu.memory_space<semaphore_mem>>) src(%arg2 : memref<4x10000xf32, #tpu.memory_space<hbm>>) dst(%arg5 : memref<4x10000xf32, #tpu.memory_space<vmem>>)
    %parallel_loop3A_14 = arith.constant 0 : i32
    %parallel_loop3A_15 = arith.constant 625 : i32
    %parallel_loop3A_16 = arith.constant 1 : i32
    scf.for %parallel_loop3A_17 = %parallel_loop3A_14 to %parallel_loop3A_15 step %parallel_loop3A_16  : i32 {
      %parallel_loop3A_18 = arith.constant 16 : i32
      %parallel_loop3A_19 = arith.muli %parallel_loop3A_17, %parallel_loop3A_18 : i32
      %parallel_loop3A_20 = arith.addi %mul3A_3, %parallel_loop3A_19 : i32
      %parallel_loop3A_21 = arith.constant 0 : i32
      %parallel_loop3A_22 = arith.index_cast %parallel_loop3A_21 : i32 to index
      %parallel_loop3A_23 = arith.index_cast %parallel_loop3A_20 : i32 to index
      %parallel_loop3A_24 = tpu.vector_load %arg6[%parallel_loop3A_22, %parallel_loop3A_23] {strides = array<i32>} : memref<2x10112xi32, #tpu.memory_space<vmem>>, vector<16xi32>,
      %parallel_loop3A_25 = arith.constant 16 : i32
      %parallel_loop3A_26 = arith.muli %parallel_loop3A_17, %parallel_loop3A_25 : i32
      %parallel_loop3A_27 = arith.addi %mul3A_3, %parallel_loop3A_26 : i32
      %parallel_loop3A_28 = arith.constant 1 : i32
      %parallel_loop3A_29 = arith.index_cast %parallel_loop3A_28 : i32 to index
      %parallel_loop3A_30 = arith.index_cast %parallel_loop3A_27 : i32 to index
      %parallel_loop3A_31 = tpu.vector_load %arg6[%parallel_loop3A_29, %parallel_loop3A_30] {strides = array<i32>} : memref<2x10112xi32, #tpu.memory_space<vmem>>, vector<16xi32>,
      %parallel_loop3A_32 = arith.constant 0 : i32
      %parallel_loop3A_33 = vector.broadcast %parallel_loop3A_32 : i32 to vector<16xi32>
      %parallel_loop3A_34 = tpu.vector_load_idx %arg5[%parallel_loop3A_33, %parallel_loop3A_24] : memref<4x10000xf32, #tpu.memory_space<vmem>>[vector<16xi32>, vector<16xi32>], vector<16xf32>,
      tpu.vector_store_idx %arg7[%parallel_loop3A_33, %parallel_loop3A_31], %parallel_loop3A_34 {add = true} : memref<4x10000xf32, #tpu.memory_space<vmem>>[vector<16xi32>, vector<16xi32>], vector<16xf32>,
      %parallel_loop3A_35 = arith.constant 1 : i32
      %parallel_loop3A_36 = vector.broadcast %parallel_loop3A_35 : i32 to vector<16xi32>
      %parallel_loop3A_37 = tpu.vector_load_idx %arg5[%parallel_loop3A_36, %parallel_loop3A_24] : memref<4x10000xf32, #tpu.memory_space<vmem>>[vector<16xi32>, vector<16xi32>], vector<16xf32>,
      tpu.vector_store_idx %arg7[%parallel_loop3A_36, %parallel_loop3A_31], %parallel_loop3A_37 {add = true} : memref<4x10000xf32, #tpu.memory_space<vmem>>[vector<16xi32>, vector<16xi32>], vector<16xf32>,
      %parallel_loop3A_38 = arith.constant 2 : i32
      %parallel_loop3A_39 = vector.broadcast %parallel_loop3A_38 : i32 to vector<16xi32>
      %parallel_loop3A_40 = tpu.vector_load_idx %arg5[%parallel_loop3A_39, %parallel_loop3A_24] : memref<4x10000xf32, #tpu.memory_space<vmem>>[vector<16xi32>, vector<16xi32>], vector<16xf32>,
      tpu.vector_store_idx %arg7[%parallel_loop3A_39, %parallel_loop3A_31], %parallel_loop3A_40 {add = true} : memref<4x10000xf32, #tpu.memory_space<vmem>>[vector<16xi32>, vector<16xi32>], vector<16xf32>,
      %parallel_loop3A_41 = arith.constant 3 : i32
      %parallel_loop3A_42 = vector.broadcast %parallel_loop3A_41 : i32 to vector<16xi32>
      %parallel_loop3A_43 = tpu.vector_load_idx %arg5[%parallel_loop3A_42, %parallel_loop3A_24] : memref<4x10000xf32, #tpu.memory_space<vmem>>[vector<16xi32>, vector<16xi32>], vector<16xf32>,
      tpu.vector_store_idx %arg7[%parallel_loop3A_42, %parallel_loop3A_31], %parallel_loop3A_43 {add = true} : memref<4x10000xf32, #tpu.memory_space<vmem>>[vector<16xi32>, vector<16xi32>], vector<16xf32>,
    } {sc.loop_unroll_factor = 8 : i64, sc.parallel_access}
    "tpu.region"() ({
      %run_scoped3A = tpu.sem_alloc : memref<!tpu.dma_semaphore, #tpu.memory_space<semaphore_mem>>
      %dma_start3A_17 = arith.constant 0 : i32
      %dma_start3A_18 = arith.constant 0 : i32
      %dma_start3A_19 = tpu.memref_slice %arg4[%add3A, %dma_start3A_17, %dma_start3A_18] : memref<32x4x10000xf32, #tpu.memory_space<hbm>> -> memref<1x4x10000xf32, #tpu.memory_space<hbm>>
      %dma_start3A_20 = tpu.memref_squeeze %dma_start3A_19 : memref<1x4x10000xf32, #tpu.memory_space<hbm>> -> memref<4x10000xf32, #tpu.memory_space<hbm>>
      %dma_start3A_21 = arith.constant 0 : i32
      %dma_start3A_22 = arith.constant 0 : i32
      %dma_start3A_23 = tpu.memref_slice %arg4[%add3A, %dma_start3A_21, %dma_start3A_22] : memref<32x4x10000xf32, #tpu.memory_space<hbm>> -> memref<1x4x10000xf32, #tpu.memory_space<hbm>>
      %dma_start3A_24 = tpu.memref_squeeze %dma_start3A_23 : memref<1x4x10000xf32, #tpu.memory_space<hbm>> -> memref<4x10000xf32, #tpu.memory_space<hbm>>
      tpu.enqueue_dma source(%arg7 : memref<4x10000xf32, #tpu.memory_space<vmem>>) target(%dma_start3A_24 : memref<4x10000xf32, #tpu.memory_space<hbm>>) target_semaphore(%run_scoped3A : memref<!tpu.dma_semaphore, #tpu.memory_space<semaphore_mem>>)
      %dma_wait3A_25 = arith.constant 0 : i32
      %dma_wait3A_26 = arith.constant 0 : i32
      %dma_wait3A_27 = tpu.memref_slice %arg4[%add3A, %dma_wait3A_25, %dma_wait3A_26] : memref<32x4x10000xf32, #tpu.memory_space<hbm>> -> memref<1x4x10000xf32, #tpu.memory_space<hbm>>
      %dma_wait3A_28 = tpu.memref_squeeze %dma_wait3A_27 : memref<1x4x10000xf32, #tpu.memory_space<hbm>> -> memref<4x10000xf32, #tpu.memory_space<hbm>>
      %dma_wait3A_29 = arith.constant 0 : i32
      %dma_wait3A_30 = arith.constant 0 : i32
      %dma_wait3A_31 = tpu.memref_slice %arg4[%add3A, %dma_wait3A_29, %dma_wait3A_30] : memref<32x4x10000xf32, #tpu.memory_space<hbm>> -> memref<1x4x10000xf32, #tpu.memory_space<hbm>>
      %dma_wait3A_32 = tpu.memref_squeeze %dma_wait3A_31 : memref<1x4x10000xf32, #tpu.memory_space<hbm>> -> memref<4x10000xf32, #tpu.memory_space<hbm>>
      tpu.wait_dma2 semaphore(%run_scoped3A : memref<!tpu.dma_semaphore, #tpu.memory_space<semaphore_mem>>) src(%arg7 : memref<4x10000xf32, #tpu.memory_space<vmem>>) dst(%dma_wait3A_32 : memref<4x10000xf32, #tpu.memory_space<hbm>>)
      tpu.yield
    }) : () -> ()
    return
  }
}

#map = affine_map<(d0, d1) -> (0, 0)>
#map1 = affine_map<(d0, d1) -> (0, 0, 0)>
module attributes {stable_mosaic.version = 14 : i64} {
  func.func @_prop_body(%arg0: i32, %arg1: i32, %arg2: memref<2x10000xf32, #tpu.memory_space<hbm>>, %arg3: memref<2x320000xi32, #tpu.memory_space<hbm>>, %arg4: memref<32x2x10000xf32, #tpu.memory_space<hbm>>, %arg5: memref<2x10000xf32, #tpu.memory_space<vmem>>, %arg6: memref<2x10112xi32, #tpu.memory_space<vmem>>, %arg7: memref<2x10000xf32, #tpu.memory_space<vmem>>, %arg8: memref<!tpu.dma_semaphore, #tpu.memory_space<semaphore_mem>>, %arg9: memref<!tpu.dma_semaphore, #tpu.memory_space<semaphore_mem>>) attributes {dimension_semantics = [#tpu.dimension_semantics<core_parallel>, #tpu.dimension_semantics<subcore_parallel>], iteration_bounds = array<i64: 2, 16>, scalar_prefetch = 0 : i64, scratch_operands = 5 : i64, tpu.core_type = #tpu.core_type<sc_vector_subcore>, window_params = [{transform_indices = #map}, {transform_indices = #map}, {transform_indices = #map1}]} {
    %mul3A = arith.constant 16 : i32
    %mul3A_0 = arith.muli %arg0, %mul3A : i32
    %add3A = arith.addi %mul3A_0, %arg1 : i32
    %rem3A = arith.constant 8 : i32
    %rem3A_1 = arith.remsi %add3A, %rem3A : i32
    %mul3A_2 = arith.constant 16 : i32
    %mul3A_3 = arith.muli %mul3A_2, %rem3A_1 : i32
    %mul3A_4 = arith.constant 10000 : i32
    %mul3A_5 = arith.muli %add3A, %mul3A_4 : i32
    %sub3A = arith.subi %mul3A_5, %mul3A_3 : i32
    %multiple_of3A = tpu.assume_multiple %sub3A, 128 : i32
    %dma_start3A = arith.constant 0 : i32
    %dma_start3A_6 = tpu.memref_slice %arg3[%dma_start3A, %multiple_of3A] : memref<2x320000xi32, #tpu.memory_space<hbm>> -> memref<2x10112xi32, #tpu.memory_space<hbm>>
    %dma_start3A_7 = arith.constant 0 : i32
    %dma_start3A_8 = tpu.memref_slice %arg3[%dma_start3A_7, %multiple_of3A] : memref<2x320000xi32, #tpu.memory_space<hbm>> -> memref<2x10112xi32, #tpu.memory_space<hbm>>
    tpu.enqueue_dma source(%dma_start3A_8 : memref<2x10112xi32, #tpu.memory_space<hbm>>) target(%arg6 : memref<2x10112xi32, #tpu.memory_space<vmem>>) target_semaphore(%arg8 : memref<!tpu.dma_semaphore, #tpu.memory_space<semaphore_mem>>)
    tpu.enqueue_dma source(%arg2 : memref<2x10000xf32, #tpu.memory_space<hbm>>) target(%arg5 : memref<2x10000xf32, #tpu.memory_space<vmem>>) target_semaphore(%arg9 : memref<!tpu.dma_semaphore, #tpu.memory_space<semaphore_mem>>)
    %parallel_loop3A = arith.constant 0 : i32
    %parallel_loop3A_9 = arith.constant 625 : i32
    %parallel_loop3A_10 = arith.constant 1 : i32
    scf.for %parallel_loop3A_17 = %parallel_loop3A to %parallel_loop3A_9 step %parallel_loop3A_10  : i32 {
      %parallel_loop3A_18 = arith.constant 0.000000e+00 : f32
      %parallel_loop3A_19 = vector.broadcast %parallel_loop3A_18 : f32 to vector<16xf32>
      %parallel_loop3A_20 = arith.constant 16 : i32
      %parallel_loop3A_21 = arith.muli %parallel_loop3A_17, %parallel_loop3A_20 : i32
      %parallel_loop3A_22 = arith.constant 0 : i32
      %parallel_loop3A_23 = arith.index_cast %parallel_loop3A_22 : i32 to index
      %parallel_loop3A_24 = arith.index_cast %parallel_loop3A_21 : i32 to index
      %parallel_loop3A_25 = tpu.vector_load %arg7[%parallel_loop3A_23, %parallel_loop3A_24] {strides = array<i32>} : memref<2x10000xf32, #tpu.memory_space<vmem>>, vector<16xf32>,
      tpu.vector_store %arg7[%parallel_loop3A_23, %parallel_loop3A_24], %parallel_loop3A_19 {strides = array<i32>} : memref<2x10000xf32, #tpu.memory_space<vmem>>, vector<16xf32>,
      %parallel_loop3A_26 = arith.constant 0.000000e+00 : f32
      %parallel_loop3A_27 = vector.broadcast %parallel_loop3A_26 : f32 to vector<16xf32>
      %parallel_loop3A_28 = arith.constant 16 : i32
      %parallel_loop3A_29 = arith.muli %parallel_loop3A_17, %parallel_loop3A_28 : i32
      %parallel_loop3A_30 = arith.constant 1 : i32
      %parallel_loop3A_31 = arith.index_cast %parallel_loop3A_30 : i32 to index
      %parallel_loop3A_32 = arith.index_cast %parallel_loop3A_29 : i32 to index
      %parallel_loop3A_33 = tpu.vector_load %arg7[%parallel_loop3A_31, %parallel_loop3A_32] {strides = array<i32>} : memref<2x10000xf32, #tpu.memory_space<vmem>>, vector<16xf32>,
      tpu.vector_store %arg7[%parallel_loop3A_31, %parallel_loop3A_32], %parallel_loop3A_27 {strides = array<i32>} : memref<2x10000xf32, #tpu.memory_space<vmem>>, vector<16xf32>,
    } {sc.loop_unroll_factor = 8 : i64, sc.parallel_access}
    %dma_wait3A = arith.constant 0 : i32
    %dma_wait3A_11 = tpu.memref_slice %arg3[%dma_wait3A, %multiple_of3A] : memref<2x320000xi32, #tpu.memory_space<hbm>> -> memref<2x10112xi32, #tpu.memory_space<hbm>>
    %dma_wait3A_12 = arith.constant 0 : i32
    %dma_wait3A_13 = tpu.memref_slice %arg3[%dma_wait3A_12, %multiple_of3A] : memref<2x320000xi32, #tpu.memory_space<hbm>> -> memref<2x10112xi32, #tpu.memory_space<hbm>>
    tpu.wait_dma2 semaphore(%arg8 : memref<!tpu.dma_semaphore, #tpu.memory_space<semaphore_mem>>) src(%dma_wait3A_13 : memref<2x10112xi32, #tpu.memory_space<hbm>>) dst(%arg6 : memref<2x10112xi32, #tpu.memory_space<vmem>>)
    tpu.wait_dma2 semaphore(%arg9 : memref<!tpu.dma_semaphore, #tpu.memory_space<semaphore_mem>>) src(%arg2 : memref<2x10000xf32, #tpu.memory_space<hbm>>) dst(%arg5 : memref<2x10000xf32, #tpu.memory_space<vmem>>)
    %parallel_loop3A_14 = arith.constant 0 : i32
    %parallel_loop3A_15 = arith.constant 625 : i32
    %parallel_loop3A_16 = arith.constant 1 : i32
    scf.for %parallel_loop3A_17 = %parallel_loop3A_14 to %parallel_loop3A_15 step %parallel_loop3A_16  : i32 {
      %parallel_loop3A_18 = arith.constant 16 : i32
      %parallel_loop3A_19 = arith.muli %parallel_loop3A_17, %parallel_loop3A_18 : i32
      %parallel_loop3A_20 = arith.addi %mul3A_3, %parallel_loop3A_19 : i32
      %parallel_loop3A_21 = arith.constant 0 : i32
      %parallel_loop3A_22 = arith.index_cast %parallel_loop3A_21 : i32 to index
      %parallel_loop3A_23 = arith.index_cast %parallel_loop3A_20 : i32 to index
      %parallel_loop3A_24 = tpu.vector_load %arg6[%parallel_loop3A_22, %parallel_loop3A_23] {strides = array<i32>} : memref<2x10112xi32, #tpu.memory_space<vmem>>, vector<16xi32>,
      %parallel_loop3A_25 = arith.constant 16 : i32
      %parallel_loop3A_26 = arith.muli %parallel_loop3A_17, %parallel_loop3A_25 : i32
      %parallel_loop3A_27 = arith.addi %mul3A_3, %parallel_loop3A_26 : i32
      %parallel_loop3A_28 = arith.constant 1 : i32
      %parallel_loop3A_29 = arith.index_cast %parallel_loop3A_28 : i32 to index
      %parallel_loop3A_30 = arith.index_cast %parallel_loop3A_27 : i32 to index
      %parallel_loop3A_31 = tpu.vector_load %arg6[%parallel_loop3A_29, %parallel_loop3A_30] {strides = array<i32>} : memref<2x10112xi32, #tpu.memory_space<vmem>>, vector<16xi32>,
      %parallel_loop3A_32 = arith.constant 0 : i32
      %parallel_loop3A_33 = vector.broadcast %parallel_loop3A_32 : i32 to vector<16xi32>
      %parallel_loop3A_34 = tpu.vector_load_idx %arg5[%parallel_loop3A_33, %parallel_loop3A_24] : memref<2x10000xf32, #tpu.memory_space<vmem>>[vector<16xi32>, vector<16xi32>], vector<16xf32>,
      tpu.vector_store_idx %arg7[%parallel_loop3A_33, %parallel_loop3A_31], %parallel_loop3A_34 {add = true} : memref<2x10000xf32, #tpu.memory_space<vmem>>[vector<16xi32>, vector<16xi32>], vector<16xf32>,
      %parallel_loop3A_35 = arith.constant 1 : i32
      %parallel_loop3A_36 = vector.broadcast %parallel_loop3A_35 : i32 to vector<16xi32>
      %parallel_loop3A_37 = tpu.vector_load_idx %arg5[%parallel_loop3A_36, %parallel_loop3A_24] : memref<2x10000xf32, #tpu.memory_space<vmem>>[vector<16xi32>, vector<16xi32>], vector<16xf32>,
      tpu.vector_store_idx %arg7[%parallel_loop3A_36, %parallel_loop3A_31], %parallel_loop3A_37 {add = true} : memref<2x10000xf32, #tpu.memory_space<vmem>>[vector<16xi32>, vector<16xi32>], vector<16xf32>,
    } {sc.loop_unroll_factor = 8 : i64, sc.parallel_access}
    "tpu.region"() ({
      %run_scoped3A = tpu.sem_alloc : memref<!tpu.dma_semaphore, #tpu.memory_space<semaphore_mem>>
      %dma_start3A_17 = arith.constant 0 : i32
      %dma_start3A_18 = arith.constant 0 : i32
      %dma_start3A_19 = tpu.memref_slice %arg4[%add3A, %dma_start3A_17, %dma_start3A_18] : memref<32x2x10000xf32, #tpu.memory_space<hbm>> -> memref<1x2x10000xf32, #tpu.memory_space<hbm>>
      %dma_start3A_20 = tpu.memref_squeeze %dma_start3A_19 : memref<1x2x10000xf32, #tpu.memory_space<hbm>> -> memref<2x10000xf32, #tpu.memory_space<hbm>>
      %dma_start3A_21 = arith.constant 0 : i32
      %dma_start3A_22 = arith.constant 0 : i32
      %dma_start3A_23 = tpu.memref_slice %arg4[%add3A, %dma_start3A_21, %dma_start3A_22] : memref<32x2x10000xf32, #tpu.memory_space<hbm>> -> memref<1x2x10000xf32, #tpu.memory_space<hbm>>
      %dma_start3A_24 = tpu.memref_squeeze %dma_start3A_23 : memref<1x2x10000xf32, #tpu.memory_space<hbm>> -> memref<2x10000xf32, #tpu.memory_space<hbm>>
      tpu.enqueue_dma source(%arg7 : memref<2x10000xf32, #tpu.memory_space<vmem>>) target(%dma_start3A_24 : memref<2x10000xf32, #tpu.memory_space<hbm>>) target_semaphore(%run_scoped3A : memref<!tpu.dma_semaphore, #tpu.memory_space<semaphore_mem>>)
      %dma_wait3A_25 = arith.constant 0 : i32
      %dma_wait3A_26 = arith.constant 0 : i32
      %dma_wait3A_27 = tpu.memref_slice %arg4[%add3A, %dma_wait3A_25, %dma_wait3A_26] : memref<32x2x10000xf32, #tpu.memory_space<hbm>> -> memref<1x2x10000xf32, #tpu.memory_space<hbm>>
      %dma_wait3A_28 = tpu.memref_squeeze %dma_wait3A_27 : memref<1x2x10000xf32, #tpu.memory_space<hbm>> -> memref<2x10000xf32, #tpu.memory_space<hbm>>
      %dma_wait3A_29 = arith.constant 0 : i32
      %dma_wait3A_30 = arith.constant 0 : i32
      %dma_wait3A_31 = tpu.memref_slice %arg4[%add3A, %dma_wait3A_29, %dma_wait3A_30] : memref<32x2x10000xf32, #tpu.memory_space<hbm>> -> memref<1x2x10000xf32, #tpu.memory_space<hbm>>
      %dma_wait3A_32 = tpu.memref_squeeze %dma_wait3A_31 : memref<1x2x10000xf32, #tpu.memory_space<hbm>> -> memref<2x10000xf32, #tpu.memory_space<hbm>>
      tpu.wait_dma2 semaphore(%run_scoped3A : memref<!tpu.dma_semaphore, #tpu.memory_space<semaphore_mem>>) src(%arg7 : memref<2x10000xf32, #tpu.memory_space<vmem>>) dst(%dma_wait3A_32 : memref<2x10000xf32, #tpu.memory_space<hbm>>)
      tpu.yield
    }) : () -> ()
    return
  }
}

#map = affine_map<(d0, d1) -> (0, 0)>
#map1 = affine_map<(d0, d1) -> (0, 0, 0)>
module attributes {stable_mosaic.version = 14 : i64} {
  func.func @_prop_body(%arg0: i32, %arg1: i32, %arg2: memref<2x10000xf32, #tpu.memory_space<hbm>>, %arg3: memref<2x320000xi32, #tpu.memory_space<hbm>>, %arg4: memref<32x2x10000xf32, #tpu.memory_space<hbm>>, %arg5: memref<2x10000xf32, #tpu.memory_space<vmem>>, %arg6: memref<2x10112xi32, #tpu.memory_space<vmem>>, %arg7: memref<2x10000xf32, #tpu.memory_space<vmem>>, %arg8: memref<!tpu.dma_semaphore, #tpu.memory_space<semaphore_mem>>, %arg9: memref<!tpu.dma_semaphore, #tpu.memory_space<semaphore_mem>>) attributes {dimension_semantics = [#tpu.dimension_semantics<core_parallel>, #tpu.dimension_semantics<subcore_parallel>], iteration_bounds = array<i64: 2, 16>, scalar_prefetch = 0 : i64, scratch_operands = 5 : i64, tpu.core_type = #tpu.core_type<sc_vector_subcore>, window_params = [{transform_indices = #map}, {transform_indices = #map}, {transform_indices = #map1}]} {
    %mul3A = arith.constant 16 : i32
    %mul3A_0 = arith.muli %arg0, %mul3A : i32
    %add3A = arith.addi %mul3A_0, %arg1 : i32
    %rem3A = arith.constant 8 : i32
    %rem3A_1 = arith.remsi %add3A, %rem3A : i32
    %mul3A_2 = arith.constant 16 : i32
    %mul3A_3 = arith.muli %mul3A_2, %rem3A_1 : i32
    %mul3A_4 = arith.constant 10000 : i32
    %mul3A_5 = arith.muli %add3A, %mul3A_4 : i32
    %sub3A = arith.subi %mul3A_5, %mul3A_3 : i32
    %multiple_of3A = tpu.assume_multiple %sub3A, 128 : i32
    %dma_start3A = arith.constant 0 : i32
    %dma_start3A_6 = tpu.memref_slice %arg3[%dma_start3A, %multiple_of3A] : memref<2x320000xi32, #tpu.memory_space<hbm>> -> memref<2x10112xi32, #tpu.memory_space<hbm>>
    %dma_start3A_7 = arith.constant 0 : i32
    %dma_start3A_8 = tpu.memref_slice %arg3[%dma_start3A_7, %multiple_of3A] : memref<2x320000xi32, #tpu.memory_space<hbm>> -> memref<2x10112xi32, #tpu.memory_space<hbm>>
    tpu.enqueue_dma source(%dma_start3A_8 : memref<2x10112xi32, #tpu.memory_space<hbm>>) target(%arg6 : memref<2x10112xi32, #tpu.memory_space<vmem>>) target_semaphore(%arg8 : memref<!tpu.dma_semaphore, #tpu.memory_space<semaphore_mem>>)
    tpu.enqueue_dma source(%arg2 : memref<2x10000xf32, #tpu.memory_space<hbm>>) target(%arg5 : memref<2x10000xf32, #tpu.memory_space<vmem>>) target_semaphore(%arg9 : memref<!tpu.dma_semaphore, #tpu.memory_space<semaphore_mem>>)
    %parallel_loop3A = arith.constant 0 : i32
    %parallel_loop3A_9 = arith.constant 625 : i32
    %parallel_loop3A_10 = arith.constant 1 : i32
    scf.for %parallel_loop3A_17 = %parallel_loop3A to %parallel_loop3A_9 step %parallel_loop3A_10  : i32 {
      %parallel_loop3A_18 = arith.constant 0.000000e+00 : f32
      %parallel_loop3A_19 = vector.broadcast %parallel_loop3A_18 : f32 to vector<16xf32>
      %parallel_loop3A_20 = arith.constant 16 : i32
      %parallel_loop3A_21 = arith.muli %parallel_loop3A_17, %parallel_loop3A_20 : i32
      %parallel_loop3A_22 = arith.constant 0 : i32
      %parallel_loop3A_23 = arith.index_cast %parallel_loop3A_22 : i32 to index
      %parallel_loop3A_24 = arith.index_cast %parallel_loop3A_21 : i32 to index
      %parallel_loop3A_25 = tpu.vector_load %arg7[%parallel_loop3A_23, %parallel_loop3A_24] {strides = array<i32>} : memref<2x10000xf32, #tpu.memory_space<vmem>>, vector<16xf32>,
      tpu.vector_store %arg7[%parallel_loop3A_23, %parallel_loop3A_24], %parallel_loop3A_19 {strides = array<i32>} : memref<2x10000xf32, #tpu.memory_space<vmem>>, vector<16xf32>,
      %parallel_loop3A_26 = arith.constant 0.000000e+00 : f32
      %parallel_loop3A_27 = vector.broadcast %parallel_loop3A_26 : f32 to vector<16xf32>
      %parallel_loop3A_28 = arith.constant 16 : i32
      %parallel_loop3A_29 = arith.muli %parallel_loop3A_17, %parallel_loop3A_28 : i32
      %parallel_loop3A_30 = arith.constant 1 : i32
      %parallel_loop3A_31 = arith.index_cast %parallel_loop3A_30 : i32 to index
      %parallel_loop3A_32 = arith.index_cast %parallel_loop3A_29 : i32 to index
      %parallel_loop3A_33 = tpu.vector_load %arg7[%parallel_loop3A_31, %parallel_loop3A_32] {strides = array<i32>} : memref<2x10000xf32, #tpu.memory_space<vmem>>, vector<16xf32>,
      tpu.vector_store %arg7[%parallel_loop3A_31, %parallel_loop3A_32], %parallel_loop3A_27 {strides = array<i32>} : memref<2x10000xf32, #tpu.memory_space<vmem>>, vector<16xf32>,
    } {sc.loop_unroll_factor = 8 : i64, sc.parallel_access}
    %dma_wait3A = arith.constant 0 : i32
    %dma_wait3A_11 = tpu.memref_slice %arg3[%dma_wait3A, %multiple_of3A] : memref<2x320000xi32, #tpu.memory_space<hbm>> -> memref<2x10112xi32, #tpu.memory_space<hbm>>
    %dma_wait3A_12 = arith.constant 0 : i32
    %dma_wait3A_13 = tpu.memref_slice %arg3[%dma_wait3A_12, %multiple_of3A] : memref<2x320000xi32, #tpu.memory_space<hbm>> -> memref<2x10112xi32, #tpu.memory_space<hbm>>
    tpu.wait_dma2 semaphore(%arg8 : memref<!tpu.dma_semaphore, #tpu.memory_space<semaphore_mem>>) src(%dma_wait3A_13 : memref<2x10112xi32, #tpu.memory_space<hbm>>) dst(%arg6 : memref<2x10112xi32, #tpu.memory_space<vmem>>)
    tpu.wait_dma2 semaphore(%arg9 : memref<!tpu.dma_semaphore, #tpu.memory_space<semaphore_mem>>) src(%arg2 : memref<2x10000xf32, #tpu.memory_space<hbm>>) dst(%arg5 : memref<2x10000xf32, #tpu.memory_space<vmem>>)
    %parallel_loop3A_14 = arith.constant 0 : i32
    %parallel_loop3A_15 = arith.constant 625 : i32
    %parallel_loop3A_16 = arith.constant 1 : i32
    scf.for %parallel_loop3A_17 = %parallel_loop3A_14 to %parallel_loop3A_15 step %parallel_loop3A_16  : i32 {
      %parallel_loop3A_18 = arith.constant 16 : i32
      %parallel_loop3A_19 = arith.muli %parallel_loop3A_17, %parallel_loop3A_18 : i32
      %parallel_loop3A_20 = arith.addi %mul3A_3, %parallel_loop3A_19 : i32
      %parallel_loop3A_21 = arith.constant 0 : i32
      %parallel_loop3A_22 = arith.index_cast %parallel_loop3A_21 : i32 to index
      %parallel_loop3A_23 = arith.index_cast %parallel_loop3A_20 : i32 to index
      %parallel_loop3A_24 = tpu.vector_load %arg6[%parallel_loop3A_22, %parallel_loop3A_23] {strides = array<i32>} : memref<2x10112xi32, #tpu.memory_space<vmem>>, vector<16xi32>,
      %parallel_loop3A_25 = arith.constant 16 : i32
      %parallel_loop3A_26 = arith.muli %parallel_loop3A_17, %parallel_loop3A_25 : i32
      %parallel_loop3A_27 = arith.addi %mul3A_3, %parallel_loop3A_26 : i32
      %parallel_loop3A_28 = arith.constant 1 : i32
      %parallel_loop3A_29 = arith.index_cast %parallel_loop3A_28 : i32 to index
      %parallel_loop3A_30 = arith.index_cast %parallel_loop3A_27 : i32 to index
      %parallel_loop3A_31 = tpu.vector_load %arg6[%parallel_loop3A_29, %parallel_loop3A_30] {strides = array<i32>} : memref<2x10112xi32, #tpu.memory_space<vmem>>, vector<16xi32>,
      %parallel_loop3A_32 = arith.constant 0 : i32
      %parallel_loop3A_33 = vector.broadcast %parallel_loop3A_32 : i32 to vector<16xi32>
      %parallel_loop3A_34 = tpu.vector_load_idx %arg5[%parallel_loop3A_33, %parallel_loop3A_24] : memref<2x10000xf32, #tpu.memory_space<vmem>>[vector<16xi32>, vector<16xi32>], vector<16xf32>,
      tpu.vector_store_idx %arg7[%parallel_loop3A_33, %parallel_loop3A_31], %parallel_loop3A_34 {add = true} : memref<2x10000xf32, #tpu.memory_space<vmem>>[vector<16xi32>, vector<16xi32>], vector<16xf32>,
      %parallel_loop3A_35 = arith.constant 1 : i32
      %parallel_loop3A_36 = vector.broadcast %parallel_loop3A_35 : i32 to vector<16xi32>
      %parallel_loop3A_37 = tpu.vector_load_idx %arg5[%parallel_loop3A_36, %parallel_loop3A_24] : memref<2x10000xf32, #tpu.memory_space<vmem>>[vector<16xi32>, vector<16xi32>], vector<16xf32>,
      tpu.vector_store_idx %arg7[%parallel_loop3A_36, %parallel_loop3A_31], %parallel_loop3A_37 {add = true} : memref<2x10000xf32, #tpu.memory_space<vmem>>[vector<16xi32>, vector<16xi32>], vector<16xf32>,
    } {sc.loop_unroll_factor = 8 : i64, sc.parallel_access}
    "tpu.region"() ({
      %run_scoped3A = tpu.sem_alloc : memref<!tpu.dma_semaphore, #tpu.memory_space<semaphore_mem>>
      %dma_start3A_17 = arith.constant 0 : i32
      %dma_start3A_18 = arith.constant 0 : i32
      %dma_start3A_19 = tpu.memref_slice %arg4[%add3A, %dma_start3A_17, %dma_start3A_18] : memref<32x2x10000xf32, #tpu.memory_space<hbm>> -> memref<1x2x10000xf32, #tpu.memory_space<hbm>>
      %dma_start3A_20 = tpu.memref_squeeze %dma_start3A_19 : memref<1x2x10000xf32, #tpu.memory_space<hbm>> -> memref<2x10000xf32, #tpu.memory_space<hbm>>
      %dma_start3A_21 = arith.constant 0 : i32
      %dma_start3A_22 = arith.constant 0 : i32
      %dma_start3A_23 = tpu.memref_slice %arg4[%add3A, %dma_start3A_21, %dma_start3A_22] : memref<32x2x10000xf32, #tpu.memory_space<hbm>> -> memref<1x2x10000xf32, #tpu.memory_space<hbm>>
      %dma_start3A_24 = tpu.memref_squeeze %dma_start3A_23 : memref<1x2x10000xf32, #tpu.memory_space<hbm>> -> memref<2x10000xf32, #tpu.memory_space<hbm>>
      tpu.enqueue_dma source(%arg7 : memref<2x10000xf32, #tpu.memory_space<vmem>>) target(%dma_start3A_24 : memref<2x10000xf32, #tpu.memory_space<hbm>>) target_semaphore(%run_scoped3A : memref<!tpu.dma_semaphore, #tpu.memory_space<semaphore_mem>>)
      %dma_wait3A_25 = arith.constant 0 : i32
      %dma_wait3A_26 = arith.constant 0 : i32
      %dma_wait3A_27 = tpu.memref_slice %arg4[%add3A, %dma_wait3A_25, %dma_wait3A_26] : memref<32x2x10000xf32, #tpu.memory_space<hbm>> -> memref<1x2x10000xf32, #tpu.memory_space<hbm>>
      %dma_wait3A_28 = tpu.memref_squeeze %dma_wait3A_27 : memref<1x2x10000xf32, #tpu.memory_space<hbm>> -> memref<2x10000xf32, #tpu.memory_space<hbm>>
      %dma_wait3A_29 = arith.constant 0 : i32
      %dma_wait3A_30 = arith.constant 0 : i32
      %dma_wait3A_31 = tpu.memref_slice %arg4[%add3A, %dma_wait3A_29, %dma_wait3A_30] : memref<32x2x10000xf32, #tpu.memory_space<hbm>> -> memref<1x2x10000xf32, #tpu.memory_space<hbm>>
      %dma_wait3A_32 = tpu.memref_squeeze %dma_wait3A_31 : memref<1x2x10000xf32, #tpu.memory_space<hbm>> -> memref<2x10000xf32, #tpu.memory_space<hbm>>
      tpu.wait_dma2 semaphore(%run_scoped3A : memref<!tpu.dma_semaphore, #tpu.memory_space<semaphore_mem>>) src(%arg7 : memref<2x10000xf32, #tpu.memory_space<vmem>>) dst(%dma_wait3A_32 : memref<2x10000xf32, #tpu.memory_space<hbm>>)
      tpu.yield
    }) : () -> ()
    return
  }
}

module attributes {stable_mosaic.version = 14 : i64} {
  func.func @_t2_body(%arg0: memref<32x4x10000xf32, #tpu.memory_space<vmem>>, %arg1: memref<4x10000xf32, #tpu.memory_space<vmem>>, %arg2: memref<1x10000xf32, #tpu.memory_space<vmem>>, %arg3: memref<2x4xf32, #tpu.memory_space<vmem>>, %arg4: memref<4x1xf32, #tpu.memory_space<vmem>>, %arg5: memref<2x10000xf32, #tpu.memory_space<vmem>>) attributes {dimension_semantics = [], scalar_prefetch = 0 : i64, scratch_operands = 0 : i64, tpu.core_type = #tpu.core_type<tc>} {
    %get3A = arith.constant 0 : index
    %get3A_0 = arith.constant 0 : index
    %get3A_1 = arith.constant 0 : index
    %get3A_2 = vector.load %arg0[%get3A, %get3A_0, %get3A_1] : memref<32x4x10000xf32, #tpu.memory_space<vmem>>, vector<32x4x10000xf32>
    %reduce_sum3A = arith.constant dense<0.000000e+00> : vector<4x10000xf32>
    %reduce_sum3A_3 = vector.multi_reduction <add>, %get3A_2, %reduce_sum3A [0] : vector<32x4x10000xf32> to vector<4x10000xf32>
    %get3A_4 = arith.constant 0 : index
    %get3A_5 = arith.constant 0 : index
    %get3A_6 = vector.load %arg1[%get3A_4, %get3A_5] : memref<4x10000xf32, #tpu.memory_space<vmem>>, vector<4x10000xf32>
    %add3A = arith.addf %reduce_sum3A_3, %get3A_6 : vector<4x10000xf32>
    %get3A_7 = arith.constant 0 : index
    %get3A_8 = arith.constant 0 : index
    %get3A_9 = vector.load %arg2[%get3A_7, %get3A_8] : memref<1x10000xf32, #tpu.memory_space<vmem>>, vector<1x10000xf32>
    %mul3A = vector.broadcast %get3A_9 : vector<1x10000xf32> to vector<4x10000xf32>
    %mul3A_10 = arith.mulf %add3A, %mul3A : vector<4x10000xf32>
    %get3A_11 = arith.constant 0 : index
    %get3A_12 = arith.constant 0 : index
    %get3A_13 = vector.load %arg4[%get3A_11, %get3A_12] : memref<4x1xf32, #tpu.memory_space<vmem>>, vector<4x1xf32>
    %add3A_14 = vector.broadcast %get3A_13 : vector<4x1xf32> to vector<4x10000xf32>
    %add3A_15 = arith.addf %mul3A_10, %add3A_14 : vector<4x10000xf32>
    %max3A = arith.constant 0.000000e+00 : f32
    %max3A_16 = vector.broadcast %max3A : f32 to vector<4x10000xf32>
    %max3A_17 = arith.maximumf %add3A_15, %max3A_16 : vector<4x10000xf32>
    %get3A_18 = arith.constant 0 : index
    %get3A_19 = arith.constant 0 : index
    %get3A_20 = vector.load %arg3[%get3A_18, %get3A_19] : memref<2x4xf32, #tpu.memory_space<vmem>>, vector<2x4xf32>
    %dot_general3A = arith.constant dense<0.000000e+00> : vector<2x10000xf32>
    %dot_general3A_21 = tpu.matmul %get3A_20, %max3A_17, %dot_general3A {dimension_numbers = #tpu.dot_dimension_numbers<[1], [0], [0], [1], [0, 0, 1, 1], [], []>, transpose_lhs_hint = false} : vector<2x4xf32>, vector<4x10000xf32>, vector<2x10000xf32> -> vector<2x10000xf32>
    %get3A_22 = arith.constant 0 : index
    %get3A_23 = arith.constant 0 : index
    %get3A_24 = vector.load %arg2[%get3A_22, %get3A_23] : memref<1x10000xf32, #tpu.memory_space<vmem>>, vector<1x10000xf32>
    %mul3A_25 = vector.broadcast %get3A_24 : vector<1x10000xf32> to vector<2x10000xf32>
    %mul3A_26 = arith.mulf %dot_general3A_21, %mul3A_25 : vector<2x10000xf32>
    %swap3A = arith.constant 0 : index
    %swap3A_27 = arith.constant 0 : index
    %swap3A_28 = vector.load %arg5[%swap3A, %swap3A_27] : memref<2x10000xf32, #tpu.memory_space<vmem>>, vector<2x10000xf32>
    tpu.vector_store %arg5[%swap3A, %swap3A_27], %mul3A_26 {strides = array<i32>} : memref<2x10000xf32, #tpu.memory_space<vmem>>, vector<2x10000xf32>,
    return
  }
}

module attributes {stable_mosaic.version = 14 : i64} {
  func.func @_t1a_body(%arg0: memref<10000x128xf32, #tpu.memory_space<vmem>>, %arg1: memref<4x128xf32, #tpu.memory_space<vmem>>, %arg2: memref<4x10000xf32, #tpu.memory_space<vmem>>) attributes {dimension_semantics = [], scalar_prefetch = 0 : i64, scratch_operands = 0 : i64, tpu.core_type = #tpu.core_type<tc>} {
    %get3A = arith.constant 0 : index
    %get3A_0 = arith.constant 0 : index
    %get3A_1 = vector.load %arg1[%get3A, %get3A_0] : memref<4x128xf32, #tpu.memory_space<vmem>>, vector<4x128xf32>
    %get3A_2 = arith.constant 0 : index
    %get3A_3 = arith.constant 0 : index
    %get3A_4 = vector.load %arg0[%get3A_2, %get3A_3] : memref<10000x128xf32, #tpu.memory_space<vmem>>, vector<10000x128xf32>
    %dot_general3A = arith.constant dense<0.000000e+00> : vector<4x10000xf32>
    %dot_general3A_5 = tpu.matmul %get3A_1, %get3A_4, %dot_general3A {dimension_numbers = #tpu.dot_dimension_numbers<[1], [1], [0], [0], [0, 0, 1, 0], [], []>, transpose_lhs_hint = false} : vector<4x128xf32>, vector<10000x128xf32>, vector<4x10000xf32> -> vector<4x10000xf32>
    %swap3A = arith.constant 0 : index
    %swap3A_6 = arith.constant 0 : index
    %swap3A_7 = vector.load %arg2[%swap3A, %swap3A_6] : memref<4x10000xf32, #tpu.memory_space<vmem>>, vector<4x10000xf32>
    tpu.vector_store %arg2[%swap3A, %swap3A_6], %dot_general3A_5 {strides = array<i32>} : memref<4x10000xf32, #tpu.memory_space<vmem>>, vector<4x10000xf32>,
    return
  }
}

module attributes {stable_mosaic.version = 14 : i64} {
  func.func @_t1b_body(%arg0: memref<32x10000xf32, #tpu.memory_space<vmem>>, %arg1: memref<4x10000xf32, #tpu.memory_space<vmem>>, %arg2: memref<1x10000xf32, #tpu.memory_space<vmem>>, %arg3: memref<4x10000xf32, #tpu.memory_space<vmem>>) attributes {dimension_semantics = [], scalar_prefetch = 0 : i64, scratch_operands = 0 : i64, tpu.core_type = #tpu.core_type<tc>} {
    %get3A = arith.constant 0 : index
    %get3A_0 = arith.constant 0 : index
    %get3A_1 = vector.load %arg0[%get3A, %get3A_0] : memref<32x10000xf32, #tpu.memory_space<vmem>>, vector<32x10000xf32>
    %reduce_sum3A = arith.constant dense<0.000000e+00> : vector<10000xf32>
    %reduce_sum3A_2 = vector.multi_reduction <add>, %get3A_1, %reduce_sum3A [0] : vector<32x10000xf32> to vector<10000xf32>
    %broadcast_in_dim3A = vector.shape_cast %reduce_sum3A_2 : vector<10000xf32> to vector<1x10000xf32>
    %add3A = arith.constant 1.000000e+00 : f32
    %add3A_3 = vector.broadcast %add3A : f32 to vector<1x10000xf32>
    %add3A_4 = arith.addf %broadcast_in_dim3A, %add3A_3 : vector<1x10000xf32>
    %max3A = arith.constant 1.000000e+00 : f32
    %max3A_5 = vector.broadcast %max3A : f32 to vector<1x10000xf32>
    %max3A_6 = arith.maximumf %add3A_4, %max3A_5 : vector<1x10000xf32>
    %rsqrt3A = math.rsqrt %max3A_6 : vector<1x10000xf32>
    %swap3A = arith.constant 0 : index
    %swap3A_7 = arith.constant 0 : index
    %swap3A_8 = vector.load %arg2[%swap3A, %swap3A_7] : memref<1x10000xf32, #tpu.memory_space<vmem>>, vector<1x10000xf32>
    tpu.vector_store %arg2[%swap3A, %swap3A_7], %rsqrt3A {strides = array<i32>} : memref<1x10000xf32, #tpu.memory_space<vmem>>, vector<1x10000xf32>,
    %get3A_9 = arith.constant 0 : index
    %get3A_10 = arith.constant 0 : index
    %get3A_11 = vector.load %arg1[%get3A_9, %get3A_10] : memref<4x10000xf32, #tpu.memory_space<vmem>>, vector<4x10000xf32>
    %mul3A = vector.broadcast %rsqrt3A : vector<1x10000xf32> to vector<4x10000xf32>
    %mul3A_12 = arith.mulf %get3A_11, %mul3A : vector<4x10000xf32>
    %swap3A_13 = arith.constant 0 : index
    %swap3A_14 = arith.constant 0 : index
    %swap3A_15 = vector.load %arg3[%swap3A_13, %swap3A_14] : memref<4x10000xf32, #tpu.memory_space<vmem>>, vector<4x10000xf32>
    tpu.vector_store %arg3[%swap3A_13, %swap3A_14], %mul3A_12 {strides = array<i32>} : memref<4x10000xf32, #tpu.memory_space<vmem>>, vector<4x10000xf32>,
    return
  }
}

module attributes {stable_mosaic.version = 14 : i64} {
  func.func @_t3_body(%arg0: memref<32x2x10000xf32, #tpu.memory_space<vmem>>, %arg1: memref<2x10000xf32, #tpu.memory_space<vmem>>, %arg2: memref<1x10000xf32, #tpu.memory_space<vmem>>, %arg3: memref<2x1xf32, #tpu.memory_space<vmem>>, %arg4: memref<2x10000xf32, #tpu.memory_space<vmem>>) attributes {dimension_semantics = [], scalar_prefetch = 0 : i64, scratch_operands = 0 : i64, tpu.core_type = #tpu.core_type<tc>} {
    %get3A = arith.constant 0 : index
    %get3A_0 = arith.constant 0 : index
    %get3A_1 = arith.constant 0 : index
    %get3A_2 = vector.load %arg0[%get3A, %get3A_0, %get3A_1] : memref<32x2x10000xf32, #tpu.memory_space<vmem>>, vector<32x2x10000xf32>
    %reduce_sum3A = arith.constant dense<0.000000e+00> : vector<2x10000xf32>
    %reduce_sum3A_3 = vector.multi_reduction <add>, %get3A_2, %reduce_sum3A [0] : vector<32x2x10000xf32> to vector<2x10000xf32>
    %get3A_4 = arith.constant 0 : index
    %get3A_5 = arith.constant 0 : index
    %get3A_6 = vector.load %arg1[%get3A_4, %get3A_5] : memref<2x10000xf32, #tpu.memory_space<vmem>>, vector<2x10000xf32>
    %add3A = arith.addf %reduce_sum3A_3, %get3A_6 : vector<2x10000xf32>
    %get3A_7 = arith.constant 0 : index
    %get3A_8 = arith.constant 0 : index
    %get3A_9 = vector.load %arg2[%get3A_7, %get3A_8] : memref<1x10000xf32, #tpu.memory_space<vmem>>, vector<1x10000xf32>
    %mul3A = vector.broadcast %get3A_9 : vector<1x10000xf32> to vector<2x10000xf32>
    %mul3A_10 = arith.mulf %add3A, %mul3A : vector<2x10000xf32>
    %get3A_11 = arith.constant 0 : index
    %get3A_12 = arith.constant 0 : index
    %get3A_13 = vector.load %arg3[%get3A_11, %get3A_12] : memref<2x1xf32, #tpu.memory_space<vmem>>, vector<2x1xf32>
    %add3A_14 = vector.broadcast %get3A_13 : vector<2x1xf32> to vector<2x10000xf32>
    %add3A_15 = arith.addf %mul3A_10, %add3A_14 : vector<2x10000xf32>
    %get3A_16 = arith.constant 0 : index
    %get3A_17 = arith.constant 0 : index
    %get3A_18 = vector.load %arg2[%get3A_16, %get3A_17] : memref<1x10000xf32, #tpu.memory_space<vmem>>, vector<1x10000xf32>
    %mul3A_19 = vector.broadcast %get3A_18 : vector<1x10000xf32> to vector<2x10000xf32>
    %mul3A_20 = arith.mulf %add3A_15, %mul3A_19 : vector<2x10000xf32>
    %swap3A = arith.constant 0 : index
    %swap3A_21 = arith.constant 0 : index
    %swap3A_22 = vector.load %arg4[%swap3A, %swap3A_21] : memref<2x10000xf32, #tpu.memory_space<vmem>>, vector<2x10000xf32>
    tpu.vector_store %arg4[%swap3A, %swap3A_21], %mul3A_20 {strides = array<i32>} : memref<2x10000xf32, #tpu.memory_space<vmem>>, vector<2x10000xf32>,
    return
  }
}

module attributes {stable_mosaic.version = 14 : i64} {
  func.func @_t4_body(%arg0: memref<32x2x10000xf32, #tpu.memory_space<vmem>>, %arg1: memref<2x10000xf32, #tpu.memory_space<vmem>>, %arg2: memref<1x10000xf32, #tpu.memory_space<vmem>>, %arg3: memref<64x2xf32, #tpu.memory_space<vmem>>, %arg4: memref<64x1xf32, #tpu.memory_space<vmem>>, %arg5: memref<2x64xf32, #tpu.memory_space<vmem>>, %arg6: memref<2x10000xf32, #tpu.memory_space<vmem>>) attributes {dimension_semantics = [], scalar_prefetch = 0 : i64, scratch_operands = 0 : i64, tpu.core_type = #tpu.core_type<tc>} {
    %get3A = arith.constant 0 : index
    %get3A_0 = arith.constant 0 : index
    %get3A_1 = arith.constant 0 : index
    %get3A_2 = vector.load %arg0[%get3A, %get3A_0, %get3A_1] : memref<32x2x10000xf32, #tpu.memory_space<vmem>>, vector<32x2x10000xf32>
    %reduce_sum3A = arith.constant dense<0.000000e+00> : vector<2x10000xf32>
    %reduce_sum3A_3 = vector.multi_reduction <add>, %get3A_2, %reduce_sum3A [0] : vector<32x2x10000xf32> to vector<2x10000xf32>
    %get3A_4 = arith.constant 0 : index
    %get3A_5 = arith.constant 0 : index
    %get3A_6 = vector.load %arg1[%get3A_4, %get3A_5] : memref<2x10000xf32, #tpu.memory_space<vmem>>, vector<2x10000xf32>
    %add3A = arith.addf %reduce_sum3A_3, %get3A_6 : vector<2x10000xf32>
    %get3A_7 = arith.constant 0 : index
    %get3A_8 = arith.constant 0 : index
    %get3A_9 = vector.load %arg2[%get3A_7, %get3A_8] : memref<1x10000xf32, #tpu.memory_space<vmem>>, vector<1x10000xf32>
    %mul3A = vector.broadcast %get3A_9 : vector<1x10000xf32> to vector<2x10000xf32>
    %mul3A_10 = arith.mulf %add3A, %mul3A : vector<2x10000xf32>
    %get3A_11 = arith.constant 0 : index
    %get3A_12 = arith.constant 0 : index
    %get3A_13 = vector.load %arg3[%get3A_11, %get3A_12] : memref<64x2xf32, #tpu.memory_space<vmem>>, vector<64x2xf32>
    %dot_general3A = arith.constant dense<0.000000e+00> : vector<64x10000xf32>
    %dot_general3A_14 = tpu.matmul %get3A_13, %mul3A_10, %dot_general3A {dimension_numbers = #tpu.dot_dimension_numbers<[1], [0], [0], [1], [0, 0, 1, 1], [], []>, transpose_lhs_hint = false} : vector<64x2xf32>, vector<2x10000xf32>, vector<64x10000xf32> -> vector<64x10000xf32>
    %get3A_15 = arith.constant 0 : index
    %get3A_16 = arith.constant 0 : index
    %get3A_17 = vector.load %arg4[%get3A_15, %get3A_16] : memref<64x1xf32, #tpu.memory_space<vmem>>, vector<64x1xf32>
    %add3A_18 = vector.broadcast %get3A_17 : vector<64x1xf32> to vector<64x10000xf32>
    %add3A_19 = arith.addf %dot_general3A_14, %add3A_18 : vector<64x10000xf32>
    %max3A = arith.constant 0.000000e+00 : f32
    %max3A_20 = vector.broadcast %max3A : f32 to vector<64x10000xf32>
    %max3A_21 = arith.maximumf %add3A_19, %max3A_20 : vector<64x10000xf32>
    %get3A_22 = arith.constant 0 : index
    %get3A_23 = arith.constant 0 : index
    %get3A_24 = vector.load %arg5[%get3A_22, %get3A_23] : memref<2x64xf32, #tpu.memory_space<vmem>>, vector<2x64xf32>
    %dot_general3A_25 = arith.constant dense<0.000000e+00> : vector<2x10000xf32>
    %dot_general3A_26 = tpu.matmul %get3A_24, %max3A_21, %dot_general3A_25 {dimension_numbers = #tpu.dot_dimension_numbers<[1], [0], [0], [1], [0, 0, 1, 1], [], []>, transpose_lhs_hint = false} : vector<2x64xf32>, vector<64x10000xf32>, vector<2x10000xf32> -> vector<2x10000xf32>
    %get3A_27 = arith.constant 0 : index
    %get3A_28 = arith.constant 0 : index
    %get3A_29 = vector.load %arg2[%get3A_27, %get3A_28] : memref<1x10000xf32, #tpu.memory_space<vmem>>, vector<1x10000xf32>
    %mul3A_30 = vector.broadcast %get3A_29 : vector<1x10000xf32> to vector<2x10000xf32>
    %mul3A_31 = arith.mulf %dot_general3A_26, %mul3A_30 : vector<2x10000xf32>
    %swap3A = arith.constant 0 : index
    %swap3A_32 = arith.constant 0 : index
    %swap3A_33 = vector.load %arg6[%swap3A, %swap3A_32] : memref<2x10000xf32, #tpu.memory_space<vmem>>, vector<2x10000xf32>
    tpu.vector_store %arg6[%swap3A, %swap3A_32], %mul3A_31 {strides = array<i32>} : memref<2x10000xf32, #tpu.memory_space<vmem>>, vector<2x10000xf32>,
    return
  }
}

module attributes {stable_mosaic.version = 14 : i64} {
  func.func @_t5_body(%arg0: memref<32x2x10000xf32, #tpu.memory_space<vmem>>, %arg1: memref<2x10000xf32, #tpu.memory_space<vmem>>, %arg2: memref<1x10000xf32, #tpu.memory_space<vmem>>, %arg3: memref<2x1xf32, #tpu.memory_space<vmem>>, %arg4: memref<2x10000xf32, #tpu.memory_space<vmem>>) attributes {dimension_semantics = [], scalar_prefetch = 0 : i64, scratch_operands = 0 : i64, tpu.core_type = #tpu.core_type<tc>} {
    %get3A = arith.constant 0 : index
    %get3A_0 = arith.constant 0 : index
    %get3A_1 = arith.constant 0 : index
    %get3A_2 = vector.load %arg0[%get3A, %get3A_0, %get3A_1] : memref<32x2x10000xf32, #tpu.memory_space<vmem>>, vector<32x2x10000xf32>
    %reduce_sum3A = arith.constant dense<0.000000e+00> : vector<2x10000xf32>
    %reduce_sum3A_3 = vector.multi_reduction <add>, %get3A_2, %reduce_sum3A [0] : vector<32x2x10000xf32> to vector<2x10000xf32>
    %get3A_4 = arith.constant 0 : index
    %get3A_5 = arith.constant 0 : index
    %get3A_6 = vector.load %arg1[%get3A_4, %get3A_5] : memref<2x10000xf32, #tpu.memory_space<vmem>>, vector<2x10000xf32>
    %add3A = arith.addf %reduce_sum3A_3, %get3A_6 : vector<2x10000xf32>
    %get3A_7 = arith.constant 0 : index
    %get3A_8 = arith.constant 0 : index
    %get3A_9 = vector.load %arg2[%get3A_7, %get3A_8] : memref<1x10000xf32, #tpu.memory_space<vmem>>, vector<1x10000xf32>
    %mul3A = vector.broadcast %get3A_9 : vector<1x10000xf32> to vector<2x10000xf32>
    %mul3A_10 = arith.mulf %add3A, %mul3A : vector<2x10000xf32>
    %get3A_11 = arith.constant 0 : index
    %get3A_12 = arith.constant 0 : index
    %get3A_13 = vector.load %arg3[%get3A_11, %get3A_12] : memref<2x1xf32, #tpu.memory_space<vmem>>, vector<2x1xf32>
    %add3A_14 = vector.broadcast %get3A_13 : vector<2x1xf32> to vector<2x10000xf32>
    %add3A_15 = arith.addf %mul3A_10, %add3A_14 : vector<2x10000xf32>
    %swap3A = arith.constant 0 : index
    %swap3A_16 = arith.constant 0 : index
    %swap3A_17 = vector.load %arg4[%swap3A, %swap3A_16] : memref<2x10000xf32, #tpu.memory_space<vmem>>, vector<2x10000xf32>
    tpu.vector_store %arg4[%swap3A, %swap3A_16], %add3A_15 {strides = array<i32>} : memref<2x10000xf32, #tpu.memory_space<vmem>>, vector<2x10000xf32>,
    return
  }
}

</mosaic_0001>

<sc_bundles>
// kernel: kernel.13.cloned.1.call-start
scs
__scs_entry_jumppad:
0x0: {  	(pc) =	sbr.rel $0x88, $3  }
0x1: {  	(tag) =	ssettag $0x0;
	lr =	simm.s32 $0x1  }
0x2: {  	[smem:$0x3F97] =	sst lr;
	_ =	strace $0xD0000000  }
0x3: {  	_ = 	snop  }
0x4: {  	_ = 	snop  }
0x5: {  	_ = 	snop  }
0x6: {  	_ = 	snop  }
0x7: {  	_ = 	snop  }
__scs_overlays_trampoline_lowered:
0x8: {  	[smem:$0x3FA6] =	sst s0  }
0x9: {  	[smem:$0x3FA7] =	sst s1  }
0xa: {  	[smem:$0x3FA8] =	sst s2  }
0xb: {  	[smem:$0x3FA9] =	sst s3  }
0xc: {  	[smem:$0x3FAA] =	sst s4  }
0xd: {  	[smem:$0x3FAB] =	sst s5  }
0xe: {  	[smem:$0x3FAC] =	sst s6  }
0xf: {  	[smem:$0x3FAD] =	sst s7  }
0x10: {  	[smem:$0x3FAE] =	sst s8  }
0x11: {  	[smem:$0x3FAF] =	sst s9;
	s0 =	simm.s32 @!p0 $0x0  }
0x12: {  	s1 =	sld [smem:$0x3F95];
	s0 =	simm.s32 @p0 $0x1  }
0x13: {  	[smem:$0x3FB0] =	sst s0;
	s0 =	simm.s32 @!p1 $0x0  }
0x14: {  	s2 =	sld [smem:$0x3F94];
	s0 =	simm.s32 @p1 $0x1  }
0x15: {  	[smem:$0x3FB1] =	sst s0;
	s0 =	simm.s32 @!p2 $0x0  }
0x16: {  	s3 =	sld [smem:$0x3FDB];
	s0 =	simm.s32 @p2 $0x1  }
0x17: {  	s4 =	simm.s32 $0x1BF5;
	[smem:$0x3FB3] =	sst s0  }
0x18: {  	s0 =	sld [smem:$0x3F96];
	_ =	swait.ge [sflag:s4], $0x0  }
0x19: {  	s7 =	sld [smem:$0x3F97]  }
0x1a: {  	s8 =	sadd.s32 $0xFFFFE003, lr  }
0x1b: {  	s9 =	sadd.s32 $0xFFFFFEF7, lr;
	s5 =	simm.s32 $0xFFFFFFFF;
	p2 =	slt.u32 s8, $0xFFFFF086  }
0x1c: {  	p1 =	slt.u32 s9, $0xF7A;
	s5 =	simm.s32 @!p2 $0x0  }
0x1d: {  	s5 =	simm.s32 @p1 $0x1;
	p0 =	seq.s32 s7, s2  }
0x1e: {  	s7 =	smul.u32 @!p0 $0xF7A, s2;
	p2 =	seq.s32 @!p0 s5, $0x0  }
0x1f: {  	s9 =	smul.u32 $0xF7A, s1;
	s8 =	simm.s32 @!p0 $0x1BF5;
	p2 =	por !p2, p0  }
0x20: {  	[sflag:s8] =	ssyncset.s32 @!p0 $0xFFFFF086;
	s6 =	sadd.s32 @!p0 s3, s7;
	s7 =	simm.s32 @!p0 $0x108  }
0x21: {  	s3 =	sadd.s32 s3, s9;
	s6 =	sadd.s32 @!p0 $0x88, s6;
	s7 =	simm.s32 @p2 $0x1082  }
0x22: {  	[simem:s7], [sflag:s8] =	dma.local @!p0 [hbm:s6], $0xF7A  }
0x23: {  	s9 =	sor.u32 $0xD0000000, s2;
	s6 =	simm.s32 $0x108;
	_ =	swait.ge @!p0 [sflag:s8], $0x0  }
0x24: {  	s3 =	sadd.s32 $0x88, s3;
	s6 =	simm.s32 @!p1 $0x1082;
	[sflag:s4] =	ssyncset.s32 $0xFFFFF086  }
0x25: {  	[simem:s6], [sflag:s4] =	dma.local [hbm:s3], $0xF7A  }
0x26: {  	[smem:$0x3F97] =	sst s1;
	(tag) =	ssettag s2;
	_ =	strace s9  }
0x27: {  	s1 =	sld [smem:$0x3FA7]  }
0x28: {  	s2 =	sld [smem:$0x3FA8]  }
0x29: {  	s4 =	sld [smem:$0x3FAA]  }
0x2a: {  	p0 =	seq.s32 s5, $0x0;
	s5 =	sld [smem:$0x3FAB]  }
0x2b: {  	s6 =	sld [smem:$0x3FAC]  }
0x2c: {  	s7 =	sld [smem:$0x3FAD]  }
0x2d: {  	s3 =	simm.s32 $0x108;
	s8 =	sld [smem:$0x3FAE]  }
0x2e: {  	s3 =	simm.s32 @!p0 $0x1082;
	s9 =	sld [smem:$0x3FAF]  }
0x2f: {  	lr =	sadd.s32 s0, s3;
	s0 =	sld [smem:$0x3FA6]  }
0x30: {  	s3 =	sld [smem:$0x3FA9]  }
0x31: {  	[smem:$0x3FB2] =	sst s10  }
0x32: {  	s10 =	sld [smem:$0x3FB0];
	_ =	sdelay $0x3  }
0x33: {  	p0 =	seq.s32 s10, $0x1;
	s10 =	sld [smem:$0x3FB2];
	_ =	sdelay $0x3  }
0x34: {  	[smem:$0x3FB2] =	sst s10  }
0x35: {  	s10 =	sld [smem:$0x3FB1];
	_ =	sdelay $0x3  }
0x36: {  	p1 =	seq.s32 s10, $0x1;
	s10 =	sld [smem:$0x3FB2];
	_ =	sdelay $0x3  }
0x37: {  	[smem:$0x3FB2] =	sst s10  }
0x38: {  	s10 =	sld [smem:$0x3FB3]  }
0x39: {  	_ = 	snop;
	(pc) =	sbr.ind lr, $3  }
0x3a: {  	_ = 	snop  }
0x3b: {  	_ = 	snop  }
0x3c: {  	p2 =	seq.s32 s10, $0x1;
	s10 =	sld [smem:$0x3FB2]  }
0x3d: {  	_ =	shalt  }
0x3e: {  	_ =	shalt  }
0x3f: {  	_ =	shalt  }
0x40: {  	_ =	shalt  }
0x41: {  	_ =	shalt  }
0x42: {  	_ =	shalt  }
0x43: {  	_ =	shalt  }
0x44: {  	_ =	shalt  }
0x45: {  	_ =	shalt  }
0x46: {  	_ =	shalt  }
0x47: {  	_ =	shalt  }
0x48: {  	_ =	shalt  }
0x49: {  	_ =	shalt  }
0x4a: {  	_ =	shalt  }
0x4b: {  	_ =	shalt  }
0x4c: {  	_ =	shalt  }
0x4d: {  	_ =	shalt  }
0x4e: {  	_ =	shalt  }
0x4f: {  	_ =	shalt  }
0x50: {  	_ =	shalt  }
0x51: {  	_ =	shalt  }
0x52: {  	_ =	shalt  }
0x53: {  	_ =	shalt  }
0x54: {  	_ =	shalt  }
0x55: {  	_ =	shalt  }
0x56: {  	_ =	shalt  }
0x57: {  	_ =	shalt  }
0x58: {  	_ =	shalt  }
0x59: {  	_ =	shalt  }
0x5a: {  	_ =	shalt  }
0x5b: {  	_ =	shalt  }
0x5c: {  	_ =	shalt  }
0x5d: {  	_ =	shalt  }
0x5e: {  	_ =	shalt  }
0x5f: {  	_ =	shalt  }
0x60: {  	_ =	shalt  }
0x61: {  	_ =	shalt  }
0x62: {  	_ =	shalt  }
0x63: {  	_ =	shalt  }
0x64: {  	_ =	shalt  }
0x65: {  	_ =	shalt  }
0x66: {  	_ =	shalt  }
0x67: {  	_ =	shalt  }
0x68: {  	_ =	shalt  }
0x69: {  	_ =	shalt  }
0x6a: {  	_ =	shalt  }
0x6b: {  	_ =	shalt  }
0x6c: {  	_ =	shalt  }
0x6d: {  	_ =	shalt  }
0x6e: {  	_ =	shalt  }
0x6f: {  	_ =	shalt  }
0x70: {  	_ =	shalt  }
0x71: {  	_ =	shalt  }
0x72: {  	_ =	shalt  }
0x73: {  	_ =	shalt  }
0x74: {  	_ =	shalt  }
0x75: {  	_ =	shalt  }
0x76: {  	_ =	shalt  }
0x77: {  	_ =	shalt  }
0x78: {  	_ =	shalt  }
0x79: {  	_ =	shalt  }
0x7a: {  	_ =	shalt  }
0x7b: {  	_ =	shalt  }
0x7c: {  	_ =	shalt  }
0x7d: {  	_ =	shalt  }
0x7e: {  	_ =	shalt  }
0x7f: {  	_ =	shalt  }
0x80: {  	_ =	shalt  }
0x81: {  	_ =	shalt  }
0x82: {  	_ =	shalt  }
0x83: {  	_ =	shalt  }
0x84: {  	_ =	shalt  }
0x85: {  	_ =	shalt  }
0x86: {  	_ =	shalt  }
0x87: {  	_ =	shalt  }
.Lfunc_end0:
.L_simem_size_0:
called_computation_lowered:
.L_overlay_start_0:
0x88: {  	s2 =	sld [smem:$0x3FD9]  }
0x89: {  	s3 =	sld [smem:$0x3FFE];
	_ =	sdelay $0x1  }
0x8a: {  	s1 =	srdreg.scid  }
0x8b: {  	s0 =	sand.u32 $0x1, s1  }
0x8c: {  	s17 =	sshll.u32 s0, $0xA;
	s2 =	sadd.s32 s3, s2  }
0x8d: {  	s2 =	sadd.s32 s2, s17  }
0x8e: {  	[smem:$0x3FBE] =	sst s2  }
0x8f: {  	_ = 	snop  }
0x90: {  	s2 =	sld [smem:$0x3FC8];
	(tm) =	ssettm $0x1  }
0x91: {  	s18 =	sld [smem:$0x3FFB];
	_ =	sdelay $0x3  }
0x92: {  	_ =	strace s18  }
0x93: {  	s3 =	sld [smem:$0x3FFC];
	_ =	sdelay $0x3  }
0x94: {  	_ =	strace s3  }
0x95: {  	s3 =	sld [smem:$0x3FFD];
	_ =	sdelay $0x3  }
0x96: {  	_ =	strace s3  }
0x97: {  	_ =	strace $0x8FFFFFFF  }
0x98: {  	s19 =	sld [smem:$0x3FDB];
	_ =	sdelay $0x1  }
0x99: {  	s4 =	simm.s32 $_scs_section_size  }
0x9a: {  	s5 =	simm.s32 $_size__tile_overlayer_lowered;
	s6 =	simm.s32 $_tile_overlayer_lowered  }
0x9b: {  	s22 =	simm.s32 $0x1BFF;
	s21 =	sshll.u32 s6, $0x1;
	s3 =	sadd.s32 s4, s19  }
0x9c: {  	s7 =	simm.s32 $0x0;
	s20 =	sshll.u32 s5, $0x1;
	s5 =	sadd.s32 s21, s3  }
0x9d: {  	[timem:s7], [sflag:s22] =	dma.local [hbm:s5], s20  }
0x9e: {  	_ =	swait.ge [sflag:s22], s20  }
0x9f: {  	s4 =	ssub.s32 $0x0, s20;
	[sflag:s22] =	ssyncset.done $0x0  }
0xa0: {  	[sflag:s22] =	ssyncadd.s32 s4;
	_ =	sdelay $0x1  }
0xa1: {  	s23 =	simm.s32 $0x1B8B  }
0xa2: {  	_ =	swait.ge [sflag:s23], $0x1  }
0xa3: {  	[sflag:s23] =	ssyncset.done $0x0  }
0xa4: {  	s25 =	simm.s32 $0x1B8E;
	s24 =	sld [smem:$0x3FFE];
	[sflag:s23] =	ssyncadd.s32 $0xFFFFFFFF  }
0xa5: {  	s26 =	simm.s32 $execute0_lowered;
	[smem:$0x3FD2] =	sst s25  }
0xa6: {  	s5 =	sshll.u32 s26, $0x1;
	_ =	strace $0x80000046;
	[dreg:$0x1] =	wrdreg $0xFFFFFFFF  }
0xa7: {  	s28 =	simm.s32 $_size_execute0_lowered;
	s3 =	sadd.s32 s3, s5;
	[dreg:$0x0] =	wrdreg $0x0  }
0xa8: {  	s5 =	sshll.u32 s28, $0x1;
	[dreg:$0x2] =	wrdreg s3  }
0xa9: {  	[dreg:$0x3] =	wrdreg s5  }
0xaa: {  	[dreg:$0x4] =	wrdreg $0xC0  }
0xab: {  	_ =	task [dreg:s7], $0x5FFFF  }
0xac: {  	[dreg:$0x1] =	wrdreg $0xFFFFFFFF  }
0xad: {  	[dreg:$0x0] =	wrdreg $0x60  }
0xae: {  	[dreg:$0x2] =	wrdreg s2  }
0xaf: {  	[dreg:$0x3] =	wrdreg s24  }
0xb0: {  	[dreg:$0x4] =	wrdreg $0x9  }
0xb1: {  	_ =	task.clear_ibuf [dreg:s7], $0x5FFFF;
	_ =	strace $0x90000046  }
0xb2: {  	s29 =	simm.s32 $0x9;
	_ =	strace $0x80000048  }
0xb3: {  	_ =	swait.ge [sflag:s29], $0x1  }
0xb4: {  	[sflag:s29] =	ssyncadd.s32 $0xFFFFFFFF  }
0xb5: {  	_ =	strace $0x90000048  }
0xb6: {  	_ =	sfence  }
0xb7: {  	s30 =	sld [smem:$0x0];
	_ =	sdelay $0x2  }
0xb8: {  	s31 =	sshll.u32 s1, $0xD;
	s1 =	sshrl.u32 s1, $0x2  }
0xb9: {  	s3 =	sand.u32 $0x4000, s31;
	s1 =	sadd.s32 s1, s30  }
0xba: {  	s0 =	sor.u32 s3, s0;
	s1 =	sshll.u32 s1, $0x11  }
0xbb: {  	s0 =	sor.u32 s1, s0  }
0xbc: {  	s0 =	sadd.s32 $0x8F2B, s0  }
0xbd: {  	[sflag:s0] =	ssyncadd.remote.s32 $0x1  }
0xbe: {  	_ =	sfence.sel $0xFFFF  }
0xbf: {  	[dreg:$0x0] =	wrdreg $0xFFFFFFFF;
	(pc) =	sbr.abs _section_cstart, $3  }
0xc0: {  	[dreg:$0x1] =	wrdreg $0xFFFFFFFF  }
0xc1: {  	_ =	task.clear_ibuf [dreg:s7], $0x2FFFF;
	_ =	strace $0x9FFFFFFF  }
0xc2: {  	(tm) =	ssettm $0x7FFFFFFF  }
0xc3: {  	_ =	shalt  }
tec
execute0_lowered:
.L_overlay_start_1:
0x0: {  	(tag) =	ssettag $0x1  }
0x1: {  	s4 =	rddreg [dreg:$0x0]  }
0x2: {  	s0 =	srdreg.scid;
	s5 =	rddreg [dreg:$0x1]  }
0x3: {  	s2 =	simm.s32 $0x0;
	s3 =	sand.u32 $0x1, s0;
	s0 =	stileid.u32  }
0x4: {  	[smem:$0x7FF] =	sst s2;
	s1 =	sshll.u32 s3, $0x4;
	s8 =	sshll.u32 s0, $0x7  }
0x5: {  	s21 =	sshll.u32 s0, $0x4;
	s9 =	ssub.s32 $0x2, s3;
	s23 =	sand.u32 $0x7, s0  }
0x6: {  	s24 =	sadd.s32 $0xFFFFFFFF, s0;
	s29 =	sadd.s32 $0x6, s0;
	s12 =	sadd.s32 $0x5, s0  }
0x7: {  	s20 =	sadd.s32 $0x3, s0;
	s15 =	sadd.s32 $0x1, s0;
	s6 =	sor.u32 s0, s1  }
0x8: {  	s1 =	rddreg [dreg:$0x2];
	_ =	strace $0x80000047;
	s8 =	sand.u32 $0x380, s8  }
0x9: {  	s3 =	sand.u32 $0x70, s21;
	s7 =	sshrl.u32 s6, $0x3;
	s6 =	smul.u32 $0x2710, s6  }
0xa: {  	s22 =	sshrl.u32 s9, $0x1;
	s12 =	sand.u32 $0x7, s12;
	s7 =	smul.u32 $0x13C00, s7  }
0xb: {  	s11 =	sxor.u32 $0x40, s3;
	s12 =	sshll.u32 s12, $0x6;
	s6 =	ssub.s32 s6, s3  }
0xc: {  	s11 =	sshll.u32 s11, $0x2;
	s7 =	sor.u32 s8, s7;
	s6 =	sshrl.u32 s6, $0x2  }
0xd: {  	s8 =	sshll.u32 s23, $0x7;
	s7 =	sshrl.u32 s7, $0x3;
	s6 =	sand.u32 $0xFFFFFE0, s6  }
0xe: {  	s25 =	sadd.s32 $0x3FC, s8;
	s28 =	sadd.s32 $0x300, s8;
	s13 =	sadd.s32 $0x280, s8  }
0xf: {  	s18 =	sadd.s32 $0x200, s8;
	s14 =	sadd.s32 $0x180, s8;
	s5 =	sadd.s32 s7, s5  }
0x10: {  	s7 =	ssub.s32 s9, s22;
	s4 =	sadd.s32 s4, s6;
	s9 =	sand.u32 $0x7, s24  }
0x11: {  	s10 =	sand.u32 $0x400, s25;
	s30 =	sand.u32 $0x400, s13;
	s19 =	sand.u32 $0x400, s18  }
0x12: {  	s21 =	sand.u32 $0x400, s14;
	s24 =	sadd.s32 $0x2, s0;
	s25 =	sadd.s32 $0x100, s8  }
0x13: {  	s8 =	sadd.s32 $0x80, s8;
	s5 =	sadd.s32 $0x4800, s5;
	s9 =	sshll.u32 s9, $0x6  }
0x14: {  	s6 =	smax.u32 s7, $0x1;
	s7 =	sand.u32 $0x400, s28;
	s17 =	sor.u32 s12, s30  }
0x15: {  	s8 =	sand.u32 $0x400, s8;
	s28 =	sshll.u32 s0, $0x6;
	s26 =	sor.u32 s9, s10  }
0x16: {  	s10 =	sand.u32 $0x7, s29;
	s12 =	sor.u32 $0x200, s17;
	s30 =	sor.u32 $0x200, s28  }
0x17: {  	s9 =	sor.u32 $0x200, s26;
	s10 =	sshll.u32 s10, $0x6;
	s26 =	sand.u32 $0x7, s15  }
0x18: {  	s15 =	sshrl.u32 s30, $0x2;
	s12 =	sshrl.u32 s12, $0x2;
	s7 =	sor.u32 s10, s7  }
0x19: {  	s10 =	sand.u32 $0x7, s20;
	s31 =	sor.u32 $0x200, s7;
	s7 =	sor.u32 s11, s19  }
0x1a: {  	v7 =	vmov s12;
	s12 =	simm.s32 $0x0;
	s10 =	sshll.u32 s10, $0x6;
	s22 =	sor.u32 $0x200, s7  }
0x1b: {  	s23 =	sor.u32 s10, s21;
	s10 =	sand.u32 $0x7, s24;
	s7 =	sand.u32 $0x400, s25  }
0x1c: {  	s13 =	sshrl.u32 s31, $0x2;
	s31 =	sshrl.u32 s9, $0x2;
	s10 =	sshll.u32 s10, $0x6  }
0x1d: {  	s9 =	simm.s32 $0x80;
	s7 =	sor.u32 s10, s7;
	s10 =	sshll.u32 s26, $0x6  }
0x1e: {  	v2 =	vmov s15;
	s11 =	sor.u32 $0x200, s23;
	s14 =	sshrl.u32 s22, $0x2;
	s29 =	sor.u32 s10, s8  }
0x1f: {  	v0 =	vimm.f32 $0.0e+00;
	v9 =	vmov s31;
	s11 =	sshrl.u32 s11, $0x2;
	s16 =	sor.u32 $0x200, s7;
	s10 =	sor.u32 $0x200, s29  }
0x20: {  	v1 =	vimm.f32 $1.000000000e+00;
	v8 =	vmov s13;
	v6 =	vmov s14;
	s7 =	simm.s32 $0x1;
	s16 =	sshrl.u32 s16, $0x2;
	s10 =	sshrl.u32 s10, $0x2  }
0x21: {  	s8 =	simm.s32 $0x4F00;
	v5 =	vmov s11;
	s11 =	simm.s32 $0x2;
	v4 =	vmov s16;
	v3 =	vmov s10;
	s10 =	simm.s32 $0x400  }
.LBB2_1:
0x22: {  	[tilespmem:s2], [sflag:$0x1] =	stream.linear.gather [hbm4b:s4+s2], $0x4F00, $0x38;
	[tilespmem:$0x7680] =	vst v63  }
0x23: {  	s13 =	simm.s32 $0x4F40  }
0x24: {  	[tilespmem:s13+$0xFFFFFFC0] =	vst v0  }
0x25: {  	[tilespmem:s13+$0x30] =	vst v0  }
0x26: {  	[tilespmem:s13+$0x20] =	vst v0  }
0x27: {  	[tilespmem:s13+$0x10] =	vst v0  }
0x28: {  	[tilespmem:s13+$0x0] =	vst v0  }
0x29: {  	[tilespmem:s13+$0xFFFFFFF0] =	vst v0  }
0x2a: {  	s14 =	simm.s32 $0x0;
	[tilespmem:s13+$0xFFFFFFE0] =	vst v0  }
.LBB2_2:
0x2b: {  	s14 =	sadd.s32 $0x8, s14;
	[tilespmem:s13+$0xFFFFFFD0] =	vst v0;
	s13 =	sadd.s32 $0x80, s13  }
0x2c: {  	[tilespmem:s13+$0xFFFFFFC0] =	vst v0;
	p0 =	slt.u32 s14, $0x268  }
0x2d: {  	[tilespmem:s13+$0x30] =	vst v0  }
.Ltmp0:
0x2e: {  	[tilespmem:s13+$0x20] =	vst v0;
	(pc) =	sbr.rel @p0 .LBB2_2-.Ltmp0, $4  }
0x2f: {  	[tilespmem:s13+$0x10] =	vst v0  }
0x30: {  	[tilespmem:s13+$0x0] =	vst v0  }
0x31: {  	[tilespmem:s13+$0xFFFFFFF0] =	vst v0  }
0x32: {  	[tilespmem:s13+$0xFFFFFFE0] =	vst v0  }
0x33: {  	[tilespmem:s13+$0xFFFFFFD0] =	vst v0  }
0x34: {  	[tilespmem:$0x7600] =	vst v0  }
0x35: {  	_ =	swait.ge [sflag:s7], $0x4F00  }
0x36: {  	[sflag:s7] =	ssyncset.done $0x0  }
0x37: {  	s13 =	simm.s32 $0x0;
	[sflag:s7] =	ssyncadd.s32 $0xFFFFB100  }
0x38: {  	v11 =	vld.idx.msk [tilespmem:v2+s13+$0x0 ss:$0x1], $0xffff  }
0x39: {  	v12 =	vld.idx.msk [tilespmem:v9+s13+$0x0 ss:$0x1], $0xffff  }
0x3a: {  	v13 =	vld.idx.msk [tilespmem:v8+s13+$0x0 ss:$0x1], $0xffff  }
0x3b: {  	v14 =	vld.idx.msk [tilespmem:v7+s13+$0x0 ss:$0x1], $0xffff  }
0x3c: {  	v15 =	vld.idx.msk [tilespmem:v6+s13+$0x0 ss:$0x1], $0xffff  }
0x3d: {  	v16 =	vld.idx.msk [tilespmem:v5+s13+$0x0 ss:$0x1], $0xffff  }
0x3e: {  	v17 =	vld.idx.msk [tilespmem:v4+s13+$0x0 ss:$0x1], $0xffff  }
0x3f: {  	v10 =	vld.idx.msk [tilespmem:v3+s13+$0x0 ss:$0x1], $0xffff  }
0x40: {  	[tilespmem:v11+s8+$0x0] =	vst.idx.add.f32.msk $0xffff, v1  }
0x41: {  	[tilespmem:v12+s8+$0x0] =	vst.idx.add.f32.msk $0xffff, v1  }
0x42: {  	[tilespmem:v13+s8+$0x0] =	vst.idx.add.f32.msk $0xffff, v1  }
0x43: {  	[tilespmem:v14+s8+$0x0] =	vst.idx.add.f32.msk $0xffff, v1  }
0x44: {  	[tilespmem:v15+s8+$0x0] =	vst.idx.add.f32.msk $0xffff, v1  }
0x45: {  	[tilespmem:v16+s8+$0x0] =	vst.idx.add.f32.msk $0xffff, v1  }
0x46: {  	s14 =	simm.s32 $0x0;
	[tilespmem:v17+s8+$0x0] =	vst.idx.add.f32.msk $0xffff, v1  }
.LBB2_4:
0x47: {  	s14 =	sadd.s32 $0x8, s14;
	[tilespmem:v10+s8+$0x0] =	vst.idx.add.f32.msk $0xffff, v1;
	s13 =	sadd.s32 $0x100, s13  }
0x48: {  	v11 =	vld.idx.msk [tilespmem:v2+s13+$0x0 ss:$0x1], $0xffff;
	p0 =	slt.u32 s14, $0x268  }
0x49: {  	v12 =	vld.idx.msk [tilespmem:v9+s13+$0x0 ss:$0x1], $0xffff  }
0x4a: {  	v13 =	vld.idx.msk [tilespmem:v8+s13+$0x0 ss:$0x1], $0xffff  }
0x4b: {  	v14 =	vld.idx.msk [tilespmem:v7+s13+$0x0 ss:$0x1], $0xffff  }
0x4c: {  	v15 =	vld.idx.msk [tilespmem:v6+s13+$0x0 ss:$0x1], $0xffff  }
0x4d: {  	v16 =	vld.idx.msk [tilespmem:v5+s13+$0x0 ss:$0x1], $0xffff  }
0x4e: {  	v17 =	vld.idx.msk [tilespmem:v4+s13+$0x0 ss:$0x1], $0xffff  }
0x4f: {  	v10 =	vld.idx.msk [tilespmem:v3+s13+$0x0 ss:$0x1], $0xffff  }
0x50: {  	[tilespmem:v11+s8+$0x0] =	vst.idx.add.f32.msk $0xffff, v1  }
0x51: {  	[tilespmem:v12+s8+$0x0] =	vst.idx.add.f32.msk $0xffff, v1  }
.Ltmp1:
0x52: {  	[tilespmem:v13+s8+$0x0] =	vst.idx.add.f32.msk $0xffff, v1;
	(pc) =	sbr.rel @p0 .LBB2_4-.Ltmp1, $4  }
0x53: {  	[tilespmem:v14+s8+$0x0] =	vst.idx.add.f32.msk $0xffff, v1  }
0x54: {  	[tilespmem:v15+s8+$0x0] =	vst.idx.add.f32.msk $0xffff, v1  }
0x55: {  	[tilespmem:v16+s8+$0x0] =	vst.idx.add.f32.msk $0xffff, v1  }
0x56: {  	[tilespmem:v17+s8+$0x0] =	vst.idx.add.f32.msk $0xffff, v1  }
0x57: {  	_ =	sdelay $0x3  }
0x58: {  	[tilespmem:v10+s8+$0x0] =	vst.idx.add.f32.msk $0xffff, v1  }
0x59: {  	v10 =	vld [tilespmem:s3+$0x4E80];
	_ =	sdelay $0x5  }
0x5a: {  	s12 =	sadd.s32 $0x1, s12  }
0x5b: {  	p0 =	sne.s32 s12, s6  }
.Ltmp2:
0x5c: {  	[tilespmem:v10+s8+$0x0] =	vst.idx.add.f32.msk $0xffff, v1;
	(pc) =	sbr.rel @p0 .LBB2_1-.Ltmp2, $4  }
0x5d: {  	[hbm4b:s5+s9] =	stream.strided.scatter [tilespmem:s8], [sflag:$0x2], $0x2780, s10, s9, $0x38;
	[tilespmem:$0x7680] =	vst v63  }
0x5e: {  	_ =	swait.ge [sflag:s11], $0x2780  }
0x5f: {  	[sflag:s11] =	ssyncset.done $0x0  }
0x60: {  	[sflag:s11] =	ssyncadd.s32 $0xFFFFD880  }
0x61: {  	_ =	sfence.sel $0x180000  }
0x62: {  	[bflag:$0x0] =	sbarrier.arrive $0xFFFF  }
0x63: {  	p0 =	sne.s32 s0, $0x0;
	_ =	strace $0x90000047  }
0x64: {  	s0 =	sadd.s32 @!p0 $0x100000, s1;
	[bflag:$0x2] =	sbarrier.arrive $0xFFFF  }
0x65: {  	[sflag:s0] =	ssyncadd.tile.s32 @!p0 $0x1;
	_ =	shalt  }
.Lfunc_end2:
_tile_overlayer_lowered:
.L_overlay_start_2:
0x66: {  	(tag) =	ssettag $0x2  }
0x67: {  	s0 =	rddreg [dreg:$0x0];
	s2 =	stileid.u32  }
0x68: {  	s1 =	rddreg [dreg:$0x1];
	p0 =	sne.s32 s2, $0x0  }
0x69: {  	s3 =	rddreg [dreg:$0x2];
	[bflag:$0x3] =	sbarrier.arrive $0xFFFF;
	s2 =	simm.s32 @!p0 $0x1C02  }
0x6a: {  	[timem:s3], [sflag:s2] =	dma.local @!p0 [hbm:s0], s1  }
0x6b: {  	s0 =	simm.s32 @!p0 $0x2  }
0x6c: {  	_ =	swait.ge @!p0 [sflag:s0], s1  }
0x6d: {  	s1 =	ssub.s32 @!p0 $0x0, s1;
	[sflag:s0] =	ssyncset.done @!p0 $0x0  }
0x6e: {  	[sflag:s0] =	ssyncadd.s32 @!p0 s1  }
0x6f: {  	[bflag:$0x3] =	sbarrier.arrive $0xFFFF  }
0x70: {  	_ =	shalt  }

// kernel: kernel.16.cloned.1.call-start
scs
__scs_entry_jumppad:
0x0: {  	(pc) =	sbr.rel $0x88, $3  }
0x1: {  	(tag) =	ssettag $0x0;
	lr =	simm.s32 $0x1  }
0x2: {  	[smem:$0x3F97] =	sst lr;
	_ =	strace $0xD0000000  }
0x3: {  	_ = 	snop  }
0x4: {  	_ = 	snop  }
0x5: {  	_ = 	snop  }
0x6: {  	_ = 	snop  }
0x7: {  	_ = 	snop  }
__scs_overlays_trampoline_lowered:
0x8: {  	[smem:$0x3FA6] =	sst s0  }
0x9: {  	[smem:$0x3FA7] =	sst s1  }
0xa: {  	[smem:$0x3FA8] =	sst s2  }
0xb: {  	[smem:$0x3FA9] =	sst s3  }
0xc: {  	[smem:$0x3FAA] =	sst s4  }
0xd: {  	[smem:$0x3FAB] =	sst s5  }
0xe: {  	[smem:$0x3FAC] =	sst s6  }
0xf: {  	[smem:$0x3FAD] =	sst s7  }
0x10: {  	[smem:$0x3FAE] =	sst s8  }
0x11: {  	[smem:$0x3FAF] =	sst s9;
	s0 =	simm.s32 @!p0 $0x0  }
0x12: {  	s1 =	sld [smem:$0x3F95];
	s0 =	simm.s32 @p0 $0x1  }
0x13: {  	[smem:$0x3FB0] =	sst s0;
	s0 =	simm.s32 @!p1 $0x0  }
0x14: {  	s2 =	sld [smem:$0x3F94];
	s0 =	simm.s32 @p1 $0x1  }
0x15: {  	[smem:$0x3FB1] =	sst s0;
	s0 =	simm.s32 @!p2 $0x0  }
0x16: {  	s3 =	sld [smem:$0x3FDB];
	s0 =	simm.s32 @p2 $0x1  }
0x17: {  	s4 =	simm.s32 $0x1BF5;
	[smem:$0x3FB3] =	sst s0  }
0x18: {  	s0 =	sld [smem:$0x3F96];
	_ =	swait.ge [sflag:s4], $0x0  }
0x19: {  	s7 =	sld [smem:$0x3F97]  }
0x1a: {  	s8 =	sadd.s32 $0xFFFFE003, lr  }
0x1b: {  	s9 =	sadd.s32 $0xFFFFFEF7, lr;
	s5 =	simm.s32 $0xFFFFFFFF;
	p2 =	slt.u32 s8, $0xFFFFF086  }
0x1c: {  	p1 =	slt.u32 s9, $0xF7A;
	s5 =	simm.s32 @!p2 $0x0  }
0x1d: {  	s5 =	simm.s32 @p1 $0x1;
	p0 =	seq.s32 s7, s2  }
0x1e: {  	s7 =	smul.u32 @!p0 $0xF7A, s2;
	p2 =	seq.s32 @!p0 s5, $0x0  }
0x1f: {  	s9 =	smul.u32 $0xF7A, s1;
	s8 =	simm.s32 @!p0 $0x1BF5;
	p2 =	por !p2, p0  }
0x20: {  	[sflag:s8] =	ssyncset.s32 @!p0 $0xFFFFF086;
	s6 =	sadd.s32 @!p0 s3, s7;
	s7 =	simm.s32 @!p0 $0x108  }
0x21: {  	s3 =	sadd.s32 s3, s9;
	s6 =	sadd.s32 @!p0 $0x88, s6;
	s7 =	simm.s32 @p2 $0x1082  }
0x22: {  	[simem:s7], [sflag:s8] =	dma.local @!p0 [hbm:s6], $0xF7A  }
0x23: {  	s9 =	sor.u32 $0xD0000000, s2;
	s6 =	simm.s32 $0x108;
	_ =	swait.ge @!p0 [sflag:s8], $0x0  }
0x24: {  	s3 =	sadd.s32 $0x88, s3;
	s6 =	simm.s32 @!p1 $0x1082;
	[sflag:s4] =	ssyncset.s32 $0xFFFFF086  }
0x25: {  	[simem:s6], [sflag:s4] =	dma.local [hbm:s3], $0xF7A  }
0x26: {  	[smem:$0x3F97] =	sst s1;
	(tag) =	ssettag s2;
	_ =	strace s9  }
0x27: {  	s1 =	sld [smem:$0x3FA7]  }
0x28: {  	s2 =	sld [smem:$0x3FA8]  }
0x29: {  	s4 =	sld [smem:$0x3FAA]  }
0x2a: {  	p0 =	seq.s32 s5, $0x0;
	s5 =	sld [smem:$0x3FAB]  }
0x2b: {  	s6 =	sld [smem:$0x3FAC]  }
0x2c: {  	s7 =	sld [smem:$0x3FAD]  }
0x2d: {  	s3 =	simm.s32 $0x108;
	s8 =	sld [smem:$0x3FAE]  }
0x2e: {  	s3 =	simm.s32 @!p0 $0x1082;
	s9 =	sld [smem:$0x3FAF]  }
0x2f: {  	lr =	sadd.s32 s0, s3;
	s0 =	sld [smem:$0x3FA6]  }
0x30: {  	s3 =	sld [smem:$0x3FA9]  }
0x31: {  	[smem:$0x3FB2] =	sst s10  }
0x32: {  	s10 =	sld [smem:$0x3FB0];
	_ =	sdelay $0x3  }
0x33: {  	p0 =	seq.s32 s10, $0x1;
	s10 =	sld [smem:$0x3FB2];
	_ =	sdelay $0x3  }
0x34: {  	[smem:$0x3FB2] =	sst s10  }
0x35: {  	s10 =	sld [smem:$0x3FB1];
	_ =	sdelay $0x3  }
0x36: {  	p1 =	seq.s32 s10, $0x1;
	s10 =	sld [smem:$0x3FB2];
	_ =	sdelay $0x3  }
0x37: {  	[smem:$0x3FB2] =	sst s10  }
0x38: {  	s10 =	sld [smem:$0x3FB3]  }
0x39: {  	_ = 	snop;
	(pc) =	sbr.ind lr, $3  }
0x3a: {  	_ = 	snop  }
0x3b: {  	_ = 	snop  }
0x3c: {  	p2 =	seq.s32 s10, $0x1;
	s10 =	sld [smem:$0x3FB2]  }
0x3d: {  	_ =	shalt  }
0x3e: {  	_ =	shalt  }
0x3f: {  	_ =	shalt  }
0x40: {  	_ =	shalt  }
0x41: {  	_ =	shalt  }
0x42: {  	_ =	shalt  }
0x43: {  	_ =	shalt  }
0x44: {  	_ =	shalt  }
0x45: {  	_ =	shalt  }
0x46: {  	_ =	shalt  }
0x47: {  	_ =	shalt  }
0x48: {  	_ =	shalt  }
0x49: {  	_ =	shalt  }
0x4a: {  	_ =	shalt  }
0x4b: {  	_ =	shalt  }
0x4c: {  	_ =	shalt  }
0x4d: {  	_ =	shalt  }
0x4e: {  	_ =	shalt  }
0x4f: {  	_ =	shalt  }
0x50: {  	_ =	shalt  }
0x51: {  	_ =	shalt  }
0x52: {  	_ =	shalt  }
0x53: {  	_ =	shalt  }
0x54: {  	_ =	shalt  }
0x55: {  	_ =	shalt  }
0x56: {  	_ =	shalt  }
0x57: {  	_ =	shalt  }
0x58: {  	_ =	shalt  }
0x59: {  	_ =	shalt  }
0x5a: {  	_ =	shalt  }
0x5b: {  	_ =	shalt  }
0x5c: {  	_ =	shalt  }
0x5d: {  	_ =	shalt  }
0x5e: {  	_ =	shalt  }
0x5f: {  	_ =	shalt  }
0x60: {  	_ =	shalt  }
0x61: {  	_ =	shalt  }
0x62: {  	_ =	shalt  }
0x63: {  	_ =	shalt  }
0x64: {  	_ =	shalt  }
0x65: {  	_ =	shalt  }
0x66: {  	_ =	shalt  }
0x67: {  	_ =	shalt  }
0x68: {  	_ =	shalt  }
0x69: {  	_ =	shalt  }
0x6a: {  	_ =	shalt  }
0x6b: {  	_ =	shalt  }
0x6c: {  	_ =	shalt  }
0x6d: {  	_ =	shalt  }
0x6e: {  	_ =	shalt  }
0x6f: {  	_ =	shalt  }
0x70: {  	_ =	shalt  }
0x71: {  	_ =	shalt  }
0x72: {  	_ =	shalt  }
0x73: {  	_ =	shalt  }
0x74: {  	_ =	shalt  }
0x75: {  	_ =	shalt  }
0x76: {  	_ =	shalt  }
0x77: {  	_ =	shalt  }
0x78: {  	_ =	shalt  }
0x79: {  	_ =	shalt  }
0x7a: {  	_ =	shalt  }
0x7b: {  	_ =	shalt  }
0x7c: {  	_ =	shalt  }
0x7d: {  	_ =	shalt  }
0x7e: {  	_ =	shalt  }
0x7f: {  	_ =	shalt  }
0x80: {  	_ =	shalt  }
0x81: {  	_ =	shalt  }
0x82: {  	_ =	shalt  }
0x83: {  	_ =	shalt  }
0x84: {  	_ =	shalt  }
0x85: {  	_ =	shalt  }
0x86: {  	_ =	shalt  }
0x87: {  	_ =	shalt  }
.Lfunc_end0:
.L_simem_size_0:
called_computation.1_lowered:
.L_overlay_start_0:
0x88: {  	s2 =	sld [smem:$0x3FD9]  }
0x89: {  	s3 =	sld [smem:$0x3FFE];
	_ =	sdelay $0x1  }
0x8a: {  	s1 =	srdreg.scid  }
0x8b: {  	s0 =	sand.u32 $0x1, s1  }
0x8c: {  	s17 =	sshll.u32 s0, $0xA;
	s2 =	sadd.s32 s3, s2  }
0x8d: {  	s2 =	sadd.s32 s2, s17  }
0x8e: {  	[smem:$0x3FBE] =	sst s2  }
0x8f: {  	_ = 	snop  }
0x90: {  	s2 =	sld [smem:$0x3FC8];
	(tm) =	ssettm $0x1  }
0x91: {  	s18 =	sld [smem:$0x3FFB];
	_ =	sdelay $0x3  }
0x92: {  	_ =	strace s18  }
0x93: {  	s3 =	sld [smem:$0x3FFC];
	_ =	sdelay $0x3  }
0x94: {  	_ =	strace s3  }
0x95: {  	s3 =	sld [smem:$0x3FFD];
	_ =	sdelay $0x3  }
0x96: {  	_ =	strace s3  }
0x97: {  	_ =	strace $0x8FFFFFFF  }
0x98: {  	s19 =	sld [smem:$0x3FDB];
	_ =	sdelay $0x1  }
0x99: {  	s4 =	simm.s32 $_scs_section_size  }
0x9a: {  	s5 =	simm.s32 $_size__tile_overlayer_lowered;
	s6 =	simm.s32 $_tile_overlayer_lowered  }
0x9b: {  	s22 =	simm.s32 $0x1BFF;
	s21 =	sshll.u32 s6, $0x1;
	s3 =	sadd.s32 s4, s19  }
0x9c: {  	s7 =	simm.s32 $0x0;
	s20 =	sshll.u32 s5, $0x1;
	s5 =	sadd.s32 s21, s3  }
0x9d: {  	[timem:s7], [sflag:s22] =	dma.local [hbm:s5], s20  }
0x9e: {  	_ =	swait.ge [sflag:s22], s20  }
0x9f: {  	s4 =	ssub.s32 $0x0, s20;
	[sflag:s22] =	ssyncset.done $0x0  }
0xa0: {  	[sflag:s22] =	ssyncadd.s32 s4;
	_ =	sdelay $0x1  }
0xa1: {  	s23 =	simm.s32 $0x1B8B  }
0xa2: {  	_ =	swait.ge [sflag:s23], $0x1  }
0xa3: {  	[sflag:s23] =	ssyncset.done $0x0  }
0xa4: {  	s25 =	simm.s32 $0x1B8E;
	s24 =	sld [smem:$0x3FFE];
	[sflag:s23] =	ssyncadd.s32 $0xFFFFFFFF  }
0xa5: {  	s26 =	simm.s32 $execute0_lowered;
	[smem:$0x3FD2] =	sst s25  }
0xa6: {  	s5 =	sshll.u32 s26, $0x1;
	_ =	strace $0x80000049;
	[dreg:$0x1] =	wrdreg $0xFFFFFFFF  }
0xa7: {  	s28 =	simm.s32 $_size_execute0_lowered;
	s3 =	sadd.s32 s3, s5;
	[dreg:$0x0] =	wrdreg $0x0  }
0xa8: {  	s5 =	sshll.u32 s28, $0x1;
	[dreg:$0x2] =	wrdreg s3  }
0xa9: {  	[dreg:$0x3] =	wrdreg s5  }
0xaa: {  	[dreg:$0x4] =	wrdreg $0xC0  }
0xab: {  	_ =	task [dreg:s7], $0x5FFFF  }
0xac: {  	[dreg:$0x1] =	wrdreg $0xFFFFFFFF  }
0xad: {  	[dreg:$0x0] =	wrdreg $0x60  }
0xae: {  	[dreg:$0x2] =	wrdreg s24  }
0xaf: {  	[dreg:$0x3] =	wrdreg s2  }
0xb0: {  	[dreg:$0x4] =	wrdreg $0x9  }
0xb1: {  	_ =	task.clear_ibuf [dreg:s7], $0x5FFFF;
	_ =	strace $0x90000049  }
0xb2: {  	s29 =	simm.s32 $0x9;
	_ =	strace $0x8000004B  }
0xb3: {  	_ =	swait.ge [sflag:s29], $0x1  }
0xb4: {  	[sflag:s29] =	ssyncadd.s32 $0xFFFFFFFF  }
0xb5: {  	_ =	strace $0x9000004B  }
0xb6: {  	_ =	sfence  }
0xb7: {  	s30 =	sld [smem:$0x0];
	_ =	sdelay $0x2  }
0xb8: {  	s31 =	sshll.u32 s1, $0xD;
	s1 =	sshrl.u32 s1, $0x2  }
0xb9: {  	s3 =	sand.u32 $0x4000, s31;
	s1 =	sadd.s32 s1, s30  }
0xba: {  	s0 =	sor.u32 s3, s0;
	s1 =	sshll.u32 s1, $0x11  }
0xbb: {  	s0 =	sor.u32 s1, s0  }
0xbc: {  	s0 =	sadd.s32 $0x8F2B, s0  }
0xbd: {  	[sflag:s0] =	ssyncadd.remote.s32 $0x1  }
0xbe: {  	_ =	sfence.sel $0xFFFF  }
0xbf: {  	[dreg:$0x0] =	wrdreg $0xFFFFFFFF;
	(pc) =	sbr.abs _section_cstart, $3  }
0xc0: {  	[dreg:$0x1] =	wrdreg $0xFFFFFFFF  }
0xc1: {  	_ =	task.clear_ibuf [dreg:s7], $0x2FFFF;
	_ =	strace $0x9FFFFFFF  }
0xc2: {  	(tm) =	ssettm $0x7FFFFFFF  }
0xc3: {  	_ =	shalt  }
tec
execute0_lowered:
.L_overlay_start_1:
0x0: {  	(tag) =	ssettag $0x1  }
0x1: {  	s0 =	srdreg.scid;
	s5 =	rddreg [dreg:$0x0]  }
0x2: {  	s7 =	rddreg [dreg:$0x1];
	s1 =	stileid.u32  }
0x3: {  	s6 =	sand.u32 $0x1, s0;
	s0 =	rddreg [dreg:$0x2];
	s3 =	sshll.u32 s1, $0x4  }
0x4: {  	s26 =	sand.u32 $0x7, s1;
	s28 =	sadd.s32 $0xFFFFFFFF, s1;
	s19 =	sadd.s32 $0x1, s1  }
0x5: {  	s14 =	sadd.s32 $0x6, s1;
	s22 =	sadd.s32 $0x2, s1;
	s23 =	sadd.s32 $0x5, s1  }
0x6: {  	s2 =	sshll.u32 s6, $0x4;
	s3 =	sand.u32 $0x70, s3;
	s6 =	ssub.s32 $0x2, s6  }
0x7: {  	s13 =	sand.u32 $0x7, s28;
	s31 =	sshll.u32 s26, $0x6;
	s14 =	sand.u32 $0x7, s14  }
0x8: {  	s28 =	sadd.s32 $0x3, s1;
	s4 =	sor.u32 s1, s2;
	s2 =	simm.s32 $0x0  }
0x9: {  	s25 =	sshrl.u32 s6, $0x1;
	s11 =	sxor.u32 $0x40, s3;
	s30 =	sshll.u32 s13, $0x6  }
0xa: {  	s14 =	sshll.u32 s14, $0x6;
	s13 =	sshrl.u32 s31, $0x2;
	s8 =	smul.u32 $0x2710, s4  }
0xb: {  	[smem:$0x7FF] =	sst s2;
	s9 =	smul.u32 $0x13C0, s4;
	s4 =	sadd.s32 $0x4800, s5  }
0xc: {  	s10 =	ssub.s32 s6, s25;
	s11 =	sshll.u32 s11, $0x2;
	v1 =	vmov s13;
	s13 =	simm.s32 $0x0  }
0xd: {  	_ =	strace $0x8000004A;
	s8 =	ssub.s32 s8, s3;
	s9 =	sadd.s32 s9, s5  }
0xe: {  	s8 =	sshrl.u32 s8, $0x2;
	s6 =	sadd.s32 $0x5C00, s9;
	s9 =	sshll.u32 s26, $0x7  }
0xf: {  	s8 =	sand.u32 $0xFFFFFE0, s8;
	s12 =	sadd.s32 $0x3FC, s9;
	s18 =	sadd.s32 $0x80, s9  }
0x10: {  	s15 =	sadd.s32 $0x300, s9;
	s21 =	sadd.s32 $0x100, s9;
	s26 =	sadd.s32 $0x180, s9  }
0x11: {  	s5 =	sadd.s32 s7, s8;
	s7 =	smax.u32 s10, $0x1;
	s29 =	sand.u32 $0x400, s12  }
0x12: {  	s10 =	sand.u32 $0x400, s18;
	s12 =	sand.u32 $0x7, s19;
	s15 =	sand.u32 $0x400, s15  }
0x13: {  	s8 =	sand.u32 $0x400, s21;
	s17 =	sor.u32 s30, s29;
	s12 =	sshll.u32 s12, $0x6  }
0x14: {  	s20 =	sor.u32 s14, s15;
	s15 =	sand.u32 $0x7, s23;
	s16 =	sor.u32 $0x200, s17  }
0x15: {  	s12 =	sor.u32 s12, s10;
	s14 =	sor.u32 $0x200, s20;
	s10 =	sand.u32 $0x7, s22  }
0x16: {  	s17 =	sadd.s32 $0x280, s9;
	s25 =	sshll.u32 s15, $0x6;
	s15 =	sand.u32 $0x7, s28  }
0x17: {  	s9 =	sadd.s32 $0x200, s9;
	s10 =	sshll.u32 s10, $0x6;
	s24 =	sand.u32 $0x400, s17  }
0x18: {  	s15 =	sshll.u32 s15, $0x6;
	s18 =	sor.u32 s10, s8;
	s10 =	sand.u32 $0x400, s26  }
0x19: {  	s9 =	sand.u32 $0x400, s9;
	s12 =	sshrl.u32 s12, $0x2;
	s15 =	sor.u32 s15, s10  }
0x1a: {  	s14 =	sshrl.u32 s14, $0x2;
	s16 =	sshrl.u32 s16, $0x2;
	s15 =	sshrl.u32 s15, $0x2  }
0x1b: {  	s8 =	sor.u32 s25, s24;
	s30 =	sor.u32 s11, s9;
	s9 =	simm.s32 $0x1;
	v4 =	vmov s15  }
0x1c: {  	v2 =	vmov s12;
	s12 =	simm.s32 $0x3;
	s29 =	sor.u32 $0x200, s8;
	s11 =	sor.u32 $0x200, s30  }
0x1d: {  	v0 =	vimm.f32 $0.0e+00;
	v7 =	vmov s14;
	v8 =	vmov s16;
	s18 =	sshrl.u32 s18, $0x2;
	s11 =	sshrl.u32 s11, $0x2;
	s31 =	sshrl.u32 s29, $0x2  }
0x1e: {  	s8 =	simm.s32 $0x9E00;
	s10 =	simm.s32 $0x2;
	v3 =	vmov s18;
	v5 =	vmov s11;
	s11 =	simm.s32 $0xED00;
	v6 =	vmov s31  }
.LBB2_1:
0x1f: {  	[tilespmem:s8], [sflag:$0x1] =	stream.linear.gather [hbm4b:s5+s2], $0x4F00, $0x38;
	[tilespmem:$0x18B00] =	vst v63  }
0x20: {  	s14 =	simm.s32 $0xEE00  }
0x21: {  	[tilespmem:s2], [sflag:$0x2] =	stream.linear.gather [hbm4b:s4+s2], $0x9E00, $0x38;
	[tilespmem:$0x18B00] =	vst v63  }
0x22: {  	[tilespmem:s14+$0xFFFFFF00] =	vst v0  }
0x23: {  	[tilespmem:s14+$0xF0] =	vst v0  }
0x24: {  	[tilespmem:s14+$0x70] =	vst v0  }
0x25: {  	[tilespmem:s14+$0xFFFFFFF0] =	vst v0  }
0x26: {  	[tilespmem:s14+$0xFFFFFF70] =	vst v0  }
0x27: {  	[tilespmem:s14+$0xE0] =	vst v0  }
0x28: {  	[tilespmem:s14+$0x60] =	vst v0  }
0x29: {  	[tilespmem:s14+$0xFFFFFFE0] =	vst v0  }
0x2a: {  	[tilespmem:s14+$0xFFFFFF60] =	vst v0  }
0x2b: {  	[tilespmem:s14+$0xD0] =	vst v0  }
0x2c: {  	[tilespmem:s14+$0x50] =	vst v0  }
0x2d: {  	[tilespmem:s14+$0xFFFFFFD0] =	vst v0  }
0x2e: {  	[tilespmem:s14+$0xFFFFFF50] =	vst v0  }
0x2f: {  	[tilespmem:s14+$0xC0] =	vst v0  }
0x30: {  	[tilespmem:s14+$0x40] =	vst v0  }
0x31: {  	[tilespmem:s14+$0xFFFFFFC0] =	vst v0  }
0x32: {  	[tilespmem:s14+$0xFFFFFF40] =	vst v0  }
0x33: {  	[tilespmem:s14+$0xB0] =	vst v0  }
0x34: {  	[tilespmem:s14+$0x30] =	vst v0  }
0x35: {  	[tilespmem:s14+$0xFFFFFFB0] =	vst v0  }
0x36: {  	[tilespmem:s14+$0xFFFFFF30] =	vst v0  }
0x37: {  	[tilespmem:s14+$0xA0] =	vst v0  }
0x38: {  	[tilespmem:s14+$0x20] =	vst v0  }
0x39: {  	[tilespmem:s14+$0xFFFFFFA0] =	vst v0  }
0x3a: {  	[tilespmem:s14+$0xFFFFFF20] =	vst v0  }
0x3b: {  	[tilespmem:s14+$0x90] =	vst v0  }
0x3c: {  	[tilespmem:s14+$0x10] =	vst v0  }
0x3d: {  	[tilespmem:s14+$0xFFFFFF90] =	vst v0  }
0x3e: {  	[tilespmem:s14+$0xFFFFFF10] =	vst v0  }
0x3f: {  	[tilespmem:s14+$0x80] =	vst v0  }
0x40: {  	s15 =	simm.s32 $0x0;
	[tilespmem:s14+$0x0] =	vst v0  }
.LBB2_2:
0x41: {  	s15 =	sadd.s32 $0x8, s15;
	[tilespmem:s14+$0xFFFFFF80] =	vst v0;
	s14 =	sadd.s32 $0x200, s14  }
0x42: {  	[tilespmem:s14+$0xFFFFFF00] =	vst v0;
	p0 =	slt.u32 s15, $0x268  }
0x43: {  	[tilespmem:s14+$0xF0] =	vst v0  }
0x44: {  	[tilespmem:s14+$0x70] =	vst v0  }
0x45: {  	[tilespmem:s14+$0xFFFFFFF0] =	vst v0  }
0x46: {  	[tilespmem:s14+$0xFFFFFF70] =	vst v0  }
0x47: {  	[tilespmem:s14+$0xE0] =	vst v0  }
0x48: {  	[tilespmem:s14+$0x60] =	vst v0  }
0x49: {  	[tilespmem:s14+$0xFFFFFFE0] =	vst v0  }
0x4a: {  	[tilespmem:s14+$0xFFFFFF60] =	vst v0  }
0x4b: {  	[tilespmem:s14+$0xD0] =	vst v0  }
0x4c: {  	[tilespmem:s14+$0x50] =	vst v0  }
0x4d: {  	[tilespmem:s14+$0xFFFFFFD0] =	vst v0  }
0x4e: {  	[tilespmem:s14+$0xFFFFFF50] =	vst v0  }
0x4f: {  	[tilespmem:s14+$0xC0] =	vst v0  }
0x50: {  	[tilespmem:s14+$0x40] =	vst v0  }
0x51: {  	[tilespmem:s14+$0xFFFFFFC0] =	vst v0  }
0x52: {  	[tilespmem:s14+$0xFFFFFF40] =	vst v0  }
0x53: {  	[tilespmem:s14+$0xB0] =	vst v0  }
0x54: {  	[tilespmem:s14+$0x30] =	vst v0  }
0x55: {  	[tilespmem:s14+$0xFFFFFFB0] =	vst v0  }
0x56: {  	[tilespmem:s14+$0xFFFFFF30] =	vst v0  }
0x57: {  	[tilespmem:s14+$0xA0] =	vst v0  }
0x58: {  	[tilespmem:s14+$0x20] =	vst v0  }
0x59: {  	[tilespmem:s14+$0xFFFFFFA0] =	vst v0  }
0x5a: {  	[tilespmem:s14+$0xFFFFFF20] =	vst v0  }
0x5b: {  	[tilespmem:s14+$0x90] =	vst v0  }
.Ltmp0:
0x5c: {  	[tilespmem:s14+$0x10] =	vst v0;
	(pc) =	sbr.rel @p0 .LBB2_2-.Ltmp0, $4  }
0x5d: {  	[tilespmem:s14+$0xFFFFFF90] =	vst v0  }
0x5e: {  	[tilespmem:s14+$0xFFFFFF10] =	vst v0  }
0x5f: {  	[tilespmem:s14+$0x80] =	vst v0  }
0x60: {  	[tilespmem:s14+$0x0] =	vst v0  }
0x61: {  	[tilespmem:s14+$0xFFFFFF80] =	vst v0  }
0x62: {  	[tilespmem:$0x18900] =	vst v0  }
0x63: {  	[tilespmem:$0x18980] =	vst v0  }
0x64: {  	[tilespmem:$0x18A00] =	vst v0  }
0x65: {  	[tilespmem:$0x18A80] =	vst v0  }
0x66: {  	_ =	swait.ge [sflag:s9], $0x4F00  }
0x67: {  	[sflag:s9] =	ssyncset.done $0x0  }
0x68: {  	[sflag:s9] =	ssyncadd.s32 $0xFFFFB100  }
0x69: {  	_ =	swait.ge [sflag:s10], $0x9E00  }
0x6a: {  	[sflag:s10] =	ssyncset.done $0x0  }
0x6b: {  	s14 =	simm.s32 $0x9E00;
	[sflag:s10] =	ssyncadd.s32 $0xFFFF6200  }
0x6c: {  	v9 =	vld.idx.msk [tilespmem:v1+s14+$0x0 ss:$0x1], $0xffff  }
0x6d: {  	v11 =	vld.idx.msk [tilespmem:v8+s14+$0xFFFFFF80 ss:$0x1], $0xffff  }
0x6e: {  	v12 =	vld.idx.msk [tilespmem:v7+s14+$0xFFFFFF80 ss:$0x1], $0xffff  }
0x6f: {  	v16 =	vld.idx.msk [tilespmem:v3+s14+$0x0 ss:$0x1], $0xffff  }
0x70: {  	v19 =	vld.idx.msk [tilespmem:v4+s14+$0x0 ss:$0x1], $0xffff  }
0x71: {  	v15 =	vld.idx.msk [tilespmem:v1+s14+$0x80 ss:$0x1], $0xffff;
	v10 =	vshll.u32 v9, $0x2  }
0x72: {  	v17 =	vld.idx.msk [tilespmem:v5+s14+$0xFFFFFF80 ss:$0x1], $0xffff;
	v9 =	vand.u32 $0x7F, v9;
	v10 =	vand.u32 $0xFFFFFE00, v10  }
0x73: {  	v18 =	vld.idx.msk [tilespmem:v6+s14+$0xFFFFFF80 ss:$0x1], $0xffff;
	v20 =	vshll.u32 v12, $0x2;
	v10 =	vor.u32 v9, v10;
	v9 =	vshll.u32 v11, $0x2  }
0x74: {  	v21 =	vld.idx.msk [tilespmem:v8+s14+$0x0 ss:$0x1], $0xffff;
	v28 =	vshll.u32 v16, $0x2;
	v11 =	vand.u32 $0x7F, v11;
	v9 =	vand.u32 $0xFFFFFE00, v9  }
0x75: {  	v14 =	vld.idx.msk [tilespmem:v2+s14+$0x0 ss:$0x1], $0xffff;
	v30 =	vand.u32 $0x7F, v16;
	v28 =	vand.u32 $0xFFFFFE00, v28;
	v13 =	vor.u32 v11, v9  }
0x76: {  	v23 =	vld.idx.msk [tilespmem:v3+s14+$0x80 ss:$0x1], $0xffff;
	v9 =	vshll.u32 v15, $0x2;
	v11 =	vand.u32 $0x7F, v12;
	v12 =	vand.u32 $0xFFFFFE00, v20  }
0x77: {  	v24 =	vld.idx.msk [tilespmem:v7+s14+$0x0 ss:$0x1], $0xffff;
	v15 =	vand.u32 $0x7F, v15;
	v9 =	vand.u32 $0xFFFFFE00, v9;
	v20 =	vor.u32 v11, v12  }
0x78: {  	v25 =	vld.idx.msk [tilespmem:v4+s14+$0x80 ss:$0x1], $0xffff;
	v12 =	vor.u32 $0x80, v10;
	v11 =	vshll.u32 v18, $0x2;
	v9 =	vor.u32 v15, v9  }
0x79: {  	v15 =	vshll.u32 v17, $0x2;
	v26 =	vand.u32 $0xFFFFFE00, v11;
	v11 =	vshll.u32 v21, $0x2;
	v22 =	vld.idx.msk [tilespmem:v10+s2+$0x0], $0xffff  }
0x7a: {  	v29 =	vld.idx.msk [tilespmem:v6+s14+$0x0 ss:$0x1], $0xffff;
	v21 =	vand.u32 $0x7F, v21;
	v17 =	vand.u32 $0x7F, v17;
	v11 =	vand.u32 $0xFFFFFE00, v11  }
0x7b: {  	v15 =	vand.u32 $0xFFFFFE00, v15;
	v16 =	vor.u32 v21, v11;
	v11 =	vor.u32 v30, v28;
	v28 =	vld.idx.msk [tilespmem:v2+s14+$0x80 ss:$0x1], $0xffff  }
0x7c: {  	v15 =	vor.u32 v17, v15;
	v27 =	vld.idx.msk [tilespmem:v13+s2+$0x0], $0xffff  }
0x7d: {  	v31 =	vld.idx.msk [tilespmem:v20+s2+$0x0], $0xffff  }
0x7e: {  	v18 =	vand.u32 $0x7F, v18;
	[tilespmem:v9+s11+$0x0] =	vst.idx.add.f32.msk $0xffff, v22  }
0x7f: {  	v34 =	vor.u32 $0x80, v13;
	v17 =	vshll.u32 v24, $0x2;
	v21 =	vld.idx.msk [tilespmem:v12+s2+$0x0], $0xffff;
	v12 =	vor.u32 v18, v26  }
0x80: {  	v30 =	vor.u32 $0x80, v9;
	v17 =	vand.u32 $0xFFFFFE00, v17;
	v18 =	vand.u32 $0x7F, v24;
	v24 =	vld.idx.msk [tilespmem:v5+s14+$0x0 ss:$0x1], $0xffff  }
0x81: {  	v26 =	vshll.u32 v14, $0x2;
	v14 =	vand.u32 $0x7F, v14;
	v32 =	vld.idx.msk [tilespmem:v15+s2+$0x0], $0xffff;
	v22 =	vor.u32 v18, v17  }
0x82: {  	v17 =	vand.u32 $0xFFFFFE00, v26;
	v26 =	vor.u32 $0x80, v20;
	[tilespmem:v16+s11+$0x0] =	vst.idx.add.f32.msk $0xffff, v27;
	v18 =	vshll.u32 v29, $0x2  }
0x83: {  	v27 =	vld.idx.msk [tilespmem:v11+s2+$0x0], $0xffff;
	v29 =	vand.u32 $0x7F, v29;
	v14 =	vor.u32 v14, v17;
	v17 =	vshll.u32 v23, $0x2  }
0x84: {  	v18 =	vand.u32 $0xFFFFFE00, v18;
	v23 =	vand.u32 $0x7F, v23;
	v35 =	vand.u32 $0xFFFFFE00, v17;
	v33 =	vld.idx.msk [tilespmem:v12+s2+$0x0], $0xffff  }
0x85: {  	v17 =	vor.u32 v29, v18;
	v18 =	vor.u32 v23, v35;
	[tilespmem:v30+s11+$0x0] =	vst.idx.add.f32.msk $0xffff, v21  }
0x86: {  	v60 =	vor.u32 $0x80, v22;
	v29 =	vshll.u32 v19, $0x2;
	[tilespmem:v22+s11+$0x0] =	vst.idx.add.f32.msk $0xffff, v31  }
0x87: {  	v21 =	vshll.u32 v24, $0x2;
	v23 =	vld.idx.msk [tilespmem:v26+s2+$0x0], $0xffff;
	v26 =	vand.u32 $0xFFFFFE00, v29;
	v29 =	vor.u32 $0x80, v11  }
0x88: {  	v34 =	vld.idx.msk [tilespmem:v34+s2+$0x0], $0xffff;
	v19 =	vand.u32 $0x7F, v19;
	v24 =	vand.u32 $0x7F, v24;
	v30 =	vand.u32 $0xFFFFFE00, v21  }
0x89: {  	v31 =	vld.idx.msk [tilespmem:v14+s2+$0x0], $0xffff;
	v24 =	vor.u32 v24, v30;
	v19 =	vor.u32 v19, v26;
	v26 =	vshll.u32 v28, $0x2  }
0x8a: {  	v28 =	vand.u32 $0x7F, v28;
	v26 =	vand.u32 $0xFFFFFE00, v26;
	[tilespmem:v18+s11+$0x0] =	vst.idx.add.f32.msk $0xffff, v27;
	v27 =	vor.u32 $0x80, v16  }
0x8b: {  	v21 =	vor.u32 v28, v26;
	[tilespmem:v17+s11+$0x0] =	vst.idx.add.f32.msk $0xffff, v33  }
0x8c: {  	v28 =	vor.u32 $0x80, v15;
	v30 =	vld.idx.msk [tilespmem:v29+s2+$0x0], $0xffff  }
0x8d: {  	[tilespmem:v60+s11+$0x0] =	vst.idx.add.f32.msk $0xffff, v23;
	v23 =	vor.u32 $0x100, v20  }
0x8e: {  	v29 =	vor.u32 $0x100, v13;
	[tilespmem:v24+s11+$0x0] =	vst.idx.add.f32.msk $0xffff, v32  }
0x8f: {  	[tilespmem:v27+s11+$0x0] =	vst.idx.add.f32.msk $0xffff, v34  }
0x90: {  	v61 =	vor.u32 $0x80, v12;
	[tilespmem:v21+s11+$0x0] =	vst.idx.add.f32.msk $0xffff, v31  }
0x91: {  	v62 =	vor.u32 $0x80, v14;
	v28 =	vld.idx.msk [tilespmem:v28+s2+$0x0], $0xffff  }
0x92: {  	v63 =	vor.u32 $0x100, v10;
	v31 =	vld.idx.msk [tilespmem:v23+s2+$0x0], $0xffff;
	v23 =	vshll.u32 v25, $0x2  }
0x93: {  	v36 =	vor.u32 $0x80, v24;
	v32 =	vld.idx.msk [tilespmem:v29+s2+$0x0], $0xffff;
	v29 =	vand.u32 $0x7F, v25;
	v23 =	vand.u32 $0xFFFFFE00, v23  }
0x94: {  	v26 =	vld.idx.msk [tilespmem:v19+s2+$0x0], $0xffff;
	v23 =	vor.u32 v29, v23  }
0x95: {  	v27 =	vld.idx.msk [tilespmem:v61+s2+$0x0], $0xffff  }
0x96: {  	v33 =	vld.idx.msk [tilespmem:v62+s2+$0x0], $0xffff;
	v29 =	vor.u32 $0x80, v19  }
0x97: {  	v25 =	vld.idx.msk [tilespmem:v63+s2+$0x0], $0xffff  }
0x98: {  	s15 =	simm.s32 $0x0;
	v34 =	vor.u32 $0x80, v17;
	[tilespmem:v36+s11+$0x0] =	vst.idx.add.f32.msk $0xffff, v28  }
.LBB2_4:
0x99: {  	s15 =	sadd.s32 $0x8, s15;
	[tilespmem:v23+s11+$0x0] =	vst.idx.add.f32.msk $0xffff, v26;
	s14 =	sadd.s32 $0x100, s14  }
0x9a: {  	v28 =	vld.idx.msk [tilespmem:v4+s14+$0x0 ss:$0x1], $0xffff;
	p0 =	slt.u32 s15, $0x268  }
0x9b: {  	v35 =	vld.idx.msk [tilespmem:v29+s2+$0x0], $0xffff  }
0x9c: {  	v26 =	vld.idx.msk [tilespmem:v2+s14+$0x0 ss:$0x1], $0xffff  }
0x9d: {  	[tilespmem:v34+s11+$0x0] =	vst.idx.add.f32.msk $0xffff, v27  }
0x9e: {  	v34 =	vld.idx.msk [tilespmem:v1+s14+$0x0 ss:$0x1], $0xffff  }
0x9f: {  	v36 =	vor.u32 $0x80, v21;
	v29 =	vld.idx.msk [tilespmem:v3+s14+$0x0 ss:$0x1], $0xffff  }
0xa0: {  	v38 =	vor.u32 $0x100, v16;
	v37 =	vld.idx.msk [tilespmem:v7+s14+$0xFFFFFF80 ss:$0x1], $0xffff  }
0xa1: {  	v27 =	vld.idx.msk [tilespmem:v5+s14+$0xFFFFFF80 ss:$0x1], $0xffff  }
0xa2: {  	v40 =	vor.u32 $0x100, v22;
	v39 =	vld.idx.msk [tilespmem:v6+s14+$0xFFFFFF80 ss:$0x1], $0xffff  }
0xa3: {  	v20 =	vor.u32 $0x180, v20;
	v41 =	vld.idx.msk [tilespmem:v8+s14+$0xFFFFFF80 ss:$0x1], $0xffff  }
0xa4: {  	[tilespmem:v36+s11+$0x0] =	vst.idx.add.f32.msk $0xffff, v33;
	v33 =	vor.u32 $0x80, v18  }
0xa5: {  	v36 =	vor.u32 $0x100, v11;
	[tilespmem:v38+s11+$0x0] =	vst.idx.add.f32.msk $0xffff, v32  }
0xa6: {  	v38 =	vor.u32 $0x100, v14;
	v32 =	vld.idx.msk [tilespmem:v1+s14+$0x80 ss:$0x1], $0xffff  }
0xa7: {  	[tilespmem:v40+s11+$0x0] =	vst.idx.add.f32.msk $0xffff, v31  }
0xa8: {  	v31 =	vor.u32 $0x100, v15;
	v20 =	vld.idx.msk [tilespmem:v20+s2+$0x0], $0xffff  }
0xa9: {  	[tilespmem:v33+s11+$0x0] =	vst.idx.add.f32.msk $0xffff, v30;
	v30 =	vor.u32 $0x100, v12  }
0xaa: {  	v13 =	vor.u32 $0x180, v13;
	v33 =	vld.idx.msk [tilespmem:v36+s2+$0x0], $0xffff  }
0xab: {  	v36 =	vld.idx.msk [tilespmem:v38+s2+$0x0], $0xffff;
	v38 =	vor.u32 $0x80, v23  }
0xac: {  	v43 =	vor.u32 $0x100, v19;
	v40 =	vshll.u32 v32, $0x2;
	v42 =	vld.idx.msk [tilespmem:v8+s14+$0x0 ss:$0x1], $0xffff  }
0xad: {  	v44 =	vor.u32 $0x100, v21;
	v40 =	vand.u32 $0xFFFFFE00, v40;
	v31 =	vld.idx.msk [tilespmem:v31+s2+$0x0], $0xffff  }
0xae: {  	v22 =	vor.u32 $0x180, v22;
	v30 =	vld.idx.msk [tilespmem:v30+s2+$0x0], $0xffff  }
0xaf: {  	v45 =	vor.u32 $0x100, v24;
	v13 =	vld.idx.msk [tilespmem:v13+s2+$0x0], $0xffff  }
0xb0: {  	[tilespmem:v38+s11+$0x0] =	vst.idx.add.f32.msk $0xffff, v35;
	v35 =	vor.u32 $0x100, v17  }
0xb1: {  	v38 =	vor.u32 $0x100, v18;
	v43 =	vld.idx.msk [tilespmem:v43+s2+$0x0], $0xffff  }
0xb2: {  	[tilespmem:v44+s11+$0x0] =	vst.idx.add.f32.msk $0xffff, v36;
	v36 =	vor.u32 $0x100, v23  }
0xb3: {  	v16 =	vor.u32 $0x180, v16;
	[tilespmem:v22+s11+$0x0] =	vst.idx.add.f32.msk $0xffff, v20  }
0xb4: {  	v19 =	vor.u32 $0x180, v19;
	[tilespmem:v45+s11+$0x0] =	vst.idx.add.f32.msk $0xffff, v31  }
0xb5: {  	v15 =	vor.u32 $0x180, v15;
	[tilespmem:v35+s11+$0x0] =	vst.idx.add.f32.msk $0xffff, v30  }
0xb6: {  	v20 =	vor.u32 $0x100, v9;
	[tilespmem:v38+s11+$0x0] =	vst.idx.add.f32.msk $0xffff, v33  }
0xb7: {  	v14 =	vor.u32 $0x180, v14;
	[tilespmem:v36+s11+$0x0] =	vst.idx.add.f32.msk $0xffff, v43  }
0xb8: {  	v10 =	vor.u32 $0x180, v10;
	[tilespmem:v16+s11+$0x0] =	vst.idx.add.f32.msk $0xffff, v13  }
0xb9: {  	v11 =	vor.u32 $0x180, v11;
	v12 =	vor.u32 $0x180, v12;
	v13 =	vld.idx.msk [tilespmem:v19+s2+$0x0], $0xffff  }
0xba: {  	v15 =	vld.idx.msk [tilespmem:v15+s2+$0x0], $0xffff  }
0xbb: {  	v16 =	vor.u32 $0x180, v24;
	[tilespmem:v20+s11+$0x0] =	vst.idx.add.f32.msk $0xffff, v25  }
0xbc: {  	v19 =	vor.u32 $0x180, v23;
	v14 =	vld.idx.msk [tilespmem:v14+s2+$0x0], $0xffff  }
0xbd: {  	v21 =	vor.u32 $0x180, v21;
	v20 =	vld.idx.msk [tilespmem:v10+s2+$0x0], $0xffff  }
0xbe: {  	v22 =	vor.u32 $0x180, v9;
	v12 =	vld.idx.msk [tilespmem:v12+s2+$0x0], $0xffff  }
0xbf: {  	v18 =	vor.u32 $0x180, v18;
	v17 =	vor.u32 $0x180, v17;
	v9 =	vand.u32 $0x7F, v32;
	v11 =	vld.idx.msk [tilespmem:v11+s2+$0x0], $0xffff  }
0xc0: {  	v9 =	vor.u32 v9, v40;
	v23 =	vshll.u32 v34, $0x2;
	v10 =	vand.u32 $0x7F, v34;
	[tilespmem:v16+s11+$0x0] =	vst.idx.add.f32.msk $0xffff, v15  }
0xc1: {  	v15 =	vand.u32 $0xFFFFFE00, v23;
	v16 =	vand.u32 $0x7F, v41;
	v23 =	vshll.u32 v41, $0x2;
	[tilespmem:v19+s11+$0x0] =	vst.idx.add.f32.msk $0xffff, v13  }
0xc2: {  	v10 =	vor.u32 v10, v15;
	v15 =	vand.u32 $0x7F, v37;
	v13 =	vshll.u32 v37, $0x2;
	[tilespmem:v21+s11+$0x0] =	vst.idx.add.f32.msk $0xffff, v14  }
0xc3: {  	v21 =	vor.u32 $0x80, v10;
	v14 =	vshll.u32 v39, $0x2;
	v19 =	vand.u32 $0xFFFFFE00, v13;
	[tilespmem:v22+s11+$0x0] =	vst.idx.add.f32.msk $0xffff, v20  }
0xc4: {  	v13 =	vand.u32 $0xFFFFFE00, v23;
	v22 =	vshll.u32 v27, $0x2;
	v14 =	vand.u32 $0xFFFFFE00, v14;
	[tilespmem:v17+s11+$0x0] =	vst.idx.add.f32.msk $0xffff, v12  }
0xc5: {  	v13 =	vor.u32 v16, v13;
	v12 =	vshll.u32 v28, $0x2;
	v17 =	vand.u32 $0x7F, v39;
	[tilespmem:v18+s11+$0x0] =	vst.idx.add.f32.msk $0xffff, v11  }
0xc6: {  	v16 =	vand.u32 $0x7F, v28;
	v11 =	vshll.u32 v29, $0x2;
	v23 =	vand.u32 $0xFFFFFE00, v12;
	v18 =	vld.idx.msk [tilespmem:v3+s14+$0x80 ss:$0x1], $0xffff  }
0xc7: {  	v20 =	vor.u32 v15, v19;
	v12 =	vshll.u32 v26, $0x2;
	v11 =	vand.u32 $0xFFFFFE00, v11;
	v24 =	vld.idx.msk [tilespmem:v10+s2+$0x0], $0xffff  }
0xc8: {  	v19 =	vand.u32 $0x7F, v29;
	v15 =	vand.u32 $0xFFFFFE00, v12;
	v12 =	vor.u32 v17, v14;
	v17 =	vld.idx.msk [tilespmem:v7+s14+$0x0 ss:$0x1], $0xffff  }
0xc9: {  	v14 =	vand.u32 $0x7F, v26;
	v11 =	vor.u32 v19, v11;
	v19 =	vshll.u32 v42, $0x2;
	v25 =	vld.idx.msk [tilespmem:v4+s14+$0x80 ss:$0x1], $0xffff  }
0xca: {  	v22 =	vand.u32 $0xFFFFFE00, v22;
	v14 =	vor.u32 v14, v15;
	v15 =	vand.u32 $0x7F, v27;
	v26 =	vld.idx.msk [tilespmem:v13+s2+$0x0], $0xffff  }
0xcb: {  	v15 =	vor.u32 v15, v22;
	v22 =	vand.u32 $0x7F, v42;
	v28 =	vand.u32 $0xFFFFFE00, v19;
	v27 =	vld.idx.msk [tilespmem:v6+s14+$0x0 ss:$0x1], $0xffff  }
0xcc: {  	v19 =	vor.u32 v16, v23;
	v16 =	vor.u32 v22, v28;
	v29 =	vshll.u32 v18, $0x2;
	v30 =	vld.idx.msk [tilespmem:v20+s2+$0x0], $0xffff  }
0xcd: {  	[tilespmem:v9+s11+$0x0] =	vst.idx.add.f32.msk $0xffff, v24;
	v24 =	vand.u32 $0xFFFFFE00, v29  }
0xce: {  	v22 =	vand.u32 $0x7F, v17;
	v17 =	vshll.u32 v17, $0x2;
	v21 =	vld.idx.msk [tilespmem:v21+s2+$0x0], $0xffff  }
0xcf: {  	v23 =	vshll.u32 v25, $0x2;
	v17 =	vand.u32 $0xFFFFFE00, v17;
	v28 =	vld.idx.msk [tilespmem:v5+s14+$0x0 ss:$0x1], $0xffff  }
0xd0: {  	v23 =	vand.u32 $0xFFFFFE00, v23;
	v22 =	vor.u32 v22, v17;
	v29 =	vld.idx.msk [tilespmem:v2+s14+$0x80 ss:$0x1], $0xffff  }
0xd1: {  	v31 =	vor.u32 $0x80, v20;
	v17 =	vand.u32 $0x7F, v25;
	v25 =	vshll.u32 v27, $0x2;
	[tilespmem:v16+s11+$0x0] =	vst.idx.add.f32.msk $0xffff, v26  }
0xd2: {  	v23 =	vor.u32 v17, v23;
	v17 =	vand.u32 $0xFFFFFE00, v25;
	v26 =	vld.idx.msk [tilespmem:v11+s2+$0x0], $0xffff  }
0xd3: {  	v32 =	vor.u32 $0x80, v11;
	v25 =	vor.u32 $0x80, v9;
	v33 =	vld.idx.msk [tilespmem:v15+s2+$0x0], $0xffff  }
0xd4: {  	v35 =	vor.u32 $0x80, v13;
	v27 =	vand.u32 $0x7F, v27;
	v34 =	vld.idx.msk [tilespmem:v12+s2+$0x0], $0xffff  }
0xd5: {  	v18 =	vand.u32 $0x7F, v18;
	v17 =	vor.u32 v27, v17;
	v36 =	vshll.u32 v28, $0x2;
	[tilespmem:v22+s11+$0x0] =	vst.idx.add.f32.msk $0xffff, v30  }
0xd6: {  	v18 =	vor.u32 v18, v24;
	v27 =	vand.u32 $0x7F, v29;
	v29 =	vshll.u32 v29, $0x2;
	v31 =	vld.idx.msk [tilespmem:v31+s2+$0x0], $0xffff  }
0xd7: {  	v24 =	vand.u32 $0xFFFFFE00, v29;
	v29 =	vand.u32 $0xFFFFFE00, v36;
	v37 =	vld.idx.msk [tilespmem:v14+s2+$0x0], $0xffff  }
0xd8: {  	[tilespmem:v25+s11+$0x0] =	vst.idx.add.f32.msk $0xffff, v21;
	v25 =	vor.u32 $0x80, v22  }
0xd9: {  	v36 =	vor.u32 $0x80, v15;
	v35 =	vld.idx.msk [tilespmem:v35+s2+$0x0], $0xffff  }
0xda: {  	v21 =	vor.u32 v27, v24;
	v24 =	vand.u32 $0x7F, v28;
	[tilespmem:v17+s11+$0x0] =	vst.idx.add.f32.msk $0xffff, v34  }
0xdb: {  	v24 =	vor.u32 v24, v29;
	[tilespmem:v18+s11+$0x0] =	vst.idx.add.f32.msk $0xffff, v26  }
0xdc: {  	v27 =	vor.u32 $0x80, v16;
	v30 =	vld.idx.msk [tilespmem:v32+s2+$0x0], $0xffff  }
0xdd: {  	v28 =	vor.u32 $0x80, v14;
	[tilespmem:v25+s11+$0x0] =	vst.idx.add.f32.msk $0xffff, v31  }
0xde: {  	v25 =	vor.u32 $0x100, v20;
	v26 =	vld.idx.msk [tilespmem:v19+s2+$0x0], $0xffff  }
0xdf: {  	v29 =	vor.u32 $0x100, v13;
	[tilespmem:v21+s11+$0x0] =	vst.idx.add.f32.msk $0xffff, v37  }
0xe0: {  	[tilespmem:v24+s11+$0x0] =	vst.idx.add.f32.msk $0xffff, v33;
	v33 =	vor.u32 $0x80, v12  }
0xe1: {  	[tilespmem:v27+s11+$0x0] =	vst.idx.add.f32.msk $0xffff, v35  }
0xe2: {  	v35 =	vor.u32 $0x100, v10;
	v36 =	vld.idx.msk [tilespmem:v36+s2+$0x0], $0xffff  }
0xe3: {  	v37 =	vor.u32 $0x80, v24;
	v31 =	vld.idx.msk [tilespmem:v25+s2+$0x0], $0xffff  }
.Ltmp1:
0xe4: {  	v32 =	vld.idx.msk [tilespmem:v29+s2+$0x0], $0xffff;
	(pc) =	sbr.rel @p0 .LBB2_4-.Ltmp1, $4  }
0xe5: {  	v29 =	vor.u32 $0x80, v19;
	v27 =	vld.idx.msk [tilespmem:v33+s2+$0x0], $0xffff  }
0xe6: {  	v34 =	vor.u32 $0x80, v17;
	v33 =	vld.idx.msk [tilespmem:v28+s2+$0x0], $0xffff  }
0xe7: {  	v25 =	vld.idx.msk [tilespmem:v35+s2+$0x0], $0xffff  }
0xe8: {  	[tilespmem:v37+s11+$0x0] =	vst.idx.add.f32.msk $0xffff, v36  }
0xe9: {  	_ =	sdelay $0x1  }
0xea: {  	v28 =	vor.u32 $0x80, v21  }
0xeb: {  	v35 =	vor.u32 $0x100, v16  }
0xec: {  	v62 =	vor.u32 $0x100, v22;
	[tilespmem:v23+s11+$0x0] =	vst.idx.add.f32.msk $0xffff, v26  }
0xed: {  	v63 =	vor.u32 $0x80, v18;
	[tilespmem:v34+s11+$0x0] =	vst.idx.add.f32.msk $0xffff, v27  }
0xee: {  	v38 =	vor.u32 $0x100, v15;
	v26 =	vld.idx.msk [tilespmem:v29+s2+$0x0], $0xffff  }
0xef: {  	v39 =	vor.u32 $0x100, v12;
	[tilespmem:v28+s11+$0x0] =	vst.idx.add.f32.msk $0xffff, v33  }
0xf0: {  	v52 =	vor.u32 $0x100, v9;
	[tilespmem:v35+s11+$0x0] =	vst.idx.add.f32.msk $0xffff, v32  }
0xf1: {  	v20 =	vor.u32 $0x180, v20;
	[tilespmem:v62+s11+$0x0] =	vst.idx.add.f32.msk $0xffff, v31  }
0xf2: {  	v36 =	vor.u32 $0x100, v11;
	[tilespmem:v63+s11+$0x0] =	vst.idx.add.f32.msk $0xffff, v30  }
0xf3: {  	v37 =	vor.u32 $0x100, v14;
	v27 =	vld.idx.msk [tilespmem:v38+s2+$0x0], $0xffff  }
0xf4: {  	v13 =	vor.u32 $0x180, v13;
	v31 =	vld.idx.msk [tilespmem:v39+s2+$0x0], $0xffff  }
0xf5: {  	v40 =	vor.u32 $0x80, v23;
	[tilespmem:v52+s11+$0x0] =	vst.idx.add.f32.msk $0xffff, v25  }
0xf6: {  	v10 =	vor.u32 $0x180, v10;
	v20 =	vld.idx.msk [tilespmem:v20+s2+$0x0], $0xffff  }
0xf7: {  	v42 =	vor.u32 $0x100, v19;
	v28 =	vld.idx.msk [tilespmem:v36+s2+$0x0], $0xffff  }
0xf8: {  	v45 =	vor.u32 $0x100, v24;
	v41 =	vld.idx.msk [tilespmem:v37+s2+$0x0], $0xffff  }
0xf9: {  	v46 =	vor.u32 $0x100, v17;
	v13 =	vld.idx.msk [tilespmem:v13+s2+$0x0], $0xffff  }
0xfa: {  	v43 =	vor.u32 $0x100, v21;
	[tilespmem:v40+s11+$0x0] =	vst.idx.add.f32.msk $0xffff, v26  }
0xfb: {  	v44 =	vor.u32 $0x180, v22;
	v10 =	vld.idx.msk [tilespmem:v10+s2+$0x0], $0xffff  }
0xfc: {  	v47 =	vor.u32 $0x100, v18;
	v32 =	vld.idx.msk [tilespmem:v42+s2+$0x0], $0xffff  }
0xfd: {  	v49 =	vor.u32 $0x180, v16;
	[tilespmem:v45+s11+$0x0] =	vst.idx.add.f32.msk $0xffff, v27  }
0xfe: {  	v51 =	vor.u32 $0x180, v15;
	[tilespmem:v46+s11+$0x0] =	vst.idx.add.f32.msk $0xffff, v31  }
0xff: {  	v55 =	vor.u32 $0x180, v12;
	[tilespmem:v43+s11+$0x0] =	vst.idx.add.f32.msk $0xffff, v41  }
0x100: {  	v9 =	vor.u32 $0x180, v9;
	[tilespmem:v44+s11+$0x0] =	vst.idx.add.f32.msk $0xffff, v20  }
0x101: {  	v48 =	vor.u32 $0x100, v23;
	[tilespmem:v47+s11+$0x0] =	vst.idx.add.f32.msk $0xffff, v28  }
0x102: {  	v53 =	vor.u32 $0x180, v14;
	[tilespmem:v49+s11+$0x0] =	vst.idx.add.f32.msk $0xffff, v13  }
0x103: {  	v11 =	vor.u32 $0x180, v11;
	v15 =	vld.idx.msk [tilespmem:v51+s2+$0x0], $0xffff  }
0x104: {  	v50 =	vor.u32 $0x180, v19;
	v12 =	vld.idx.msk [tilespmem:v55+s2+$0x0], $0xffff  }
0x105: {  	v56 =	vor.u32 $0x180, v24;
	[tilespmem:v9+s11+$0x0] =	vst.idx.add.f32.msk $0xffff, v10  }
0x106: {  	v59 =	vor.u32 $0x180, v17;
	[tilespmem:v48+s11+$0x0] =	vst.idx.add.f32.msk $0xffff, v32  }
0x107: {  	v58 =	vor.u32 $0x180, v21;
	v14 =	vld.idx.msk [tilespmem:v53+s2+$0x0], $0xffff  }
0x108: {  	v60 =	vor.u32 $0x180, v18;
	v11 =	vld.idx.msk [tilespmem:v11+s2+$0x0], $0xffff  }
0x109: {  	v57 =	vor.u32 $0x180, v23;
	v54 =	vld.idx.msk [tilespmem:v50+s2+$0x0], $0xffff  }
0x10a: {  	[tilespmem:v56+s11+$0x0] =	vst.idx.add.f32.msk $0xffff, v15  }
0x10b: {  	[tilespmem:v59+s11+$0x0] =	vst.idx.add.f32.msk $0xffff, v12  }
0x10c: {  	[tilespmem:v58+s11+$0x0] =	vst.idx.add.f32.msk $0xffff, v14  }
0x10d: {  	[tilespmem:v60+s11+$0x0] =	vst.idx.add.f32.msk $0xffff, v11  }
0x10e: {  	[tilespmem:v57+s11+$0x0] =	vst.idx.add.f32.msk $0xffff, v54  }
0x10f: {  	v9 =	vld [tilespmem:s3+$0xEC00];
	_ =	sdelay $0x4  }
0x110: {  	v10 =	vld [tilespmem:s3+$0xEC80];
	v11 =	vshll.u32 v9, $0x2  }
0x111: {  	v9 =	vand.u32 $0x7F, v9;
	v11 =	vand.u32 $0xFFFFFE00, v11  }
0x112: {  	v9 =	vor.u32 v9, v11;
	_ =	sdelay $0x2  }
0x113: {  	v11 =	vshll.u32 v10, $0x2  }
0x114: {  	v10 =	vand.u32 $0x7F, v10;
	v11 =	vand.u32 $0xFFFFFE00, v11  }
0x115: {  	v10 =	vor.u32 v10, v11;
	v12 =	vld.idx.msk [tilespmem:v9+s2+$0x0], $0xffff  }
0x116: {  	v11 =	vor.u32 $0x80, v9;
	_ =	sdelay $0x3  }
0x117: {  	[tilespmem:v10+s11+$0x0] =	vst.idx.add.f32.msk $0xffff, v12  }
0x118: {  	v61 =	vor.u32 $0x80, v10;
	v11 =	vld.idx.msk [tilespmem:v11+s2+$0x0], $0xffff  }
0x119: {  	v62 =	vor.u32 $0x100, v9;
	_ =	sdelay $0x3  }
0x11a: {  	[tilespmem:v61+s11+$0x0] =	vst.idx.add.f32.msk $0xffff, v11  }
0x11b: {  	v63 =	vor.u32 $0x100, v10;
	v11 =	vld.idx.msk [tilespmem:v62+s2+$0x0], $0xffff  }
0x11c: {  	v9 =	vor.u32 $0x180, v9;
	_ =	sdelay $0x3  }
0x11d: {  	[tilespmem:v63+s11+$0x0] =	vst.idx.add.f32.msk $0xffff, v11  }
0x11e: {  	v10 =	vor.u32 $0x180, v10;
	v9 =	vld.idx.msk [tilespmem:v9+s2+$0x0], $0xffff;
	_ =	sdelay $0x2  }
0x11f: {  	s13 =	sadd.s32 $0x1, s13  }
0x120: {  	p0 =	sne.s32 s13, s7  }
.Ltmp2:
0x121: {  	[tilespmem:v10+s11+$0x0] =	vst.idx.add.f32.msk $0xffff, v9;
	(pc) =	sbr.rel @p0 .LBB2_1-.Ltmp2, $4  }
0x122: {  	[hbm4b:s6+s2] =	stream.linear.scatter [tilespmem:s11], [sflag:$0x3], $0x9E00, $0x38;
	[tilespmem:$0x18B00] =	vst v63  }
0x123: {  	_ =	swait.ge [sflag:s12], $0x9E00  }
0x124: {  	[sflag:s12] =	ssyncset.done $0x0  }
0x125: {  	[sflag:s12] =	ssyncadd.s32 $0xFFFF6200  }
0x126: {  	_ =	sfence.sel $0x180000  }
0x127: {  	[bflag:$0x0] =	sbarrier.arrive $0xFFFF  }
0x128: {  	p0 =	sne.s32 s1, $0x0;
	_ =	strace $0x9000004A  }
0x129: {  	s0 =	sadd.s32 @!p0 $0x100000, s0;
	[bflag:$0x2] =	sbarrier.arrive $0xFFFF  }
0x12a: {  	[sflag:s0] =	ssyncadd.tile.s32 @!p0 $0x1;
	_ =	shalt  }
.Lfunc_end2:
_tile_overlayer_lowered:
.L_overlay_start_2:
0x12b: {  	(tag) =	ssettag $0x2  }
0x12c: {  	s0 =	rddreg [dreg:$0x0];
	s2 =	stileid.u32  }
0x12d: {  	s1 =	rddreg [dreg:$0x1];
	p0 =	sne.s32 s2, $0x0  }
0x12e: {  	s3 =	rddreg [dreg:$0x2];
	[bflag:$0x3] =	sbarrier.arrive $0xFFFF;
	s2 =	simm.s32 @!p0 $0x1C03  }
0x12f: {  	[timem:s3], [sflag:s2] =	dma.local @!p0 [hbm:s0], s1  }
0x130: {  	s0 =	simm.s32 @!p0 $0x3  }
0x131: {  	_ =	swait.ge @!p0 [sflag:s0], s1  }
0x132: {  	s1 =	ssub.s32 @!p0 $0x0, s1;
	[sflag:s0] =	ssyncset.done @!p0 $0x0  }
0x133: {  	[sflag:s0] =	ssyncadd.s32 @!p0 s1  }
0x134: {  	[bflag:$0x3] =	sbarrier.arrive $0xFFFF  }
0x135: {  	_ =	shalt  }

// kernel: kernel.19.cloned.1.call-start
scs
__scs_entry_jumppad:
0x0: {  	(pc) =	sbr.rel $0x88, $3  }
0x1: {  	(tag) =	ssettag $0x0;
	lr =	simm.s32 $0x1  }
0x2: {  	[smem:$0x3F97] =	sst lr;
	_ =	strace $0xD0000000  }
0x3: {  	_ = 	snop  }
0x4: {  	_ = 	snop  }
0x5: {  	_ = 	snop  }
0x6: {  	_ = 	snop  }
0x7: {  	_ = 	snop  }
__scs_overlays_trampoline_lowered:
0x8: {  	[smem:$0x3FA6] =	sst s0  }
0x9: {  	[smem:$0x3FA7] =	sst s1  }
0xa: {  	[smem:$0x3FA8] =	sst s2  }
0xb: {  	[smem:$0x3FA9] =	sst s3  }
0xc: {  	[smem:$0x3FAA] =	sst s4  }
0xd: {  	[smem:$0x3FAB] =	sst s5  }
0xe: {  	[smem:$0x3FAC] =	sst s6  }
0xf: {  	[smem:$0x3FAD] =	sst s7  }
0x10: {  	[smem:$0x3FAE] =	sst s8  }
0x11: {  	[smem:$0x3FAF] =	sst s9;
	s0 =	simm.s32 @!p0 $0x0  }
0x12: {  	s1 =	sld [smem:$0x3F95];
	s0 =	simm.s32 @p0 $0x1  }
0x13: {  	[smem:$0x3FB0] =	sst s0;
	s0 =	simm.s32 @!p1 $0x0  }
0x14: {  	s2 =	sld [smem:$0x3F94];
	s0 =	simm.s32 @p1 $0x1  }
0x15: {  	[smem:$0x3FB1] =	sst s0;
	s0 =	simm.s32 @!p2 $0x0  }
0x16: {  	s3 =	sld [smem:$0x3FDB];
	s0 =	simm.s32 @p2 $0x1  }
0x17: {  	s4 =	simm.s32 $0x1BF5;
	[smem:$0x3FB3] =	sst s0  }
0x18: {  	s0 =	sld [smem:$0x3F96];
	_ =	swait.ge [sflag:s4], $0x0  }
0x19: {  	s7 =	sld [smem:$0x3F97]  }
0x1a: {  	s8 =	sadd.s32 $0xFFFFE003, lr  }
0x1b: {  	s9 =	sadd.s32 $0xFFFFFEF7, lr;
	s5 =	simm.s32 $0xFFFFFFFF;
	p2 =	slt.u32 s8, $0xFFFFF086  }
0x1c: {  	p1 =	slt.u32 s9, $0xF7A;
	s5 =	simm.s32 @!p2 $0x0  }
0x1d: {  	s5 =	simm.s32 @p1 $0x1;
	p0 =	seq.s32 s7, s2  }
0x1e: {  	s7 =	smul.u32 @!p0 $0xF7A, s2;
	p2 =	seq.s32 @!p0 s5, $0x0  }
0x1f: {  	s9 =	smul.u32 $0xF7A, s1;
	s8 =	simm.s32 @!p0 $0x1BF5;
	p2 =	por !p2, p0  }
0x20: {  	[sflag:s8] =	ssyncset.s32 @!p0 $0xFFFFF086;
	s6 =	sadd.s32 @!p0 s3, s7;
	s7 =	simm.s32 @!p0 $0x108  }
0x21: {  	s3 =	sadd.s32 s3, s9;
	s6 =	sadd.s32 @!p0 $0x88, s6;
	s7 =	simm.s32 @p2 $0x1082  }
0x22: {  	[simem:s7], [sflag:s8] =	dma.local @!p0 [hbm:s6], $0xF7A  }
0x23: {  	s9 =	sor.u32 $0xD0000000, s2;
	s6 =	simm.s32 $0x108;
	_ =	swait.ge @!p0 [sflag:s8], $0x0  }
0x24: {  	s3 =	sadd.s32 $0x88, s3;
	s6 =	simm.s32 @!p1 $0x1082;
	[sflag:s4] =	ssyncset.s32 $0xFFFFF086  }
0x25: {  	[simem:s6], [sflag:s4] =	dma.local [hbm:s3], $0xF7A  }
0x26: {  	[smem:$0x3F97] =	sst s1;
	(tag) =	ssettag s2;
	_ =	strace s9  }
0x27: {  	s1 =	sld [smem:$0x3FA7]  }
0x28: {  	s2 =	sld [smem:$0x3FA8]  }
0x29: {  	s4 =	sld [smem:$0x3FAA]  }
0x2a: {  	p0 =	seq.s32 s5, $0x0;
	s5 =	sld [smem:$0x3FAB]  }
0x2b: {  	s6 =	sld [smem:$0x3FAC]  }
0x2c: {  	s7 =	sld [smem:$0x3FAD]  }
0x2d: {  	s3 =	simm.s32 $0x108;
	s8 =	sld [smem:$0x3FAE]  }
0x2e: {  	s3 =	simm.s32 @!p0 $0x1082;
	s9 =	sld [smem:$0x3FAF]  }
0x2f: {  	lr =	sadd.s32 s0, s3;
	s0 =	sld [smem:$0x3FA6]  }
0x30: {  	s3 =	sld [smem:$0x3FA9]  }
0x31: {  	[smem:$0x3FB2] =	sst s10  }
0x32: {  	s10 =	sld [smem:$0x3FB0];
	_ =	sdelay $0x3  }
0x33: {  	p0 =	seq.s32 s10, $0x1;
	s10 =	sld [smem:$0x3FB2];
	_ =	sdelay $0x3  }
0x34: {  	[smem:$0x3FB2] =	sst s10  }
0x35: {  	s10 =	sld [smem:$0x3FB1];
	_ =	sdelay $0x3  }
0x36: {  	p1 =	seq.s32 s10, $0x1;
	s10 =	sld [smem:$0x3FB2];
	_ =	sdelay $0x3  }
0x37: {  	[smem:$0x3FB2] =	sst s10  }
0x38: {  	s10 =	sld [smem:$0x3FB3]  }
0x39: {  	_ = 	snop;
	(pc) =	sbr.ind lr, $3  }
0x3a: {  	_ = 	snop  }
0x3b: {  	_ = 	snop  }
0x3c: {  	p2 =	seq.s32 s10, $0x1;
	s10 =	sld [smem:$0x3FB2]  }
0x3d: {  	_ =	shalt  }
0x3e: {  	_ =	shalt  }
0x3f: {  	_ =	shalt  }
0x40: {  	_ =	shalt  }
0x41: {  	_ =	shalt  }
0x42: {  	_ =	shalt  }
0x43: {  	_ =	shalt  }
0x44: {  	_ =	shalt  }
0x45: {  	_ =	shalt  }
0x46: {  	_ =	shalt  }
0x47: {  	_ =	shalt  }
0x48: {  	_ =	shalt  }
0x49: {  	_ =	shalt  }
0x4a: {  	_ =	shalt  }
0x4b: {  	_ =	shalt  }
0x4c: {  	_ =	shalt  }
0x4d: {  	_ =	shalt  }
0x4e: {  	_ =	shalt  }
0x4f: {  	_ =	shalt  }
0x50: {  	_ =	shalt  }
0x51: {  	_ =	shalt  }
0x52: {  	_ =	shalt  }
0x53: {  	_ =	shalt  }
0x54: {  	_ =	shalt  }
0x55: {  	_ =	shalt  }
0x56: {  	_ =	shalt  }
0x57: {  	_ =	shalt  }
0x58: {  	_ =	shalt  }
0x59: {  	_ =	shalt  }
0x5a: {  	_ =	shalt  }
0x5b: {  	_ =	shalt  }
0x5c: {  	_ =	shalt  }
0x5d: {  	_ =	shalt  }
0x5e: {  	_ =	shalt  }
0x5f: {  	_ =	shalt  }
0x60: {  	_ =	shalt  }
0x61: {  	_ =	shalt  }
0x62: {  	_ =	shalt  }
0x63: {  	_ =	shalt  }
0x64: {  	_ =	shalt  }
0x65: {  	_ =	shalt  }
0x66: {  	_ =	shalt  }
0x67: {  	_ =	shalt  }
0x68: {  	_ =	shalt  }
0x69: {  	_ =	shalt  }
0x6a: {  	_ =	shalt  }
0x6b: {  	_ =	shalt  }
0x6c: {  	_ =	shalt  }
0x6d: {  	_ =	shalt  }
0x6e: {  	_ =	shalt  }
0x6f: {  	_ =	shalt  }
0x70: {  	_ =	shalt  }
0x71: {  	_ =	shalt  }
0x72: {  	_ =	shalt  }
0x73: {  	_ =	shalt  }
0x74: {  	_ =	shalt  }
0x75: {  	_ =	shalt  }
0x76: {  	_ =	shalt  }
0x77: {  	_ =	shalt  }
0x78: {  	_ =	shalt  }
0x79: {  	_ =	shalt  }
0x7a: {  	_ =	shalt  }
0x7b: {  	_ =	shalt  }
0x7c: {  	_ =	shalt  }
0x7d: {  	_ =	shalt  }
0x7e: {  	_ =	shalt  }
0x7f: {  	_ =	shalt  }
0x80: {  	_ =	shalt  }
0x81: {  	_ =	shalt  }
0x82: {  	_ =	shalt  }
0x83: {  	_ =	shalt  }
0x84: {  	_ =	shalt  }
0x85: {  	_ =	shalt  }
0x86: {  	_ =	shalt  }
0x87: {  	_ =	shalt  }
.Lfunc_end0:
.L_simem_size_0:
called_computation.2_lowered:
.L_overlay_start_0:
0x88: {  	s2 =	sld [smem:$0x3FD9]  }
0x89: {  	s3 =	sld [smem:$0x3FFE];
	_ =	sdelay $0x1  }
0x8a: {  	s1 =	srdreg.scid  }
0x8b: {  	s0 =	sand.u32 $0x1, s1  }
0x8c: {  	s17 =	sshll.u32 s0, $0xA;
	s2 =	sadd.s32 s3, s2  }
0x8d: {  	s2 =	sadd.s32 s2, s17  }
0x8e: {  	[smem:$0x3FBE] =	sst s2  }
0x8f: {  	_ = 	snop  }
0x90: {  	s2 =	sld [smem:$0x3FC8]  }
0x91: {  	s18 =	sld [smem:$0x3FD0];
	(tm) =	ssettm $0x1  }
0x92: {  	s4 =	sld [smem:$0x3FFB];
	_ =	sdelay $0x3  }
0x93: {  	_ =	strace s4  }
0x94: {  	s4 =	sld [smem:$0x3FFC];
	_ =	sdelay $0x3  }
0x95: {  	_ =	strace s4  }
0x96: {  	s4 =	sld [smem:$0x3FFD];
	_ =	sdelay $0x3  }
0x97: {  	_ =	strace s4  }
0x98: {  	_ =	strace $0x8FFFFFFF  }
0x99: {  	s19 =	sld [smem:$0x3FDB];
	_ =	sdelay $0x1  }
0x9a: {  	s5 =	simm.s32 $_scs_section_size  }
0x9b: {  	s6 =	simm.s32 $_size__tile_overlayer_lowered;
	s7 =	simm.s32 $_tile_overlayer_lowered  }
0x9c: {  	s22 =	simm.s32 $0x1BFF;
	s21 =	sshll.u32 s7, $0x1;
	s4 =	sadd.s32 s5, s19  }
0x9d: {  	s8 =	simm.s32 $0x0;
	s20 =	sshll.u32 s6, $0x1;
	s6 =	sadd.s32 s21, s4  }
0x9e: {  	[timem:s8], [sflag:s22] =	dma.local [hbm:s6], s20  }
0x9f: {  	_ =	swait.ge [sflag:s22], s20  }
0xa0: {  	s5 =	ssub.s32 $0x0, s20;
	[sflag:s22] =	ssyncset.done $0x0  }
0xa1: {  	[sflag:s22] =	ssyncadd.s32 s5;
	_ =	sdelay $0x1  }
0xa2: {  	s23 =	simm.s32 $0x1B8B  }
0xa3: {  	_ =	swait.ge [sflag:s23], $0x1  }
0xa4: {  	[sflag:s23] =	ssyncset.done $0x0  }
0xa5: {  	s25 =	simm.s32 $0x1B8E;
	s24 =	sld [smem:$0x3FFE];
	[sflag:s23] =	ssyncadd.s32 $0xFFFFFFFF  }
0xa6: {  	s26 =	simm.s32 $execute0_lowered;
	[smem:$0x3FD2] =	sst s25  }
0xa7: {  	s6 =	sshll.u32 s26, $0x1;
	_ =	strace $0x8000004C;
	[dreg:$0x1] =	wrdreg $0xFFFFFFFF  }
0xa8: {  	s28 =	simm.s32 $_size_execute0_lowered;
	s4 =	sadd.s32 s4, s6;
	[dreg:$0x0] =	wrdreg $0x0  }
0xa9: {  	s6 =	sshll.u32 s28, $0x1;
	[dreg:$0x2] =	wrdreg s4  }
0xaa: {  	[dreg:$0x3] =	wrdreg s6  }
0xab: {  	[dreg:$0x4] =	wrdreg $0xC0  }
0xac: {  	_ =	task [dreg:s8], $0x5FFFF  }
0xad: {  	[dreg:$0x1] =	wrdreg $0xFFFFFFFF  }
0xae: {  	[dreg:$0x0] =	wrdreg $0x60  }
0xaf: {  	[dreg:$0x2] =	wrdreg s18  }
0xb0: {  	[dreg:$0x3] =	wrdreg s2  }
0xb1: {  	[dreg:$0x4] =	wrdreg s24  }
0xb2: {  	[dreg:$0x5] =	wrdreg $0x9  }
0xb3: {  	_ =	task.clear_ibuf [dreg:s8], $0x6FFFF;
	_ =	strace $0x9000004C  }
0xb4: {  	s29 =	simm.s32 $0x9;
	_ =	strace $0x8000004E  }
0xb5: {  	_ =	swait.ge [sflag:s29], $0x1  }
0xb6: {  	[sflag:s29] =	ssyncadd.s32 $0xFFFFFFFF  }
0xb7: {  	_ =	strace $0x9000004E  }
0xb8: {  	_ =	sfence  }
0xb9: {  	s30 =	sld [smem:$0x0];
	_ =	sdelay $0x2  }
0xba: {  	s31 =	sshll.u32 s1, $0xD;
	s1 =	sshrl.u32 s1, $0x2  }
0xbb: {  	s3 =	sand.u32 $0x4000, s31;
	s1 =	sadd.s32 s1, s30  }
0xbc: {  	s0 =	sor.u32 s3, s0;
	s1 =	sshll.u32 s1, $0x11  }
0xbd: {  	s0 =	sor.u32 s1, s0  }
0xbe: {  	s0 =	sadd.s32 $0x8F2B, s0  }
0xbf: {  	[sflag:s0] =	ssyncadd.remote.s32 $0x1  }
0xc0: {  	_ =	sfence.sel $0xFFFF  }
0xc1: {  	[dreg:$0x0] =	wrdreg $0xFFFFFFFF;
	(pc) =	sbr.abs _section_cstart, $3  }
0xc2: {  	[dreg:$0x1] =	wrdreg $0xFFFFFFFF  }
0xc3: {  	_ =	task.clear_ibuf [dreg:s8], $0x2FFFF;
	_ =	strace $0x9FFFFFFF  }
0xc4: {  	(tm) =	ssettm $0x7FFFFFFF  }
0xc5: {  	_ =	shalt  }
tec
execute0_lowered:
.L_overlay_start_1:
0x0: {  	(tag) =	ssettag $0x1  }
0x1: {  	s1 =	rddreg [dreg:$0x0]  }
0x2: {  	s6 =	rddreg [dreg:$0x1]  }
0x3: {  	s0 =	srdreg.scid;
	s8 =	rddreg [dreg:$0x2]  }
0x4: {  	s3 =	simm.s32 $0x0;
	s5 =	sand.u32 $0x1, s0;
	s0 =	stileid.u32  }
0x5: {  	[smem:$0x7FF] =	sst s3;
	s2 =	sshll.u32 s5, $0x4;
	s4 =	sshll.u32 s0, $0x4  }
0x6: {  	s5 =	ssub.s32 $0x2, s5;
	s26 =	sand.u32 $0x7, s0;
	s28 =	sadd.s32 $0xFFFFFFFF, s0  }
0x7: {  	s19 =	sadd.s32 $0x1, s0;
	s14 =	sadd.s32 $0x6, s0;
	s22 =	sadd.s32 $0x2, s0  }
0x8: {  	s23 =	sadd.s32 $0x5, s0;
	s7 =	sor.u32 s0, s2;
	s2 =	rddreg [dreg:$0x3]  }
0x9: {  	s4 =	sand.u32 $0x70, s4;
	_ =	strace $0x8000004D;
	s25 =	sshrl.u32 s5, $0x1  }
0xa: {  	s10 =	sshll.u32 s26, $0x7;
	s13 =	sand.u32 $0x7, s28;
	s31 =	sshll.u32 s26, $0x6  }
0xb: {  	s14 =	sand.u32 $0x7, s14;
	s28 =	sadd.s32 $0x3, s0;
	s9 =	smul.u32 $0x2710, s7  }
0xc: {  	s7 =	smul.u32 $0x9E0, s7;
	s11 =	sxor.u32 $0x40, s4;
	s12 =	sadd.s32 $0x3FC, s10  }
0xd: {  	s30 =	sshll.u32 s13, $0x6;
	s18 =	sadd.s32 $0x80, s10;
	s15 =	sadd.s32 $0x300, s10  }
0xe: {  	s14 =	sshll.u32 s14, $0x6;
	s21 =	sadd.s32 $0x100, s10;
	s17 =	sadd.s32 $0x280, s10  }
0xf: {  	s26 =	sadd.s32 $0x180, s10;
	s10 =	sadd.s32 $0x200, s10;
	s13 =	sshrl.u32 s31, $0x2  }
0x10: {  	s29 =	sand.u32 $0x400, s12;
	s12 =	sand.u32 $0x7, s19;
	s15 =	sand.u32 $0x400, s15  }
0x11: {  	s24 =	sand.u32 $0x400, s17;
	s10 =	sand.u32 $0x400, s10;
	s11 =	sshll.u32 s11, $0x2  }
0x12: {  	v1 =	vmov s13;
	s13 =	simm.s32 $0x0;
	s9 =	ssub.s32 s9, s4;
	s7 =	sadd.s32 s7, s8  }
0x13: {  	s8 =	ssub.s32 s5, s25;
	s12 =	sshll.u32 s12, $0x6;
	s20 =	sor.u32 s14, s15  }
0x14: {  	s15 =	sand.u32 $0x7, s23;
	s9 =	sshrl.u32 s9, $0x2;
	s14 =	sor.u32 $0x200, s20  }
0x15: {  	s25 =	sshll.u32 s15, $0x6;
	s15 =	sand.u32 $0x7, s28;
	s9 =	sand.u32 $0xFFFFFE0, s9  }
0x16: {  	s15 =	sshll.u32 s15, $0x6;
	s14 =	sshrl.u32 s14, $0x2;
	s5 =	sadd.s32 s6, s9  }
0x17: {  	s6 =	sadd.s32 $0x4800, s7;
	s7 =	smax.u32 s8, $0x1;
	s8 =	sor.u32 s30, s29  }
0x18: {  	s9 =	sand.u32 $0x400, s18;
	s30 =	sor.u32 s11, s10;
	s10 =	simm.s32 $0x2  }
0x19: {  	s16 =	sor.u32 $0x200, s8;
	s12 =	sor.u32 s12, s9;
	s9 =	sand.u32 $0x7, s22  }
0x1a: {  	s8 =	sand.u32 $0x400, s21;
	s11 =	sor.u32 $0x200, s30;
	s9 =	sshll.u32 s9, $0x6  }
0x1b: {  	s12 =	sshrl.u32 s12, $0x2;
	s11 =	sshrl.u32 s11, $0x2;
	s16 =	sshrl.u32 s16, $0x2  }
0x1c: {  	s18 =	sor.u32 s9, s8;
	s8 =	sor.u32 s25, s24;
	s9 =	sand.u32 $0x400, s26;
	v8 =	vmov s16  }
0x1d: {  	v5 =	vmov s11;
	s11 =	simm.s32 $0x9E00;
	s29 =	sor.u32 $0x200, s8;
	s15 =	sor.u32 s15, s9  }
0x1e: {  	v0 =	vimm.f32 $0.0e+00;
	v7 =	vmov s14;
	v2 =	vmov s12;
	s18 =	sshrl.u32 s18, $0x2;
	s15 =	sshrl.u32 s15, $0x2;
	s31 =	sshrl.u32 s29, $0x2  }
0x1f: {  	s12 =	simm.s32 $0x3;
	s8 =	simm.s32 $0x4F00;
	s9 =	simm.s32 $0x1;
	v3 =	vmov s18;
	v4 =	vmov s15;
	v6 =	vmov s31  }
.LBB2_1:
0x20: {  	[tilespmem:s8], [sflag:$0x1] =	stream.linear.gather [hbm4b:s5+s3], $0x4F00, $0x38;
	[tilespmem:$0xED00] =	vst v63  }
0x21: {  	s14 =	simm.s32 $0x9E80  }
0x22: {  	[tilespmem:s3], [sflag:$0x2] =	stream.linear.gather [hbm4b:s1+s3], $0x4F00, $0x38;
	[tilespmem:$0xED00] =	vst v63  }
0x23: {  	[tilespmem:s14+$0xFFFFFF80] =	vst v0  }
0x24: {  	[tilespmem:s14+$0x70] =	vst v0  }
0x25: {  	[tilespmem:s14+$0xFFFFFFF0] =	vst v0  }
0x26: {  	[tilespmem:s14+$0x60] =	vst v0  }
0x27: {  	[tilespmem:s14+$0xFFFFFFE0] =	vst v0  }
0x28: {  	[tilespmem:s14+$0x50] =	vst v0  }
0x29: {  	[tilespmem:s14+$0xFFFFFFD0] =	vst v0  }
0x2a: {  	[tilespmem:s14+$0x40] =	vst v0  }
0x2b: {  	[tilespmem:s14+$0xFFFFFFC0] =	vst v0  }
0x2c: {  	[tilespmem:s14+$0x30] =	vst v0  }
0x2d: {  	[tilespmem:s14+$0xFFFFFFB0] =	vst v0  }
0x2e: {  	[tilespmem:s14+$0x20] =	vst v0  }
0x2f: {  	[tilespmem:s14+$0xFFFFFFA0] =	vst v0  }
0x30: {  	[tilespmem:s14+$0x10] =	vst v0  }
0x31: {  	s15 =	simm.s32 $0x0;
	[tilespmem:s14+$0xFFFFFF90] =	vst v0  }
.LBB2_2:
0x32: {  	s15 =	sadd.s32 $0x8, s15;
	[tilespmem:s14+$0x0] =	vst v0;
	s14 =	sadd.s32 $0x100, s14  }
0x33: {  	[tilespmem:s14+$0xFFFFFF80] =	vst v0;
	p0 =	slt.u32 s15, $0x268  }
0x34: {  	[tilespmem:s14+$0x70] =	vst v0  }
0x35: {  	[tilespmem:s14+$0xFFFFFFF0] =	vst v0  }
0x36: {  	[tilespmem:s14+$0x60] =	vst v0  }
0x37: {  	[tilespmem:s14+$0xFFFFFFE0] =	vst v0  }
0x38: {  	[tilespmem:s14+$0x50] =	vst v0  }
0x39: {  	[tilespmem:s14+$0xFFFFFFD0] =	vst v0  }
0x3a: {  	[tilespmem:s14+$0x40] =	vst v0  }
0x3b: {  	[tilespmem:s14+$0xFFFFFFC0] =	vst v0  }
0x3c: {  	[tilespmem:s14+$0x30] =	vst v0  }
.Ltmp0:
0x3d: {  	[tilespmem:s14+$0xFFFFFFB0] =	vst v0;
	(pc) =	sbr.rel @p0 .LBB2_2-.Ltmp0, $4  }
0x3e: {  	[tilespmem:s14+$0x20] =	vst v0  }
0x3f: {  	[tilespmem:s14+$0xFFFFFFA0] =	vst v0  }
0x40: {  	[tilespmem:s14+$0x10] =	vst v0  }
0x41: {  	[tilespmem:s14+$0xFFFFFF90] =	vst v0  }
0x42: {  	[tilespmem:s14+$0x0] =	vst v0  }
0x43: {  	[tilespmem:$0xEC00] =	vst v0  }
0x44: {  	[tilespmem:$0xEC80] =	vst v0  }
0x45: {  	_ =	swait.ge [sflag:s9], $0x4F00  }
0x46: {  	[sflag:s9] =	ssyncset.done $0x0  }
0x47: {  	[sflag:s9] =	ssyncadd.s32 $0xFFFFB100  }
0x48: {  	_ =	swait.ge [sflag:s10], $0x4F00  }
0x49: {  	[sflag:s10] =	ssyncset.done $0x0  }
0x4a: {  	s14 =	simm.s32 $0x4F00;
	[sflag:s10] =	ssyncadd.s32 $0xFFFFB100  }
0x4b: {  	v9 =	vld.idx.msk [tilespmem:v1+s14+$0x0 ss:$0x1], $0xffff  }
0x4c: {  	v10 =	vld.idx.msk [tilespmem:v8+s14+$0xFFFFFF80 ss:$0x1], $0xffff  }
0x4d: {  	v11 =	vld.idx.msk [tilespmem:v8+s14+$0x0 ss:$0x1], $0xffff  }
0x4e: {  	v12 =	vld.idx.msk [tilespmem:v2+s14+$0x0 ss:$0x1], $0xffff  }
0x4f: {  	v16 =	vld.idx.msk [tilespmem:v1+s14+$0x80 ss:$0x1], $0xffff  }
0x50: {  	v13 =	vld.idx.msk [tilespmem:v3+s14+$0x0 ss:$0x1], $0xffff  }
0x51: {  	v14 =	vld.idx.msk [tilespmem:v4+s14+$0x0 ss:$0x1], $0xffff;
	v15 =	vshll.u32 v9, $0x1  }
0x52: {  	v18 =	vld.idx.msk [tilespmem:v5+s14+$0xFFFFFF80 ss:$0x1], $0xffff;
	v9 =	vand.u32 $0x7F, v9;
	v15 =	vand.u32 $0xFFFFFF00, v15  }
0x53: {  	v21 =	vld.idx.msk [tilespmem:v7+s14+$0xFFFFFF80 ss:$0x1], $0xffff;
	v17 =	vshll.u32 v10, $0x1;
	v15 =	vor.u32 v9, v15  }
0x54: {  	v19 =	vld.idx.msk [tilespmem:v6+s14+$0xFFFFFF80 ss:$0x1], $0xffff;
	v22 =	vshll.u32 v16, $0x1;
	v9 =	vand.u32 $0x7F, v10;
	v10 =	vand.u32 $0xFFFFFF00, v17  }
0x55: {  	v28 =	vld.idx.msk [tilespmem:v7+s14+$0x0 ss:$0x1], $0xffff;
	v27 =	vshll.u32 v12, $0x1;
	v20 =	vor.u32 v9, v10;
	v10 =	vshll.u32 v11, $0x1  }
0x56: {  	v12 =	vand.u32 $0x7F, v12;
	v9 =	vld.idx.msk [tilespmem:v2+s14+$0x80 ss:$0x1], $0xffff;
	v11 =	vand.u32 $0x7F, v11;
	v17 =	vand.u32 $0xFFFFFF00, v10  }
0x57: {  	v22 =	vand.u32 $0xFFFFFF00, v22;
	v10 =	vld.idx.msk [tilespmem:v3+s14+$0x80 ss:$0x1], $0xffff;
	v26 =	vor.u32 v11, v17;
	v11 =	vand.u32 $0x7F, v16  }
0x58: {  	v27 =	vand.u32 $0xFFFFFF00, v27;
	v22 =	vor.u32 v11, v22;
	v11 =	vshll.u32 v21, $0x1;
	v16 =	vld.idx.msk [tilespmem:v15+s3+$0x0], $0xffff  }
0x59: {  	v17 =	vld.idx.msk [tilespmem:v6+s14+$0x0 ss:$0x1], $0xffff;
	v29 =	vand.u32 $0xFFFFFF00, v11;
	v11 =	vor.u32 v12, v27  }
0x5a: {  	v15 =	vor.u32 $0x80, v15;
	v27 =	vld.idx.msk [tilespmem:v4+s14+$0x80 ss:$0x1], $0xffff  }
0x5b: {  	v25 =	vshll.u32 v14, $0x1;
	v14 =	vand.u32 $0x7F, v14;
	v21 =	vand.u32 $0x7F, v21;
	v24 =	vld.idx.msk [tilespmem:v20+s3+$0x0], $0xffff  }
0x5c: {  	v61 =	vshll.u32 v13, $0x1;
	v12 =	vand.u32 $0xFFFFFF00, v25;
	v25 =	vld.idx.msk [tilespmem:v5+s14+$0x0 ss:$0x1], $0xffff;
	v21 =	vor.u32 v21, v29  }
0x5d: {  	v13 =	vand.u32 $0x7F, v13;
	v12 =	vor.u32 v14, v12;
	v14 =	vand.u32 $0xFFFFFF00, v61;
	[tilespmem:v22+s11+$0x0] =	vst.idx.add.f32.msk $0xffff, v16  }
0x5e: {  	v23 =	vshll.u32 v18, $0x1;
	v13 =	vor.u32 v13, v14;
	v14 =	vld.idx.msk [tilespmem:v11+s3+$0x0], $0xffff  }
0x5f: {  	v18 =	vand.u32 $0x7F, v18;
	v23 =	vand.u32 $0xFFFFFF00, v23;
	v22 =	vor.u32 $0x80, v22;
	v15 =	vld.idx.msk [tilespmem:v15+s3+$0x0], $0xffff  }
0x60: {  	v62 =	vor.u32 $0x80, v20;
	v16 =	vor.u32 v18, v23;
	v18 =	vshll.u32 v28, $0x1;
	[tilespmem:v26+s11+$0x0] =	vst.idx.add.f32.msk $0xffff, v24  }
0x61: {  	v23 =	vand.u32 $0x7F, v28;
	v20 =	vshll.u32 v27, $0x1;
	v24 =	vld.idx.msk [tilespmem:v21+s3+$0x0], $0xffff;
	v18 =	vand.u32 $0xFFFFFF00, v18  }
0x62: {  	v27 =	vand.u32 $0x7F, v27;
	v63 =	vld.idx.msk [tilespmem:v12+s3+$0x0], $0xffff;
	v20 =	vand.u32 $0xFFFFFF00, v20;
	v18 =	vor.u32 v23, v18  }
0x63: {  	v32 =	vor.u32 $0x80, v21;
	v30 =	vshll.u32 v25, $0x1;
	v23 =	vld.idx.msk [tilespmem:v13+s3+$0x0], $0xffff;
	v20 =	vor.u32 v27, v20  }
0x64: {  	v25 =	vand.u32 $0x7F, v25;
	v30 =	vand.u32 $0xFFFFFF00, v30;
	[tilespmem:v22+s11+$0x0] =	vst.idx.add.f32.msk $0xffff, v15;
	v15 =	vshll.u32 v19, $0x1  }
0x65: {  	v21 =	vor.u32 v25, v30;
	v31 =	vld.idx.msk [tilespmem:v16+s3+$0x0], $0xffff;
	v22 =	vand.u32 $0x7F, v19;
	v15 =	vand.u32 $0xFFFFFF00, v15  }
0x66: {  	v25 =	vld.idx.msk [tilespmem:v62+s3+$0x0], $0xffff;
	v15 =	vor.u32 v22, v15  }
0x67: {  	[tilespmem:v18+s11+$0x0] =	vst.idx.add.f32.msk $0xffff, v24  }
0x68: {  	v26 =	vor.u32 $0x80, v26;
	[tilespmem:v20+s11+$0x0] =	vst.idx.add.f32.msk $0xffff, v63  }
0x69: {  	v19 =	vld.idx.msk [tilespmem:v32+s3+$0x0], $0xffff;
	v22 =	vshll.u32 v9, $0x1  }
0x6a: {  	s15 =	simm.s32 $0x0;
	v24 =	vshll.u32 v10, $0x1;
	v22 =	vand.u32 $0xFFFFFF00, v22;
	[tilespmem:v21+s11+$0x0] =	vst.idx.add.f32.msk $0xffff, v31  }
.LBB2_4:
0x6b: {  	s15 =	sadd.s32 $0x8, s15;
	v27 =	vld.idx.msk [tilespmem:v15+s3+$0x0], $0xffff;
	s14 =	sadd.s32 $0x100, s14  }
0x6c: {  	v28 =	vld.idx.msk [tilespmem:v8+s14+$0x0 ss:$0x1], $0xffff;
	p0 =	slt.u32 s15, $0x268  }
0x6d: {  	[tilespmem:v26+s11+$0x0] =	vst.idx.add.f32.msk $0xffff, v25  }
0x6e: {  	v26 =	vshll.u32 v17, $0x1;
	v25 =	vld.idx.msk [tilespmem:v2+s14+$0x0 ss:$0x1], $0xffff  }
0x6f: {  	v17 =	vand.u32 $0x7F, v17;
	v26 =	vand.u32 $0xFFFFFF00, v26;
	v29 =	vld.idx.msk [tilespmem:v3+s14+$0x0 ss:$0x1], $0xffff  }
0x70: {  	v10 =	vand.u32 $0x7F, v10;
	v24 =	vand.u32 $0xFFFFFF00, v24;
	v17 =	vor.u32 v17, v26;
	v30 =	vld.idx.msk [tilespmem:v4+s14+$0x0 ss:$0x1], $0xffff  }
0x71: {  	v10 =	vor.u32 v10, v24;
	v26 =	vld.idx.msk [tilespmem:v5+s14+$0xFFFFFF80 ss:$0x1], $0xffff  }
0x72: {  	v31 =	vshll.u32 v28, $0x1;
	v24 =	vld.idx.msk [tilespmem:v6+s14+$0xFFFFFF80 ss:$0x1], $0xffff  }
0x73: {  	v31 =	vand.u32 $0xFFFFFF00, v31;
	v32 =	vld.idx.msk [tilespmem:v7+s14+$0xFFFFFF80 ss:$0x1], $0xffff  }
0x74: {  	v9 =	vand.u32 $0x7F, v9;
	v16 =	vor.u32 $0x80, v16;
	v33 =	vld.idx.msk [tilespmem:v8+s14+$0xFFFFFF80 ss:$0x1], $0xffff  }
0x75: {  	v9 =	vor.u32 v9, v22;
	[tilespmem:v17+s11+$0x0] =	vst.idx.add.f32.msk $0xffff, v27  }
0x76: {  	v12 =	vor.u32 $0x80, v12;
	[tilespmem:v10+s11+$0x0] =	vst.idx.add.f32.msk $0xffff, v23  }
0x77: {  	v13 =	vor.u32 $0x80, v13;
	v22 =	vld.idx.msk [tilespmem:v1+s14+$0x0 ss:$0x1], $0xffff  }
0x78: {  	v11 =	vor.u32 $0x80, v11;
	v15 =	vor.u32 $0x80, v15;
	v23 =	vld.idx.msk [tilespmem:v1+s14+$0x80 ss:$0x1], $0xffff  }
0x79: {  	v16 =	vld.idx.msk [tilespmem:v16+s3+$0x0], $0xffff  }
0x7a: {  	[tilespmem:v9+s11+$0x0] =	vst.idx.add.f32.msk $0xffff, v14;
	v14 =	vor.u32 $0x80, v21  }
0x7b: {  	v18 =	vor.u32 $0x80, v18;
	v12 =	vld.idx.msk [tilespmem:v12+s3+$0x0], $0xffff  }
0x7c: {  	v20 =	vor.u32 $0x80, v20;
	v13 =	vld.idx.msk [tilespmem:v13+s3+$0x0], $0xffff  }
0x7d: {  	v10 =	vor.u32 $0x80, v10;
	v9 =	vor.u32 $0x80, v9;
	v11 =	vld.idx.msk [tilespmem:v11+s3+$0x0], $0xffff  }
0x7e: {  	v27 =	vand.u32 $0x7F, v28;
	v17 =	vor.u32 $0x80, v17;
	v21 =	vshll.u32 v23, $0x1;
	v15 =	vld.idx.msk [tilespmem:v15+s3+$0x0], $0xffff  }
0x7f: {  	v27 =	vor.u32 v27, v31;
	v21 =	vand.u32 $0xFFFFFF00, v21;
	[tilespmem:v14+s11+$0x0] =	vst.idx.add.f32.msk $0xffff, v16  }
0x80: {  	v14 =	vand.u32 $0x7F, v22;
	v16 =	vshll.u32 v22, $0x1;
	v22 =	vand.u32 $0x7F, v23;
	[tilespmem:v18+s11+$0x0] =	vst.idx.add.f32.msk $0xffff, v19  }
0x81: {  	v16 =	vand.u32 $0xFFFFFF00, v16;
	v18 =	vor.u32 v22, v21;
	v19 =	vshll.u32 v33, $0x1;
	[tilespmem:v20+s11+$0x0] =	vst.idx.add.f32.msk $0xffff, v12  }
0x82: {  	v12 =	vor.u32 v14, v16;
	v14 =	vand.u32 $0x7F, v33;
	v16 =	vand.u32 $0xFFFFFF00, v19;
	[tilespmem:v10+s11+$0x0] =	vst.idx.add.f32.msk $0xffff, v13  }
0x83: {  	v19 =	vor.u32 $0x80, v12;
	v10 =	vshll.u32 v24, $0x1;
	v20 =	vor.u32 v14, v16;
	[tilespmem:v9+s11+$0x0] =	vst.idx.add.f32.msk $0xffff, v11  }
0x84: {  	v14 =	vshll.u32 v32, $0x1;
	v11 =	vshll.u32 v26, $0x1;
	v13 =	vand.u32 $0xFFFFFF00, v10;
	[tilespmem:v17+s11+$0x0] =	vst.idx.add.f32.msk $0xffff, v15  }
0x85: {  	v16 =	vand.u32 $0x7F, v26;
	v15 =	vshll.u32 v30, $0x1;
	v17 =	vand.u32 $0x7F, v24;
	v9 =	vld.idx.msk [tilespmem:v2+s14+$0x80 ss:$0x1], $0xffff  }
0x86: {  	v23 =	vand.u32 $0x7F, v32;
	v21 =	vshll.u32 v29, $0x1;
	v22 =	vand.u32 $0xFFFFFF00, v15;
	v10 =	vld.idx.msk [tilespmem:v3+s14+$0x80 ss:$0x1], $0xffff  }
0x87: {  	v14 =	vand.u32 $0xFFFFFF00, v14;
	v24 =	vand.u32 $0x7F, v30;
	v26 =	vld.idx.msk [tilespmem:v12+s3+$0x0], $0xffff;
	v12 =	vshll.u32 v25, $0x1  }
0x88: {  	v21 =	vand.u32 $0xFFFFFF00, v21;
	v15 =	vor.u32 v17, v13;
	v12 =	vand.u32 $0xFFFFFF00, v12;
	v28 =	vld.idx.msk [tilespmem:v20+s3+$0x0], $0xffff  }
0x89: {  	v13 =	vand.u32 $0x7F, v25;
	v25 =	vand.u32 $0x7F, v29;
	v29 =	vand.u32 $0xFFFFFF00, v11;
	v17 =	vld.idx.msk [tilespmem:v6+s14+$0x0 ss:$0x1], $0xffff  }
0x8a: {  	v16 =	vor.u32 v16, v29;
	v11 =	vor.u32 v13, v12;
	v12 =	vor.u32 v24, v22;
	v29 =	vld.idx.msk [tilespmem:v7+s14+$0x0 ss:$0x1], $0xffff  }
0x8b: {  	v23 =	vor.u32 v23, v14;
	v13 =	vor.u32 v25, v21;
	v22 =	vshll.u32 v9, $0x1;
	v21 =	vld.idx.msk [tilespmem:v4+s14+$0x80 ss:$0x1], $0xffff  }
0x8c: {  	v22 =	vand.u32 $0xFFFFFF00, v22;
	v24 =	vshll.u32 v10, $0x1;
	v25 =	vld.idx.msk [tilespmem:v5+s14+$0x0 ss:$0x1], $0xffff  }
0x8d: {  	[tilespmem:v18+s11+$0x0] =	vst.idx.add.f32.msk $0xffff, v26  }
0x8e: {  	[tilespmem:v27+s11+$0x0] =	vst.idx.add.f32.msk $0xffff, v28  }
0x8f: {  	v19 =	vld.idx.msk [tilespmem:v19+s3+$0x0], $0xffff  }
0x90: {  	v26 =	vor.u32 $0x80, v18;
	v18 =	vshll.u32 v29, $0x1;
	v14 =	vld.idx.msk [tilespmem:v11+s3+$0x0], $0xffff  }
0x91: {  	v30 =	vor.u32 $0x80, v20;
	v29 =	vand.u32 $0x7F, v29;
	v18 =	vand.u32 $0xFFFFFF00, v18;
	v28 =	vld.idx.msk [tilespmem:v23+s3+$0x0], $0xffff  }
0x92: {  	v20 =	vshll.u32 v21, $0x1;
	v32 =	vshll.u32 v25, $0x1;
	v18 =	vor.u32 v29, v18;
	v31 =	vld.idx.msk [tilespmem:v12+s3+$0x0], $0xffff  }
0x93: {  	v33 =	vor.u32 $0x80, v23;
	v25 =	vand.u32 $0x7F, v25;
	v32 =	vand.u32 $0xFFFFFF00, v32;
	v29 =	vld.idx.msk [tilespmem:v16+s3+$0x0], $0xffff  }
0x94: {  	v34 =	vand.u32 $0x7F, v21;
	v20 =	vand.u32 $0xFFFFFF00, v20;
	v21 =	vor.u32 v25, v32;
	v23 =	vld.idx.msk [tilespmem:v13+s3+$0x0], $0xffff  }
0x95: {  	v20 =	vor.u32 v34, v20;
	[tilespmem:v26+s11+$0x0] =	vst.idx.add.f32.msk $0xffff, v19  }
.Ltmp1:
0x96: {  	v25 =	vld.idx.msk [tilespmem:v30+s3+$0x0], $0xffff;
	(pc) =	sbr.rel @p0 .LBB2_4-.Ltmp1, $4  }
0x97: {  	[tilespmem:v18+s11+$0x0] =	vst.idx.add.f32.msk $0xffff, v28  }
0x98: {  	v26 =	vor.u32 $0x80, v27;
	v19 =	vld.idx.msk [tilespmem:v33+s3+$0x0], $0xffff  }
0x99: {  	[tilespmem:v21+s11+$0x0] =	vst.idx.add.f32.msk $0xffff, v29  }
0x9a: {  	[tilespmem:v20+s11+$0x0] =	vst.idx.add.f32.msk $0xffff, v31  }
0x9b: {  	_ = 	snop  }
0x9c: {  	v16 =	vor.u32 $0x80, v16  }
0x9d: {  	v12 =	vor.u32 $0x80, v12  }
0x9e: {  	v10 =	vand.u32 $0x7F, v10;
	v24 =	vand.u32 $0xFFFFFF00, v24;
	v18 =	vor.u32 $0x80, v18  }
0x9f: {  	v27 =	vshll.u32 v17, $0x1;
	v61 =	vld.idx.msk [tilespmem:v15+s3+$0x0], $0xffff;
	v9 =	vand.u32 $0x7F, v9;
	v10 =	vor.u32 v10, v24  }
0xa0: {  	v60 =	vand.u32 $0x7F, v17;
	[tilespmem:v26+s11+$0x0] =	vst.idx.add.f32.msk $0xffff, v25;
	v27 =	vand.u32 $0xFFFFFF00, v27;
	v9 =	vor.u32 v9, v22  }
0xa1: {  	v17 =	vor.u32 v60, v27;
	v16 =	vld.idx.msk [tilespmem:v16+s3+$0x0], $0xffff  }
0xa2: {  	v13 =	vor.u32 $0x80, v13;
	v12 =	vld.idx.msk [tilespmem:v12+s3+$0x0], $0xffff  }
0xa3: {  	v11 =	vor.u32 $0x80, v11;
	[tilespmem:v18+s11+$0x0] =	vst.idx.add.f32.msk $0xffff, v19  }
0xa4: {  	v62 =	vor.u32 $0x80, v15;
	[tilespmem:v10+s11+$0x0] =	vst.idx.add.f32.msk $0xffff, v23  }
0xa5: {  	v63 =	vor.u32 $0x80, v21;
	[tilespmem:v9+s11+$0x0] =	vst.idx.add.f32.msk $0xffff, v14  }
0xa6: {  	v20 =	vor.u32 $0x80, v20;
	[tilespmem:v17+s11+$0x0] =	vst.idx.add.f32.msk $0xffff, v61  }
0xa7: {  	v10 =	vor.u32 $0x80, v10;
	v13 =	vld.idx.msk [tilespmem:v13+s3+$0x0], $0xffff  }
0xa8: {  	v9 =	vor.u32 $0x80, v9;
	v11 =	vld.idx.msk [tilespmem:v11+s3+$0x0], $0xffff  }
0xa9: {  	v17 =	vor.u32 $0x80, v17;
	v15 =	vld.idx.msk [tilespmem:v62+s3+$0x0], $0xffff  }
0xaa: {  	[tilespmem:v63+s11+$0x0] =	vst.idx.add.f32.msk $0xffff, v16  }
0xab: {  	[tilespmem:v20+s11+$0x0] =	vst.idx.add.f32.msk $0xffff, v12  }
0xac: {  	[tilespmem:v10+s11+$0x0] =	vst.idx.add.f32.msk $0xffff, v13  }
0xad: {  	[tilespmem:v9+s11+$0x0] =	vst.idx.add.f32.msk $0xffff, v11  }
0xae: {  	[tilespmem:v17+s11+$0x0] =	vst.idx.add.f32.msk $0xffff, v15  }
0xaf: {  	v9 =	vld [tilespmem:s4+$0x9D00];
	_ =	sdelay $0x4  }
0xb0: {  	v10 =	vld [tilespmem:s4+$0x9D80];
	v11 =	vshll.u32 v9, $0x1  }
0xb1: {  	v9 =	vand.u32 $0x7F, v9;
	v11 =	vand.u32 $0xFFFFFF00, v11  }
0xb2: {  	v9 =	vor.u32 v9, v11;
	_ =	sdelay $0x2  }
0xb3: {  	v11 =	vshll.u32 v10, $0x1  }
0xb4: {  	v10 =	vand.u32 $0x7F, v10;
	v11 =	vand.u32 $0xFFFFFF00, v11  }
0xb5: {  	v10 =	vor.u32 v10, v11;
	v12 =	vld.idx.msk [tilespmem:v9+s3+$0x0], $0xffff  }
0xb6: {  	v9 =	vor.u32 $0x80, v9;
	_ =	sdelay $0x3  }
0xb7: {  	[tilespmem:v10+s11+$0x0] =	vst.idx.add.f32.msk $0xffff, v12  }
0xb8: {  	v10 =	vor.u32 $0x80, v10;
	v9 =	vld.idx.msk [tilespmem:v9+s3+$0x0], $0xffff;
	_ =	sdelay $0x2  }
0xb9: {  	s13 =	sadd.s32 $0x1, s13  }
0xba: {  	p0 =	sne.s32 s13, s7  }
.Ltmp2:
0xbb: {  	[tilespmem:v10+s11+$0x0] =	vst.idx.add.f32.msk $0xffff, v9;
	(pc) =	sbr.rel @p0 .LBB2_1-.Ltmp2, $4  }
0xbc: {  	[hbm4b:s6+s3] =	stream.linear.scatter [tilespmem:s11], [sflag:$0x3], $0x4F00, $0x38;
	[tilespmem:$0xED00] =	vst v63  }
0xbd: {  	_ =	swait.ge [sflag:s12], $0x4F00  }
0xbe: {  	[sflag:s12] =	ssyncset.done $0x0  }
0xbf: {  	[sflag:s12] =	ssyncadd.s32 $0xFFFFB100  }
0xc0: {  	_ =	sfence.sel $0x180000  }
0xc1: {  	[bflag:$0x0] =	sbarrier.arrive $0xFFFF  }
0xc2: {  	p0 =	sne.s32 s0, $0x0;
	_ =	strace $0x9000004D  }
0xc3: {  	s0 =	sadd.s32 @!p0 $0x100000, s2;
	[bflag:$0x2] =	sbarrier.arrive $0xFFFF  }
0xc4: {  	[sflag:s0] =	ssyncadd.tile.s32 @!p0 $0x1;
	_ =	shalt  }
.Lfunc_end2:
_tile_overlayer_lowered:
.L_overlay_start_2:
0xc5: {  	(tag) =	ssettag $0x2  }
0xc6: {  	s0 =	rddreg [dreg:$0x0];
	s2 =	stileid.u32  }
0xc7: {  	s1 =	rddreg [dreg:$0x1];
	p0 =	sne.s32 s2, $0x0  }
0xc8: {  	s3 =	rddreg [dreg:$0x2];
	[bflag:$0x3] =	sbarrier.arrive $0xFFFF;
	s2 =	simm.s32 @!p0 $0x1C03  }
0xc9: {  	[timem:s3], [sflag:s2] =	dma.local @!p0 [hbm:s0], s1  }
0xca: {  	s0 =	simm.s32 @!p0 $0x3  }
0xcb: {  	_ =	swait.ge @!p0 [sflag:s0], s1  }
0xcc: {  	s1 =	ssub.s32 @!p0 $0x0, s1;
	[sflag:s0] =	ssyncset.done @!p0 $0x0  }
0xcd: {  	[sflag:s0] =	ssyncadd.s32 @!p0 s1  }
0xce: {  	[bflag:$0x3] =	sbarrier.arrive $0xFFFF  }
0xcf: {  	_ =	shalt  }

// kernel: kernel.22.cloned.1.call-start
scs
__scs_entry_jumppad:
0x0: {  	(pc) =	sbr.rel $0x88, $3  }
0x1: {  	(tag) =	ssettag $0x0;
	lr =	simm.s32 $0x1  }
0x2: {  	[smem:$0x3F97] =	sst lr;
	_ =	strace $0xD0000000  }
0x3: {  	_ = 	snop  }
0x4: {  	_ = 	snop  }
0x5: {  	_ = 	snop  }
0x6: {  	_ = 	snop  }
0x7: {  	_ = 	snop  }
__scs_overlays_trampoline_lowered:
0x8: {  	[smem:$0x3FA6] =	sst s0  }
0x9: {  	[smem:$0x3FA7] =	sst s1  }
0xa: {  	[smem:$0x3FA8] =	sst s2  }
0xb: {  	[smem:$0x3FA9] =	sst s3  }
0xc: {  	[smem:$0x3FAA] =	sst s4  }
0xd: {  	[smem:$0x3FAB] =	sst s5  }
0xe: {  	[smem:$0x3FAC] =	sst s6  }
0xf: {  	[smem:$0x3FAD] =	sst s7  }
0x10: {  	[smem:$0x3FAE] =	sst s8  }
0x11: {  	[smem:$0x3FAF] =	sst s9;
	s0 =	simm.s32 @!p0 $0x0  }
0x12: {  	s1 =	sld [smem:$0x3F95];
	s0 =	simm.s32 @p0 $0x1  }
0x13: {  	[smem:$0x3FB0] =	sst s0;
	s0 =	simm.s32 @!p1 $0x0  }
0x14: {  	s2 =	sld [smem:$0x3F94];
	s0 =	simm.s32 @p1 $0x1  }
0x15: {  	[smem:$0x3FB1] =	sst s0;
	s0 =	simm.s32 @!p2 $0x0  }
0x16: {  	s3 =	sld [smem:$0x3FDB];
	s0 =	simm.s32 @p2 $0x1  }
0x17: {  	s4 =	simm.s32 $0x1BF5;
	[smem:$0x3FB3] =	sst s0  }
0x18: {  	s0 =	sld [smem:$0x3F96];
	_ =	swait.ge [sflag:s4], $0x0  }
0x19: {  	s7 =	sld [smem:$0x3F97]  }
0x1a: {  	s8 =	sadd.s32 $0xFFFFE003, lr  }
0x1b: {  	s9 =	sadd.s32 $0xFFFFFEF7, lr;
	s5 =	simm.s32 $0xFFFFFFFF;
	p2 =	slt.u32 s8, $0xFFFFF086  }
0x1c: {  	p1 =	slt.u32 s9, $0xF7A;
	s5 =	simm.s32 @!p2 $0x0  }
0x1d: {  	s5 =	simm.s32 @p1 $0x1;
	p0 =	seq.s32 s7, s2  }
0x1e: {  	s7 =	smul.u32 @!p0 $0xF7A, s2;
	p2 =	seq.s32 @!p0 s5, $0x0  }
0x1f: {  	s9 =	smul.u32 $0xF7A, s1;
	s8 =	simm.s32 @!p0 $0x1BF5;
	p2 =	por !p2, p0  }
0x20: {  	[sflag:s8] =	ssyncset.s32 @!p0 $0xFFFFF086;
	s6 =	sadd.s32 @!p0 s3, s7;
	s7 =	simm.s32 @!p0 $0x108  }
0x21: {  	s3 =	sadd.s32 s3, s9;
	s6 =	sadd.s32 @!p0 $0x88, s6;
	s7 =	simm.s32 @p2 $0x1082  }
0x22: {  	[simem:s7], [sflag:s8] =	dma.local @!p0 [hbm:s6], $0xF7A  }
0x23: {  	s9 =	sor.u32 $0xD0000000, s2;
	s6 =	simm.s32 $0x108;
	_ =	swait.ge @!p0 [sflag:s8], $0x0  }
0x24: {  	s3 =	sadd.s32 $0x88, s3;
	s6 =	simm.s32 @!p1 $0x1082;
	[sflag:s4] =	ssyncset.s32 $0xFFFFF086  }
0x25: {  	[simem:s6], [sflag:s4] =	dma.local [hbm:s3], $0xF7A  }
0x26: {  	[smem:$0x3F97] =	sst s1;
	(tag) =	ssettag s2;
	_ =	strace s9  }
0x27: {  	s1 =	sld [smem:$0x3FA7]  }
0x28: {  	s2 =	sld [smem:$0x3FA8]  }
0x29: {  	s4 =	sld [smem:$0x3FAA]  }
0x2a: {  	p0 =	seq.s32 s5, $0x0;
	s5 =	sld [smem:$0x3FAB]  }
0x2b: {  	s6 =	sld [smem:$0x3FAC]  }
0x2c: {  	s7 =	sld [smem:$0x3FAD]  }
0x2d: {  	s3 =	simm.s32 $0x108;
	s8 =	sld [smem:$0x3FAE]  }
0x2e: {  	s3 =	simm.s32 @!p0 $0x1082;
	s9 =	sld [smem:$0x3FAF]  }
0x2f: {  	lr =	sadd.s32 s0, s3;
	s0 =	sld [smem:$0x3FA6]  }
0x30: {  	s3 =	sld [smem:$0x3FA9]  }
0x31: {  	[smem:$0x3FB2] =	sst s10  }
0x32: {  	s10 =	sld [smem:$0x3FB0];
	_ =	sdelay $0x3  }
0x33: {  	p0 =	seq.s32 s10, $0x1;
	s10 =	sld [smem:$0x3FB2];
	_ =	sdelay $0x3  }
0x34: {  	[smem:$0x3FB2] =	sst s10  }
0x35: {  	s10 =	sld [smem:$0x3FB1];
	_ =	sdelay $0x3  }
0x36: {  	p1 =	seq.s32 s10, $0x1;
	s10 =	sld [smem:$0x3FB2];
	_ =	sdelay $0x3  }
0x37: {  	[smem:$0x3FB2] =	sst s10  }
0x38: {  	s10 =	sld [smem:$0x3FB3]  }
0x39: {  	_ = 	snop;
	(pc) =	sbr.ind lr, $3  }
0x3a: {  	_ = 	snop  }
0x3b: {  	_ = 	snop  }
0x3c: {  	p2 =	seq.s32 s10, $0x1;
	s10 =	sld [smem:$0x3FB2]  }
0x3d: {  	_ =	shalt  }
0x3e: {  	_ =	shalt  }
0x3f: {  	_ =	shalt  }
0x40: {  	_ =	shalt  }
0x41: {  	_ =	shalt  }
0x42: {  	_ =	shalt  }
0x43: {  	_ =	shalt  }
0x44: {  	_ =	shalt  }
0x45: {  	_ =	shalt  }
0x46: {  	_ =	shalt  }
0x47: {  	_ =	shalt  }
0x48: {  	_ =	shalt  }
0x49: {  	_ =	shalt  }
0x4a: {  	_ =	shalt  }
0x4b: {  	_ =	shalt  }
0x4c: {  	_ =	shalt  }
0x4d: {  	_ =	shalt  }
0x4e: {  	_ =	shalt  }
0x4f: {  	_ =	shalt  }
0x50: {  	_ =	shalt  }
0x51: {  	_ =	shalt  }
0x52: {  	_ =	shalt  }
0x53: {  	_ =	shalt  }
0x54: {  	_ =	shalt  }
0x55: {  	_ =	shalt  }
0x56: {  	_ =	shalt  }
0x57: {  	_ =	shalt  }
0x58: {  	_ =	shalt  }
0x59: {  	_ =	shalt  }
0x5a: {  	_ =	shalt  }
0x5b: {  	_ =	shalt  }
0x5c: {  	_ =	shalt  }
0x5d: {  	_ =	shalt  }
0x5e: {  	_ =	shalt  }
0x5f: {  	_ =	shalt  }
0x60: {  	_ =	shalt  }
0x61: {  	_ =	shalt  }
0x62: {  	_ =	shalt  }
0x63: {  	_ =	shalt  }
0x64: {  	_ =	shalt  }
0x65: {  	_ =	shalt  }
0x66: {  	_ =	shalt  }
0x67: {  	_ =	shalt  }
0x68: {  	_ =	shalt  }
0x69: {  	_ =	shalt  }
0x6a: {  	_ =	shalt  }
0x6b: {  	_ =	shalt  }
0x6c: {  	_ =	shalt  }
0x6d: {  	_ =	shalt  }
0x6e: {  	_ =	shalt  }
0x6f: {  	_ =	shalt  }
0x70: {  	_ =	shalt  }
0x71: {  	_ =	shalt  }
0x72: {  	_ =	shalt  }
0x73: {  	_ =	shalt  }
0x74: {  	_ =	shalt  }
0x75: {  	_ =	shalt  }
0x76: {  	_ =	shalt  }
0x77: {  	_ =	shalt  }
0x78: {  	_ =	shalt  }
0x79: {  	_ =	shalt  }
0x7a: {  	_ =	shalt  }
0x7b: {  	_ =	shalt  }
0x7c: {  	_ =	shalt  }
0x7d: {  	_ =	shalt  }
0x7e: {  	_ =	shalt  }
0x7f: {  	_ =	shalt  }
0x80: {  	_ =	shalt  }
0x81: {  	_ =	shalt  }
0x82: {  	_ =	shalt  }
0x83: {  	_ =	shalt  }
0x84: {  	_ =	shalt  }
0x85: {  	_ =	shalt  }
0x86: {  	_ =	shalt  }
0x87: {  	_ =	shalt  }
.Lfunc_end0:
.L_simem_size_0:
called_computation.3_lowered:
.L_overlay_start_0:
0x88: {  	s2 =	sld [smem:$0x3FD9]  }
0x89: {  	s3 =	sld [smem:$0x3FFE];
	_ =	sdelay $0x1  }
0x8a: {  	s1 =	srdreg.scid  }
0x8b: {  	s0 =	sand.u32 $0x1, s1  }
0x8c: {  	s17 =	sshll.u32 s0, $0xA;
	s2 =	sadd.s32 s3, s2  }
0x8d: {  	s2 =	sadd.s32 s2, s17  }
0x8e: {  	[smem:$0x3FBE] =	sst s2  }
0x8f: {  	_ = 	snop  }
0x90: {  	s2 =	sld [smem:$0x3FC8]  }
0x91: {  	s18 =	sld [smem:$0x3FD0];
	(tm) =	ssettm $0x1  }
0x92: {  	s4 =	sld [smem:$0x3FFB];
	_ =	sdelay $0x3  }
0x93: {  	_ =	strace s4  }
0x94: {  	s4 =	sld [smem:$0x3FFC];
	_ =	sdelay $0x3  }
0x95: {  	_ =	strace s4  }
0x96: {  	s4 =	sld [smem:$0x3FFD];
	_ =	sdelay $0x3  }
0x97: {  	_ =	strace s4  }
0x98: {  	_ =	strace $0x8FFFFFFF  }
0x99: {  	s19 =	sld [smem:$0x3FDB];
	_ =	sdelay $0x1  }
0x9a: {  	s5 =	simm.s32 $_scs_section_size  }
0x9b: {  	s6 =	simm.s32 $_size__tile_overlayer_lowered;
	s7 =	simm.s32 $_tile_overlayer_lowered  }
0x9c: {  	s22 =	simm.s32 $0x1BFF;
	s21 =	sshll.u32 s7, $0x1;
	s4 =	sadd.s32 s5, s19  }
0x9d: {  	s8 =	simm.s32 $0x0;
	s20 =	sshll.u32 s6, $0x1;
	s6 =	sadd.s32 s21, s4  }
0x9e: {  	[timem:s8], [sflag:s22] =	dma.local [hbm:s6], s20  }
0x9f: {  	_ =	swait.ge [sflag:s22], s20  }
0xa0: {  	s5 =	ssub.s32 $0x0, s20;
	[sflag:s22] =	ssyncset.done $0x0  }
0xa1: {  	[sflag:s22] =	ssyncadd.s32 s5;
	_ =	sdelay $0x1  }
0xa2: {  	s23 =	simm.s32 $0x1B8B  }
0xa3: {  	_ =	swait.ge [sflag:s23], $0x1  }
0xa4: {  	[sflag:s23] =	ssyncset.done $0x0  }
0xa5: {  	s25 =	simm.s32 $0x1B8E;
	s24 =	sld [smem:$0x3FFE];
	[sflag:s23] =	ssyncadd.s32 $0xFFFFFFFF  }
0xa6: {  	s26 =	simm.s32 $execute0_lowered;
	[smem:$0x3FD2] =	sst s25  }
0xa7: {  	s6 =	sshll.u32 s26, $0x1;
	_ =	strace $0x8000004F;
	[dreg:$0x1] =	wrdreg $0xFFFFFFFF  }
0xa8: {  	s28 =	simm.s32 $_size_execute0_lowered;
	s4 =	sadd.s32 s4, s6;
	[dreg:$0x0] =	wrdreg $0x0  }
0xa9: {  	s6 =	sshll.u32 s28, $0x1;
	[dreg:$0x2] =	wrdreg s4  }
0xaa: {  	[dreg:$0x3] =	wrdreg s6  }
0xab: {  	[dreg:$0x4] =	wrdreg $0xC0  }
0xac: {  	_ =	task [dreg:s8], $0x5FFFF  }
0xad: {  	[dreg:$0x1] =	wrdreg $0xFFFFFFFF  }
0xae: {  	[dreg:$0x0] =	wrdreg $0x60  }
0xaf: {  	[dreg:$0x2] =	wrdreg s18  }
0xb0: {  	[dreg:$0x3] =	wrdreg s2  }
0xb1: {  	[dreg:$0x4] =	wrdreg s24  }
0xb2: {  	[dreg:$0x5] =	wrdreg $0x9  }
0xb3: {  	_ =	task.clear_ibuf [dreg:s8], $0x6FFFF;
	_ =	strace $0x9000004F  }
0xb4: {  	s29 =	simm.s32 $0x9;
	_ =	strace $0x80000051  }
0xb5: {  	_ =	swait.ge [sflag:s29], $0x1  }
0xb6: {  	[sflag:s29] =	ssyncadd.s32 $0xFFFFFFFF  }
0xb7: {  	_ =	strace $0x90000051  }
0xb8: {  	_ =	sfence  }
0xb9: {  	s30 =	sld [smem:$0x0];
	_ =	sdelay $0x2  }
0xba: {  	s31 =	sshll.u32 s1, $0xD;
	s1 =	sshrl.u32 s1, $0x2  }
0xbb: {  	s3 =	sand.u32 $0x4000, s31;
	s1 =	sadd.s32 s1, s30  }
0xbc: {  	s0 =	sor.u32 s3, s0;
	s1 =	sshll.u32 s1, $0x11  }
0xbd: {  	s0 =	sor.u32 s1, s0  }
0xbe: {  	s0 =	sadd.s32 $0x8F2B, s0  }
0xbf: {  	[sflag:s0] =	ssyncadd.remote.s32 $0x1  }
0xc0: {  	_ =	sfence.sel $0xFFFF  }
0xc1: {  	[dreg:$0x0] =	wrdreg $0xFFFFFFFF;
	(pc) =	sbr.abs _section_cstart, $3  }
0xc2: {  	[dreg:$0x1] =	wrdreg $0xFFFFFFFF  }
0xc3: {  	_ =	task.clear_ibuf [dreg:s8], $0x2FFFF;
	_ =	strace $0x9FFFFFFF  }
0xc4: {  	(tm) =	ssettm $0x7FFFFFFF  }
0xc5: {  	_ =	shalt  }
tec
execute0_lowered:
.L_overlay_start_1:
0x0: {  	(tag) =	ssettag $0x1  }
0x1: {  	s1 =	rddreg [dreg:$0x0]  }
0x2: {  	s6 =	rddreg [dreg:$0x1]  }
0x3: {  	s0 =	srdreg.scid;
	s8 =	rddreg [dreg:$0x2]  }
0x4: {  	s3 =	simm.s32 $0x0;
	s5 =	sand.u32 $0x1, s0;
	s0 =	stileid.u32  }
0x5: {  	[smem:$0x7FF] =	sst s3;
	s2 =	sshll.u32 s5, $0x4;
	s4 =	sshll.u32 s0, $0x4  }
0x6: {  	s5 =	ssub.s32 $0x2, s5;
	s26 =	sand.u32 $0x7, s0;
	s28 =	sadd.s32 $0xFFFFFFFF, s0  }
0x7: {  	s19 =	sadd.s32 $0x1, s0;
	s14 =	sadd.s32 $0x6, s0;
	s22 =	sadd.s32 $0x2, s0  }
0x8: {  	s23 =	sadd.s32 $0x5, s0;
	s7 =	sor.u32 s0, s2;
	s2 =	rddreg [dreg:$0x3]  }
0x9: {  	s4 =	sand.u32 $0x70, s4;
	_ =	strace $0x80000050;
	s25 =	sshrl.u32 s5, $0x1  }
0xa: {  	s10 =	sshll.u32 s26, $0x7;
	s13 =	sand.u32 $0x7, s28;
	s31 =	sshll.u32 s26, $0x6  }
0xb: {  	s14 =	sand.u32 $0x7, s14;
	s28 =	sadd.s32 $0x3, s0;
	s9 =	smul.u32 $0x2710, s7  }
0xc: {  	s7 =	smul.u32 $0x9E0, s7;
	s11 =	sxor.u32 $0x40, s4;
	s12 =	sadd.s32 $0x3FC, s10  }
0xd: {  	s30 =	sshll.u32 s13, $0x6;
	s18 =	sadd.s32 $0x80, s10;
	s15 =	sadd.s32 $0x300, s10  }
0xe: {  	s14 =	sshll.u32 s14, $0x6;
	s21 =	sadd.s32 $0x100, s10;
	s17 =	sadd.s32 $0x280, s10  }
0xf: {  	s26 =	sadd.s32 $0x180, s10;
	s10 =	sadd.s32 $0x200, s10;
	s13 =	sshrl.u32 s31, $0x2  }
0x10: {  	s29 =	sand.u32 $0x400, s12;
	s12 =	sand.u32 $0x7, s19;
	s15 =	sand.u32 $0x400, s15  }
0x11: {  	s24 =	sand.u32 $0x400, s17;
	s10 =	sand.u32 $0x400, s10;
	s11 =	sshll.u32 s11, $0x2  }
0x12: {  	v1 =	vmov s13;
	s13 =	simm.s32 $0x0;
	s9 =	ssub.s32 s9, s4;
	s7 =	sadd.s32 s7, s8  }
0x13: {  	s8 =	ssub.s32 s5, s25;
	s12 =	sshll.u32 s12, $0x6;
	s20 =	sor.u32 s14, s15  }
0x14: {  	s15 =	sand.u32 $0x7, s23;
	s9 =	sshrl.u32 s9, $0x2;
	s14 =	sor.u32 $0x200, s20  }
0x15: {  	s25 =	sshll.u32 s15, $0x6;
	s15 =	sand.u32 $0x7, s28;
	s9 =	sand.u32 $0xFFFFFE0, s9  }
0x16: {  	s15 =	sshll.u32 s15, $0x6;
	s14 =	sshrl.u32 s14, $0x2;
	s5 =	sadd.s32 s6, s9  }
0x17: {  	s6 =	sadd.s32 $0x4800, s7;
	s7 =	smax.u32 s8, $0x1;
	s8 =	sor.u32 s30, s29  }
0x18: {  	s9 =	sand.u32 $0x400, s18;
	s30 =	sor.u32 s11, s10;
	s10 =	simm.s32 $0x2  }
0x19: {  	s16 =	sor.u32 $0x200, s8;
	s12 =	sor.u32 s12, s9;
	s9 =	sand.u32 $0x7, s22  }
0x1a: {  	s8 =	sand.u32 $0x400, s21;
	s11 =	sor.u32 $0x200, s30;
	s9 =	sshll.u32 s9, $0x6  }
0x1b: {  	s12 =	sshrl.u32 s12, $0x2;
	s11 =	sshrl.u32 s11, $0x2;
	s16 =	sshrl.u32 s16, $0x2  }
0x1c: {  	s18 =	sor.u32 s9, s8;
	s8 =	sor.u32 s25, s24;
	s9 =	sand.u32 $0x400, s26;
	v8 =	vmov s16  }
0x1d: {  	v5 =	vmov s11;
	s11 =	simm.s32 $0x9E00;
	s29 =	sor.u32 $0x200, s8;
	s15 =	sor.u32 s15, s9  }
0x1e: {  	v0 =	vimm.f32 $0.0e+00;
	v7 =	vmov s14;
	v2 =	vmov s12;
	s18 =	sshrl.u32 s18, $0x2;
	s15 =	sshrl.u32 s15, $0x2;
	s31 =	sshrl.u32 s29, $0x2  }
0x1f: {  	s12 =	simm.s32 $0x3;
	s8 =	simm.s32 $0x4F00;
	s9 =	simm.s32 $0x1;
	v3 =	vmov s18;
	v4 =	vmov s15;
	v6 =	vmov s31  }
.LBB2_1:
0x20: {  	[tilespmem:s8], [sflag:$0x1] =	stream.linear.gather [hbm4b:s5+s3], $0x4F00, $0x38;
	[tilespmem:$0xED00] =	vst v63  }
0x21: {  	s14 =	simm.s32 $0x9E80  }
0x22: {  	[tilespmem:s3], [sflag:$0x2] =	stream.linear.gather [hbm4b:s1+s3], $0x4F00, $0x38;
	[tilespmem:$0xED00] =	vst v63  }
0x23: {  	[tilespmem:s14+$0xFFFFFF80] =	vst v0  }
0x24: {  	[tilespmem:s14+$0x70] =	vst v0  }
0x25: {  	[tilespmem:s14+$0xFFFFFFF0] =	vst v0  }
0x26: {  	[tilespmem:s14+$0x60] =	vst v0  }
0x27: {  	[tilespmem:s14+$0xFFFFFFE0] =	vst v0  }
0x28: {  	[tilespmem:s14+$0x50] =	vst v0  }
0x29: {  	[tilespmem:s14+$0xFFFFFFD0] =	vst v0  }
0x2a: {  	[tilespmem:s14+$0x40] =	vst v0  }
0x2b: {  	[tilespmem:s14+$0xFFFFFFC0] =	vst v0  }
0x2c: {  	[tilespmem:s14+$0x30] =	vst v0  }
0x2d: {  	[tilespmem:s14+$0xFFFFFFB0] =	vst v0  }
0x2e: {  	[tilespmem:s14+$0x20] =	vst v0  }
0x2f: {  	[tilespmem:s14+$0xFFFFFFA0] =	vst v0  }
0x30: {  	[tilespmem:s14+$0x10] =	vst v0  }
0x31: {  	s15 =	simm.s32 $0x0;
	[tilespmem:s14+$0xFFFFFF90] =	vst v0  }
.LBB2_2:
0x32: {  	s15 =	sadd.s32 $0x8, s15;
	[tilespmem:s14+$0x0] =	vst v0;
	s14 =	sadd.s32 $0x100, s14  }
0x33: {  	[tilespmem:s14+$0xFFFFFF80] =	vst v0;
	p0 =	slt.u32 s15, $0x268  }
0x34: {  	[tilespmem:s14+$0x70] =	vst v0  }
0x35: {  	[tilespmem:s14+$0xFFFFFFF0] =	vst v0  }
0x36: {  	[tilespmem:s14+$0x60] =	vst v0  }
0x37: {  	[tilespmem:s14+$0xFFFFFFE0] =	vst v0  }
0x38: {  	[tilespmem:s14+$0x50] =	vst v0  }
0x39: {  	[tilespmem:s14+$0xFFFFFFD0] =	vst v0  }
0x3a: {  	[tilespmem:s14+$0x40] =	vst v0  }
0x3b: {  	[tilespmem:s14+$0xFFFFFFC0] =	vst v0  }
0x3c: {  	[tilespmem:s14+$0x30] =	vst v0  }
.Ltmp0:
0x3d: {  	[tilespmem:s14+$0xFFFFFFB0] =	vst v0;
	(pc) =	sbr.rel @p0 .LBB2_2-.Ltmp0, $4  }
0x3e: {  	[tilespmem:s14+$0x20] =	vst v0  }
0x3f: {  	[tilespmem:s14+$0xFFFFFFA0] =	vst v0  }
0x40: {  	[tilespmem:s14+$0x10] =	vst v0  }
0x41: {  	[tilespmem:s14+$0xFFFFFF90] =	vst v0  }
0x42: {  	[tilespmem:s14+$0x0] =	vst v0  }
0x43: {  	[tilespmem:$0xEC00] =	vst v0  }
0x44: {  	[tilespmem:$0xEC80] =	vst v0  }
0x45: {  	_ =	swait.ge [sflag:s9], $0x4F00  }
0x46: {  	[sflag:s9] =	ssyncset.done $0x0  }
0x47: {  	[sflag:s9] =	ssyncadd.s32 $0xFFFFB100  }
0x48: {  	_ =	swait.ge [sflag:s10], $0x4F00  }
0x49: {  	[sflag:s10] =	ssyncset.done $0x0  }
0x4a: {  	s14 =	simm.s32 $0x4F00;
	[sflag:s10] =	ssyncadd.s32 $0xFFFFB100  }
0x4b: {  	v9 =	vld.idx.msk [tilespmem:v1+s14+$0x0 ss:$0x1], $0xffff  }
0x4c: {  	v10 =	vld.idx.msk [tilespmem:v8+s14+$0xFFFFFF80 ss:$0x1], $0xffff  }
0x4d: {  	v11 =	vld.idx.msk [tilespmem:v8+s14+$0x0 ss:$0x1], $0xffff  }
0x4e: {  	v12 =	vld.idx.msk [tilespmem:v2+s14+$0x0 ss:$0x1], $0xffff  }
0x4f: {  	v16 =	vld.idx.msk [tilespmem:v1+s14+$0x80 ss:$0x1], $0xffff  }
0x50: {  	v13 =	vld.idx.msk [tilespmem:v3+s14+$0x0 ss:$0x1], $0xffff  }
0x51: {  	v14 =	vld.idx.msk [tilespmem:v4+s14+$0x0 ss:$0x1], $0xffff;
	v15 =	vshll.u32 v9, $0x1  }
0x52: {  	v18 =	vld.idx.msk [tilespmem:v5+s14+$0xFFFFFF80 ss:$0x1], $0xffff;
	v9 =	vand.u32 $0x7F, v9;
	v15 =	vand.u32 $0xFFFFFF00, v15  }
0x53: {  	v21 =	vld.idx.msk [tilespmem:v7+s14+$0xFFFFFF80 ss:$0x1], $0xffff;
	v17 =	vshll.u32 v10, $0x1;
	v15 =	vor.u32 v9, v15  }
0x54: {  	v19 =	vld.idx.msk [tilespmem:v6+s14+$0xFFFFFF80 ss:$0x1], $0xffff;
	v22 =	vshll.u32 v16, $0x1;
	v9 =	vand.u32 $0x7F, v10;
	v10 =	vand.u32 $0xFFFFFF00, v17  }
0x55: {  	v28 =	vld.idx.msk [tilespmem:v7+s14+$0x0 ss:$0x1], $0xffff;
	v27 =	vshll.u32 v12, $0x1;
	v20 =	vor.u32 v9, v10;
	v10 =	vshll.u32 v11, $0x1  }
0x56: {  	v12 =	vand.u32 $0x7F, v12;
	v9 =	vld.idx.msk [tilespmem:v2+s14+$0x80 ss:$0x1], $0xffff;
	v11 =	vand.u32 $0x7F, v11;
	v17 =	vand.u32 $0xFFFFFF00, v10  }
0x57: {  	v22 =	vand.u32 $0xFFFFFF00, v22;
	v10 =	vld.idx.msk [tilespmem:v3+s14+$0x80 ss:$0x1], $0xffff;
	v26 =	vor.u32 v11, v17;
	v11 =	vand.u32 $0x7F, v16  }
0x58: {  	v27 =	vand.u32 $0xFFFFFF00, v27;
	v22 =	vor.u32 v11, v22;
	v11 =	vshll.u32 v21, $0x1;
	v16 =	vld.idx.msk [tilespmem:v15+s3+$0x0], $0xffff  }
0x59: {  	v17 =	vld.idx.msk [tilespmem:v6+s14+$0x0 ss:$0x1], $0xffff;
	v29 =	vand.u32 $0xFFFFFF00, v11;
	v11 =	vor.u32 v12, v27  }
0x5a: {  	v15 =	vor.u32 $0x80, v15;
	v27 =	vld.idx.msk [tilespmem:v4+s14+$0x80 ss:$0x1], $0xffff  }
0x5b: {  	v25 =	vshll.u32 v14, $0x1;
	v14 =	vand.u32 $0x7F, v14;
	v21 =	vand.u32 $0x7F, v21;
	v24 =	vld.idx.msk [tilespmem:v20+s3+$0x0], $0xffff  }
0x5c: {  	v61 =	vshll.u32 v13, $0x1;
	v12 =	vand.u32 $0xFFFFFF00, v25;
	v25 =	vld.idx.msk [tilespmem:v5+s14+$0x0 ss:$0x1], $0xffff;
	v21 =	vor.u32 v21, v29  }
0x5d: {  	v13 =	vand.u32 $0x7F, v13;
	v12 =	vor.u32 v14, v12;
	v14 =	vand.u32 $0xFFFFFF00, v61;
	[tilespmem:v22+s11+$0x0] =	vst.idx.add.f32.msk $0xffff, v16  }
0x5e: {  	v23 =	vshll.u32 v18, $0x1;
	v13 =	vor.u32 v13, v14;
	v14 =	vld.idx.msk [tilespmem:v11+s3+$0x0], $0xffff  }
0x5f: {  	v18 =	vand.u32 $0x7F, v18;
	v23 =	vand.u32 $0xFFFFFF00, v23;
	v22 =	vor.u32 $0x80, v22;
	v15 =	vld.idx.msk [tilespmem:v15+s3+$0x0], $0xffff  }
0x60: {  	v62 =	vor.u32 $0x80, v20;
	v16 =	vor.u32 v18, v23;
	v18 =	vshll.u32 v28, $0x1;
	[tilespmem:v26+s11+$0x0] =	vst.idx.add.f32.msk $0xffff, v24  }
0x61: {  	v23 =	vand.u32 $0x7F, v28;
	v20 =	vshll.u32 v27, $0x1;
	v24 =	vld.idx.msk [tilespmem:v21+s3+$0x0], $0xffff;
	v18 =	vand.u32 $0xFFFFFF00, v18  }
0x62: {  	v27 =	vand.u32 $0x7F, v27;
	v63 =	vld.idx.msk [tilespmem:v12+s3+$0x0], $0xffff;
	v20 =	vand.u32 $0xFFFFFF00, v20;
	v18 =	vor.u32 v23, v18  }
0x63: {  	v32 =	vor.u32 $0x80, v21;
	v30 =	vshll.u32 v25, $0x1;
	v23 =	vld.idx.msk [tilespmem:v13+s3+$0x0], $0xffff;
	v20 =	vor.u32 v27, v20  }
0x64: {  	v25 =	vand.u32 $0x7F, v25;
	v30 =	vand.u32 $0xFFFFFF00, v30;
	[tilespmem:v22+s11+$0x0] =	vst.idx.add.f32.msk $0xffff, v15;
	v15 =	vshll.u32 v19, $0x1  }
0x65: {  	v21 =	vor.u32 v25, v30;
	v31 =	vld.idx.msk [tilespmem:v16+s3+$0x0], $0xffff;
	v22 =	vand.u32 $0x7F, v19;
	v15 =	vand.u32 $0xFFFFFF00, v15  }
0x66: {  	v25 =	vld.idx.msk [tilespmem:v62+s3+$0x0], $0xffff;
	v15 =	vor.u32 v22, v15  }
0x67: {  	[tilespmem:v18+s11+$0x0] =	vst.idx.add.f32.msk $0xffff, v24  }
0x68: {  	v26 =	vor.u32 $0x80, v26;
	[tilespmem:v20+s11+$0x0] =	vst.idx.add.f32.msk $0xffff, v63  }
0x69: {  	v19 =	vld.idx.msk [tilespmem:v32+s3+$0x0], $0xffff;
	v22 =	vshll.u32 v9, $0x1  }
0x6a: {  	s15 =	simm.s32 $0x0;
	v24 =	vshll.u32 v10, $0x1;
	v22 =	vand.u32 $0xFFFFFF00, v22;
	[tilespmem:v21+s11+$0x0] =	vst.idx.add.f32.msk $0xffff, v31  }
.LBB2_4:
0x6b: {  	s15 =	sadd.s32 $0x8, s15;
	v27 =	vld.idx.msk [tilespmem:v15+s3+$0x0], $0xffff;
	s14 =	sadd.s32 $0x100, s14  }
0x6c: {  	v28 =	vld.idx.msk [tilespmem:v8+s14+$0x0 ss:$0x1], $0xffff;
	p0 =	slt.u32 s15, $0x268  }
0x6d: {  	[tilespmem:v26+s11+$0x0] =	vst.idx.add.f32.msk $0xffff, v25  }
0x6e: {  	v26 =	vshll.u32 v17, $0x1;
	v25 =	vld.idx.msk [tilespmem:v2+s14+$0x0 ss:$0x1], $0xffff  }
0x6f: {  	v17 =	vand.u32 $0x7F, v17;
	v26 =	vand.u32 $0xFFFFFF00, v26;
	v29 =	vld.idx.msk [tilespmem:v3+s14+$0x0 ss:$0x1], $0xffff  }
0x70: {  	v10 =	vand.u32 $0x7F, v10;
	v24 =	vand.u32 $0xFFFFFF00, v24;
	v17 =	vor.u32 v17, v26;
	v30 =	vld.idx.msk [tilespmem:v4+s14+$0x0 ss:$0x1], $0xffff  }
0x71: {  	v10 =	vor.u32 v10, v24;
	v26 =	vld.idx.msk [tilespmem:v5+s14+$0xFFFFFF80 ss:$0x1], $0xffff  }
0x72: {  	v31 =	vshll.u32 v28, $0x1;
	v24 =	vld.idx.msk [tilespmem:v6+s14+$0xFFFFFF80 ss:$0x1], $0xffff  }
0x73: {  	v31 =	vand.u32 $0xFFFFFF00, v31;
	v32 =	vld.idx.msk [tilespmem:v7+s14+$0xFFFFFF80 ss:$0x1], $0xffff  }
0x74: {  	v9 =	vand.u32 $0x7F, v9;
	v16 =	vor.u32 $0x80, v16;
	v33 =	vld.idx.msk [tilespmem:v8+s14+$0xFFFFFF80 ss:$0x1], $0xffff  }
0x75: {  	v9 =	vor.u32 v9, v22;
	[tilespmem:v17+s11+$0x0] =	vst.idx.add.f32.msk $0xffff, v27  }
0x76: {  	v12 =	vor.u32 $0x80, v12;
	[tilespmem:v10+s11+$0x0] =	vst.idx.add.f32.msk $0xffff, v23  }
0x77: {  	v13 =	vor.u32 $0x80, v13;
	v22 =	vld.idx.msk [tilespmem:v1+s14+$0x0 ss:$0x1], $0xffff  }
0x78: {  	v11 =	vor.u32 $0x80, v11;
	v15 =	vor.u32 $0x80, v15;
	v23 =	vld.idx.msk [tilespmem:v1+s14+$0x80 ss:$0x1], $0xffff  }
0x79: {  	v16 =	vld.idx.msk [tilespmem:v16+s3+$0x0], $0xffff  }
0x7a: {  	[tilespmem:v9+s11+$0x0] =	vst.idx.add.f32.msk $0xffff, v14;
	v14 =	vor.u32 $0x80, v21  }
0x7b: {  	v18 =	vor.u32 $0x80, v18;
	v12 =	vld.idx.msk [tilespmem:v12+s3+$0x0], $0xffff  }
0x7c: {  	v20 =	vor.u32 $0x80, v20;
	v13 =	vld.idx.msk [tilespmem:v13+s3+$0x0], $0xffff  }
0x7d: {  	v10 =	vor.u32 $0x80, v10;
	v9 =	vor.u32 $0x80, v9;
	v11 =	vld.idx.msk [tilespmem:v11+s3+$0x0], $0xffff  }
0x7e: {  	v27 =	vand.u32 $0x7F, v28;
	v17 =	vor.u32 $0x80, v17;
	v21 =	vshll.u32 v23, $0x1;
	v15 =	vld.idx.msk [tilespmem:v15+s3+$0x0], $0xffff  }
0x7f: {  	v27 =	vor.u32 v27, v31;
	v21 =	vand.u32 $0xFFFFFF00, v21;
	[tilespmem:v14+s11+$0x0] =	vst.idx.add.f32.msk $0xffff, v16  }
0x80: {  	v14 =	vand.u32 $0x7F, v22;
	v16 =	vshll.u32 v22, $0x1;
	v22 =	vand.u32 $0x7F, v23;
	[tilespmem:v18+s11+$0x0] =	vst.idx.add.f32.msk $0xffff, v19  }
0x81: {  	v16 =	vand.u32 $0xFFFFFF00, v16;
	v18 =	vor.u32 v22, v21;
	v19 =	vshll.u32 v33, $0x1;
	[tilespmem:v20+s11+$0x0] =	vst.idx.add.f32.msk $0xffff, v12  }
0x82: {  	v12 =	vor.u32 v14, v16;
	v14 =	vand.u32 $0x7F, v33;
	v16 =	vand.u32 $0xFFFFFF00, v19;
	[tilespmem:v10+s11+$0x0] =	vst.idx.add.f32.msk $0xffff, v13  }
0x83: {  	v19 =	vor.u32 $0x80, v12;
	v10 =	vshll.u32 v24, $0x1;
	v20 =	vor.u32 v14, v16;
	[tilespmem:v9+s11+$0x0] =	vst.idx.add.f32.msk $0xffff, v11  }
0x84: {  	v14 =	vshll.u32 v32, $0x1;
	v11 =	vshll.u32 v26, $0x1;
	v13 =	vand.u32 $0xFFFFFF00, v10;
	[tilespmem:v17+s11+$0x0] =	vst.idx.add.f32.msk $0xffff, v15  }
0x85: {  	v16 =	vand.u32 $0x7F, v26;
	v15 =	vshll.u32 v30, $0x1;
	v17 =	vand.u32 $0x7F, v24;
	v9 =	vld.idx.msk [tilespmem:v2+s14+$0x80 ss:$0x1], $0xffff  }
0x86: {  	v23 =	vand.u32 $0x7F, v32;
	v21 =	vshll.u32 v29, $0x1;
	v22 =	vand.u32 $0xFFFFFF00, v15;
	v10 =	vld.idx.msk [tilespmem:v3+s14+$0x80 ss:$0x1], $0xffff  }
0x87: {  	v14 =	vand.u32 $0xFFFFFF00, v14;
	v24 =	vand.u32 $0x7F, v30;
	v26 =	vld.idx.msk [tilespmem:v12+s3+$0x0], $0xffff;
	v12 =	vshll.u32 v25, $0x1  }
0x88: {  	v21 =	vand.u32 $0xFFFFFF00, v21;
	v15 =	vor.u32 v17, v13;
	v12 =	vand.u32 $0xFFFFFF00, v12;
	v28 =	vld.idx.msk [tilespmem:v20+s3+$0x0], $0xffff  }
0x89: {  	v13 =	vand.u32 $0x7F, v25;
	v25 =	vand.u32 $0x7F, v29;
	v29 =	vand.u32 $0xFFFFFF00, v11;
	v17 =	vld.idx.msk [tilespmem:v6+s14+$0x0 ss:$0x1], $0xffff  }
0x8a: {  	v16 =	vor.u32 v16, v29;
	v11 =	vor.u32 v13, v12;
	v12 =	vor.u32 v24, v22;
	v29 =	vld.idx.msk [tilespmem:v7+s14+$0x0 ss:$0x1], $0xffff  }
0x8b: {  	v23 =	vor.u32 v23, v14;
	v13 =	vor.u32 v25, v21;
	v22 =	vshll.u32 v9, $0x1;
	v21 =	vld.idx.msk [tilespmem:v4+s14+$0x80 ss:$0x1], $0xffff  }
0x8c: {  	v22 =	vand.u32 $0xFFFFFF00, v22;
	v24 =	vshll.u32 v10, $0x1;
	v25 =	vld.idx.msk [tilespmem:v5+s14+$0x0 ss:$0x1], $0xffff  }
0x8d: {  	[tilespmem:v18+s11+$0x0] =	vst.idx.add.f32.msk $0xffff, v26  }
0x8e: {  	[tilespmem:v27+s11+$0x0] =	vst.idx.add.f32.msk $0xffff, v28  }
0x8f: {  	v19 =	vld.idx.msk [tilespmem:v19+s3+$0x0], $0xffff  }
0x90: {  	v26 =	vor.u32 $0x80, v18;
	v18 =	vshll.u32 v29, $0x1;
	v14 =	vld.idx.msk [tilespmem:v11+s3+$0x0], $0xffff  }
0x91: {  	v30 =	vor.u32 $0x80, v20;
	v29 =	vand.u32 $0x7F, v29;
	v18 =	vand.u32 $0xFFFFFF00, v18;
	v28 =	vld.idx.msk [tilespmem:v23+s3+$0x0], $0xffff  }
0x92: {  	v20 =	vshll.u32 v21, $0x1;
	v32 =	vshll.u32 v25, $0x1;
	v18 =	vor.u32 v29, v18;
	v31 =	vld.idx.msk [tilespmem:v12+s3+$0x0], $0xffff  }
0x93: {  	v33 =	vor.u32 $0x80, v23;
	v25 =	vand.u32 $0x7F, v25;
	v32 =	vand.u32 $0xFFFFFF00, v32;
	v29 =	vld.idx.msk [tilespmem:v16+s3+$0x0], $0xffff  }
0x94: {  	v34 =	vand.u32 $0x7F, v21;
	v20 =	vand.u32 $0xFFFFFF00, v20;
	v21 =	vor.u32 v25, v32;
	v23 =	vld.idx.msk [tilespmem:v13+s3+$0x0], $0xffff  }
0x95: {  	v20 =	vor.u32 v34, v20;
	[tilespmem:v26+s11+$0x0] =	vst.idx.add.f32.msk $0xffff, v19  }
.Ltmp1:
0x96: {  	v25 =	vld.idx.msk [tilespmem:v30+s3+$0x0], $0xffff;
	(pc) =	sbr.rel @p0 .LBB2_4-.Ltmp1, $4  }
0x97: {  	[tilespmem:v18+s11+$0x0] =	vst.idx.add.f32.msk $0xffff, v28  }
0x98: {  	v26 =	vor.u32 $0x80, v27;
	v19 =	vld.idx.msk [tilespmem:v33+s3+$0x0], $0xffff  }
0x99: {  	[tilespmem:v21+s11+$0x0] =	vst.idx.add.f32.msk $0xffff, v29  }
0x9a: {  	[tilespmem:v20+s11+$0x0] =	vst.idx.add.f32.msk $0xffff, v31  }
0x9b: {  	_ = 	snop  }
0x9c: {  	v16 =	vor.u32 $0x80, v16  }
0x9d: {  	v12 =	vor.u32 $0x80, v12  }
0x9e: {  	v10 =	vand.u32 $0x7F, v10;
	v24 =	vand.u32 $0xFFFFFF00, v24;
	v18 =	vor.u32 $0x80, v18  }
0x9f: {  	v27 =	vshll.u32 v17, $0x1;
	v61 =	vld.idx.msk [tilespmem:v15+s3+$0x0], $0xffff;
	v9 =	vand.u32 $0x7F, v9;
	v10 =	vor.u32 v10, v24  }
0xa0: {  	v60 =	vand.u32 $0x7F, v17;
	[tilespmem:v26+s11+$0x0] =	vst.idx.add.f32.msk $0xffff, v25;
	v27 =	vand.u32 $0xFFFFFF00, v27;
	v9 =	vor.u32 v9, v22  }
0xa1: {  	v17 =	vor.u32 v60, v27;
	v16 =	vld.idx.msk [tilespmem:v16+s3+$0x0], $0xffff  }
0xa2: {  	v13 =	vor.u32 $0x80, v13;
	v12 =	vld.idx.msk [tilespmem:v12+s3+$0x0], $0xffff  }
0xa3: {  	v11 =	vor.u32 $0x80, v11;
	[tilespmem:v18+s11+$0x0] =	vst.idx.add.f32.msk $0xffff, v19  }
0xa4: {  	v62 =	vor.u32 $0x80, v15;
	[tilespmem:v10+s11+$0x0] =	vst.idx.add.f32.msk $0xffff, v23  }
0xa5: {  	v63 =	vor.u32 $0x80, v21;
	[tilespmem:v9+s11+$0x0] =	vst.idx.add.f32.msk $0xffff, v14  }
0xa6: {  	v20 =	vor.u32 $0x80, v20;
	[tilespmem:v17+s11+$0x0] =	vst.idx.add.f32.msk $0xffff, v61  }
0xa7: {  	v10 =	vor.u32 $0x80, v10;
	v13 =	vld.idx.msk [tilespmem:v13+s3+$0x0], $0xffff  }
0xa8: {  	v9 =	vor.u32 $0x80, v9;
	v11 =	vld.idx.msk [tilespmem:v11+s3+$0x0], $0xffff  }
0xa9: {  	v17 =	vor.u32 $0x80, v17;
	v15 =	vld.idx.msk [tilespmem:v62+s3+$0x0], $0xffff  }
0xaa: {  	[tilespmem:v63+s11+$0x0] =	vst.idx.add.f32.msk $0xffff, v16  }
0xab: {  	[tilespmem:v20+s11+$0x0] =	vst.idx.add.f32.msk $0xffff, v12  }
0xac: {  	[tilespmem:v10+s11+$0x0] =	vst.idx.add.f32.msk $0xffff, v13  }
0xad: {  	[tilespmem:v9+s11+$0x0] =	vst.idx.add.f32.msk $0xffff, v11  }
0xae: {  	[tilespmem:v17+s11+$0x0] =	vst.idx.add.f32.msk $0xffff, v15  }
0xaf: {  	v9 =	vld [tilespmem:s4+$0x9D00];
	_ =	sdelay $0x4  }
0xb0: {  	v10 =	vld [tilespmem:s4+$0x9D80];
	v11 =	vshll.u32 v9, $0x1  }
0xb1: {  	v9 =	vand.u32 $0x7F, v9;
	v11 =	vand.u32 $0xFFFFFF00, v11  }
0xb2: {  	v9 =	vor.u32 v9, v11;
	_ =	sdelay $0x2  }
0xb3: {  	v11 =	vshll.u32 v10, $0x1  }
0xb4: {  	v10 =	vand.u32 $0x7F, v10;
	v11 =	vand.u32 $0xFFFFFF00, v11  }
0xb5: {  	v10 =	vor.u32 v10, v11;
	v12 =	vld.idx.msk [tilespmem:v9+s3+$0x0], $0xffff  }
0xb6: {  	v9 =	vor.u32 $0x80, v9;
	_ =	sdelay $0x3  }
0xb7: {  	[tilespmem:v10+s11+$0x0] =	vst.idx.add.f32.msk $0xffff, v12  }
0xb8: {  	v10 =	vor.u32 $0x80, v10;
	v9 =	vld.idx.msk [tilespmem:v9+s3+$0x0], $0xffff;
	_ =	sdelay $0x2  }
0xb9: {  	s13 =	sadd.s32 $0x1, s13  }
0xba: {  	p0 =	sne.s32 s13, s7  }
.Ltmp2:
0xbb: {  	[tilespmem:v10+s11+$0x0] =	vst.idx.add.f32.msk $0xffff, v9;
	(pc) =	sbr.rel @p0 .LBB2_1-.Ltmp2, $4  }
0xbc: {  	[hbm4b:s6+s3] =	stream.linear.scatter [tilespmem:s11], [sflag:$0x3], $0x4F00, $0x38;
	[tilespmem:$0xED00] =	vst v63  }
0xbd: {  	_ =	swait.ge [sflag:s12], $0x4F00  }
0xbe: {  	[sflag:s12] =	ssyncset.done $0x0  }
0xbf: {  	[sflag:s12] =	ssyncadd.s32 $0xFFFFB100  }
0xc0: {  	_ =	sfence.sel $0x180000  }
0xc1: {  	[bflag:$0x0] =	sbarrier.arrive $0xFFFF  }
0xc2: {  	p0 =	sne.s32 s0, $0x0;
	_ =	strace $0x90000050  }
0xc3: {  	s0 =	sadd.s32 @!p0 $0x100000, s2;
	[bflag:$0x2] =	sbarrier.arrive $0xFFFF  }
0xc4: {  	[sflag:s0] =	ssyncadd.tile.s32 @!p0 $0x1;
	_ =	shalt  }
.Lfunc_end2:
_tile_overlayer_lowered:
.L_overlay_start_2:
0xc5: {  	(tag) =	ssettag $0x2  }
0xc6: {  	s0 =	rddreg [dreg:$0x0];
	s2 =	stileid.u32  }
0xc7: {  	s1 =	rddreg [dreg:$0x1];
	p0 =	sne.s32 s2, $0x0  }
0xc8: {  	s3 =	rddreg [dreg:$0x2];
	[bflag:$0x3] =	sbarrier.arrive $0xFFFF;
	s2 =	simm.s32 @!p0 $0x1C03  }
0xc9: {  	[timem:s3], [sflag:s2] =	dma.local @!p0 [hbm:s0], s1  }
0xca: {  	s0 =	simm.s32 @!p0 $0x3  }
0xcb: {  	_ =	swait.ge @!p0 [sflag:s0], s1  }
0xcc: {  	s1 =	ssub.s32 @!p0 $0x0, s1;
	[sflag:s0] =	ssyncset.done @!p0 $0x0  }
0xcd: {  	[sflag:s0] =	ssyncadd.s32 @!p0 s1  }
0xce: {  	[bflag:$0x3] =	sbarrier.arrive $0xFFFF  }
0xcf: {  	_ =	shalt  }

// kernel: kernel.25.cloned.1.call-start
scs
__scs_entry_jumppad:
0x0: {  	(pc) =	sbr.rel $0x88, $3  }
0x1: {  	(tag) =	ssettag $0x0;
	lr =	simm.s32 $0x1  }
0x2: {  	[smem:$0x3F97] =	sst lr;
	_ =	strace $0xD0000000  }
0x3: {  	_ = 	snop  }
0x4: {  	_ = 	snop  }
0x5: {  	_ = 	snop  }
0x6: {  	_ = 	snop  }
0x7: {  	_ = 	snop  }
__scs_overlays_trampoline_lowered:
0x8: {  	[smem:$0x3FA6] =	sst s0  }
0x9: {  	[smem:$0x3FA7] =	sst s1  }
0xa: {  	[smem:$0x3FA8] =	sst s2  }
0xb: {  	[smem:$0x3FA9] =	sst s3  }
0xc: {  	[smem:$0x3FAA] =	sst s4  }
0xd: {  	[smem:$0x3FAB] =	sst s5  }
0xe: {  	[smem:$0x3FAC] =	sst s6  }
0xf: {  	[smem:$0x3FAD] =	sst s7  }
0x10: {  	[smem:$0x3FAE] =	sst s8  }
0x11: {  	[smem:$0x3FAF] =	sst s9;
	s0 =	simm.s32 @!p0 $0x0  }
0x12: {  	s1 =	sld [smem:$0x3F95];
	s0 =	simm.s32 @p0 $0x1  }
0x13: {  	[smem:$0x3FB0] =	sst s0;
	s0 =	simm.s32 @!p1 $0x0  }
0x14: {  	s2 =	sld [smem:$0x3F94];
	s0 =	simm.s32 @p1 $0x1  }
0x15: {  	[smem:$0x3FB1] =	sst s0;
	s0 =	simm.s32 @!p2 $0x0  }
0x16: {  	s3 =	sld [smem:$0x3FDB];
	s0 =	simm.s32 @p2 $0x1  }
0x17: {  	s4 =	simm.s32 $0x1BF5;
	[smem:$0x3FB3] =	sst s0  }
0x18: {  	s0 =	sld [smem:$0x3F96];
	_ =	swait.ge [sflag:s4], $0x0  }
0x19: {  	s7 =	sld [smem:$0x3F97]  }
0x1a: {  	s8 =	sadd.s32 $0xFFFFE003, lr  }
0x1b: {  	s9 =	sadd.s32 $0xFFFFFEF7, lr;
	s5 =	simm.s32 $0xFFFFFFFF;
	p2 =	slt.u32 s8, $0xFFFFF086  }
0x1c: {  	p1 =	slt.u32 s9, $0xF7A;
	s5 =	simm.s32 @!p2 $0x0  }
0x1d: {  	s5 =	simm.s32 @p1 $0x1;
	p0 =	seq.s32 s7, s2  }
0x1e: {  	s7 =	smul.u32 @!p0 $0xF7A, s2;
	p2 =	seq.s32 @!p0 s5, $0x0  }
0x1f: {  	s9 =	smul.u32 $0xF7A, s1;
	s8 =	simm.s32 @!p0 $0x1BF5;
	p2 =	por !p2, p0  }
0x20: {  	[sflag:s8] =	ssyncset.s32 @!p0 $0xFFFFF086;
	s6 =	sadd.s32 @!p0 s3, s7;
	s7 =	simm.s32 @!p0 $0x108  }
0x21: {  	s3 =	sadd.s32 s3, s9;
	s6 =	sadd.s32 @!p0 $0x88, s6;
	s7 =	simm.s32 @p2 $0x1082  }
0x22: {  	[simem:s7], [sflag:s8] =	dma.local @!p0 [hbm:s6], $0xF7A  }
0x23: {  	s9 =	sor.u32 $0xD0000000, s2;
	s6 =	simm.s32 $0x108;
	_ =	swait.ge @!p0 [sflag:s8], $0x0  }
0x24: {  	s3 =	sadd.s32 $0x88, s3;
	s6 =	simm.s32 @!p1 $0x1082;
	[sflag:s4] =	ssyncset.s32 $0xFFFFF086  }
0x25: {  	[simem:s6], [sflag:s4] =	dma.local [hbm:s3], $0xF7A  }
0x26: {  	[smem:$0x3F97] =	sst s1;
	(tag) =	ssettag s2;
	_ =	strace s9  }
0x27: {  	s1 =	sld [smem:$0x3FA7]  }
0x28: {  	s2 =	sld [smem:$0x3FA8]  }
0x29: {  	s4 =	sld [smem:$0x3FAA]  }
0x2a: {  	p0 =	seq.s32 s5, $0x0;
	s5 =	sld [smem:$0x3FAB]  }
0x2b: {  	s6 =	sld [smem:$0x3FAC]  }
0x2c: {  	s7 =	sld [smem:$0x3FAD]  }
0x2d: {  	s3 =	simm.s32 $0x108;
	s8 =	sld [smem:$0x3FAE]  }
0x2e: {  	s3 =	simm.s32 @!p0 $0x1082;
	s9 =	sld [smem:$0x3FAF]  }
0x2f: {  	lr =	sadd.s32 s0, s3;
	s0 =	sld [smem:$0x3FA6]  }
0x30: {  	s3 =	sld [smem:$0x3FA9]  }
0x31: {  	[smem:$0x3FB2] =	sst s10  }
0x32: {  	s10 =	sld [smem:$0x3FB0];
	_ =	sdelay $0x3  }
0x33: {  	p0 =	seq.s32 s10, $0x1;
	s10 =	sld [smem:$0x3FB2];
	_ =	sdelay $0x3  }
0x34: {  	[smem:$0x3FB2] =	sst s10  }
0x35: {  	s10 =	sld [smem:$0x3FB1];
	_ =	sdelay $0x3  }
0x36: {  	p1 =	seq.s32 s10, $0x1;
	s10 =	sld [smem:$0x3FB2];
	_ =	sdelay $0x3  }
0x37: {  	[smem:$0x3FB2] =	sst s10  }
0x38: {  	s10 =	sld [smem:$0x3FB3]  }
0x39: {  	_ = 	snop;
	(pc) =	sbr.ind lr, $3  }
0x3a: {  	_ = 	snop  }
0x3b: {  	_ = 	snop  }
0x3c: {  	p2 =	seq.s32 s10, $0x1;
	s10 =	sld [smem:$0x3FB2]  }
0x3d: {  	_ =	shalt  }
0x3e: {  	_ =	shalt  }
0x3f: {  	_ =	shalt  }
0x40: {  	_ =	shalt  }
0x41: {  	_ =	shalt  }
0x42: {  	_ =	shalt  }
0x43: {  	_ =	shalt  }
0x44: {  	_ =	shalt  }
0x45: {  	_ =	shalt  }
0x46: {  	_ =	shalt  }
0x47: {  	_ =	shalt  }
0x48: {  	_ =	shalt  }
0x49: {  	_ =	shalt  }
0x4a: {  	_ =	shalt  }
0x4b: {  	_ =	shalt  }
0x4c: {  	_ =	shalt  }
0x4d: {  	_ =	shalt  }
0x4e: {  	_ =	shalt  }
0x4f: {  	_ =	shalt  }
0x50: {  	_ =	shalt  }
0x51: {  	_ =	shalt  }
0x52: {  	_ =	shalt  }
0x53: {  	_ =	shalt  }
0x54: {  	_ =	shalt  }
0x55: {  	_ =	shalt  }
0x56: {  	_ =	shalt  }
0x57: {  	_ =	shalt  }
0x58: {  	_ =	shalt  }
0x59: {  	_ =	shalt  }
0x5a: {  	_ =	shalt  }
0x5b: {  	_ =	shalt  }
0x5c: {  	_ =	shalt  }
0x5d: {  	_ =	shalt  }
0x5e: {  	_ =	shalt  }
0x5f: {  	_ =	shalt  }
0x60: {  	_ =	shalt  }
0x61: {  	_ =	shalt  }
0x62: {  	_ =	shalt  }
0x63: {  	_ =	shalt  }
0x64: {  	_ =	shalt  }
0x65: {  	_ =	shalt  }
0x66: {  	_ =	shalt  }
0x67: {  	_ =	shalt  }
0x68: {  	_ =	shalt  }
0x69: {  	_ =	shalt  }
0x6a: {  	_ =	shalt  }
0x6b: {  	_ =	shalt  }
0x6c: {  	_ =	shalt  }
0x6d: {  	_ =	shalt  }
0x6e: {  	_ =	shalt  }
0x6f: {  	_ =	shalt  }
0x70: {  	_ =	shalt  }
0x71: {  	_ =	shalt  }
0x72: {  	_ =	shalt  }
0x73: {  	_ =	shalt  }
0x74: {  	_ =	shalt  }
0x75: {  	_ =	shalt  }
0x76: {  	_ =	shalt  }
0x77: {  	_ =	shalt  }
0x78: {  	_ =	shalt  }
0x79: {  	_ =	shalt  }
0x7a: {  	_ =	shalt  }
0x7b: {  	_ =	shalt  }
0x7c: {  	_ =	shalt  }
0x7d: {  	_ =	shalt  }
0x7e: {  	_ =	shalt  }
0x7f: {  	_ =	shalt  }
0x80: {  	_ =	shalt  }
0x81: {  	_ =	shalt  }
0x82: {  	_ =	shalt  }
0x83: {  	_ =	shalt  }
0x84: {  	_ =	shalt  }
0x85: {  	_ =	shalt  }
0x86: {  	_ =	shalt  }
0x87: {  	_ =	shalt  }
.Lfunc_end0:
.L_simem_size_0:
called_computation.4_lowered:
.L_overlay_start_0:
0x88: {  	s2 =	sld [smem:$0x3FD9]  }
0x89: {  	s3 =	sld [smem:$0x3FFE];
	_ =	sdelay $0x1  }
0x8a: {  	s1 =	srdreg.scid  }
0x8b: {  	s0 =	sand.u32 $0x1, s1  }
0x8c: {  	s17 =	sshll.u32 s0, $0xA;
	s2 =	sadd.s32 s3, s2  }
0x8d: {  	s2 =	sadd.s32 s2, s17  }
0x8e: {  	[smem:$0x3FBE] =	sst s2  }
0x8f: {  	_ = 	snop  }
0x90: {  	s2 =	sld [smem:$0x3FC8]  }
0x91: {  	s18 =	sld [smem:$0x3FD0];
	(tm) =	ssettm $0x1  }
0x92: {  	s4 =	sld [smem:$0x3FFB];
	_ =	sdelay $0x3  }
0x93: {  	_ =	strace s4  }
0x94: {  	s4 =	sld [smem:$0x3FFC];
	_ =	sdelay $0x3  }
0x95: {  	_ =	strace s4  }
0x96: {  	s4 =	sld [smem:$0x3FFD];
	_ =	sdelay $0x3  }
0x97: {  	_ =	strace s4  }
0x98: {  	_ =	strace $0x8FFFFFFF  }
0x99: {  	s19 =	sld [smem:$0x3FDB];
	_ =	sdelay $0x1  }
0x9a: {  	s5 =	simm.s32 $_scs_section_size  }
0x9b: {  	s6 =	simm.s32 $_size__tile_overlayer_lowered;
	s7 =	simm.s32 $_tile_overlayer_lowered  }
0x9c: {  	s22 =	simm.s32 $0x1BFF;
	s21 =	sshll.u32 s7, $0x1;
	s4 =	sadd.s32 s5, s19  }
0x9d: {  	s8 =	simm.s32 $0x0;
	s20 =	sshll.u32 s6, $0x1;
	s6 =	sadd.s32 s21, s4  }
0x9e: {  	[timem:s8], [sflag:s22] =	dma.local [hbm:s6], s20  }
0x9f: {  	_ =	swait.ge [sflag:s22], s20  }
0xa0: {  	s5 =	ssub.s32 $0x0, s20;
	[sflag:s22] =	ssyncset.done $0x0  }
0xa1: {  	[sflag:s22] =	ssyncadd.s32 s5;
	_ =	sdelay $0x1  }
0xa2: {  	s23 =	simm.s32 $0x1B8B  }
0xa3: {  	_ =	swait.ge [sflag:s23], $0x1  }
0xa4: {  	[sflag:s23] =	ssyncset.done $0x0  }
0xa5: {  	s25 =	simm.s32 $0x1B8E;
	s24 =	sld [smem:$0x3FFE];
	[sflag:s23] =	ssyncadd.s32 $0xFFFFFFFF  }
0xa6: {  	s26 =	simm.s32 $execute0_lowered;
	[smem:$0x3FD2] =	sst s25  }
0xa7: {  	s6 =	sshll.u32 s26, $0x1;
	_ =	strace $0x80000052;
	[dreg:$0x1] =	wrdreg $0xFFFFFFFF  }
0xa8: {  	s28 =	simm.s32 $_size_execute0_lowered;
	s4 =	sadd.s32 s4, s6;
	[dreg:$0x0] =	wrdreg $0x0  }
0xa9: {  	s6 =	sshll.u32 s28, $0x1;
	[dreg:$0x2] =	wrdreg s4  }
0xaa: {  	[dreg:$0x3] =	wrdreg s6  }
0xab: {  	[dreg:$0x4] =	wrdreg $0xC0  }
0xac: {  	_ =	task [dreg:s8], $0x5FFFF  }
0xad: {  	[dreg:$0x1] =	wrdreg $0xFFFFFFFF  }
0xae: {  	[dreg:$0x0] =	wrdreg $0x60  }
0xaf: {  	[dreg:$0x2] =	wrdreg s18  }
0xb0: {  	[dreg:$0x3] =	wrdreg s2  }
0xb1: {  	[dreg:$0x4] =	wrdreg s24  }
0xb2: {  	[dreg:$0x5] =	wrdreg $0x9  }
0xb3: {  	_ =	task.clear_ibuf [dreg:s8], $0x6FFFF;
	_ =	strace $0x90000052  }
0xb4: {  	s29 =	simm.s32 $0x9;
	_ =	strace $0x80000054  }
0xb5: {  	_ =	swait.ge [sflag:s29], $0x1  }
0xb6: {  	[sflag:s29] =	ssyncadd.s32 $0xFFFFFFFF  }
0xb7: {  	_ =	strace $0x90000054  }
0xb8: {  	_ =	sfence  }
0xb9: {  	s30 =	sld [smem:$0x0];
	_ =	sdelay $0x2  }
0xba: {  	s31 =	sshll.u32 s1, $0xD;
	s1 =	sshrl.u32 s1, $0x2  }
0xbb: {  	s3 =	sand.u32 $0x4000, s31;
	s1 =	sadd.s32 s1, s30  }
0xbc: {  	s0 =	sor.u32 s3, s0;
	s1 =	sshll.u32 s1, $0x11  }
0xbd: {  	s0 =	sor.u32 s1, s0  }
0xbe: {  	s0 =	sadd.s32 $0x8F2B, s0  }
0xbf: {  	[sflag:s0] =	ssyncadd.remote.s32 $0x1  }
0xc0: {  	_ =	sfence.sel $0xFFFF  }
0xc1: {  	[dreg:$0x0] =	wrdreg $0xFFFFFFFF;
	(pc) =	sbr.abs _section_cstart, $3  }
0xc2: {  	[dreg:$0x1] =	wrdreg $0xFFFFFFFF  }
0xc3: {  	_ =	task.clear_ibuf [dreg:s8], $0x2FFFF;
	_ =	strace $0x9FFFFFFF  }
0xc4: {  	(tm) =	ssettm $0x7FFFFFFF  }
0xc5: {  	_ =	shalt  }
tec
execute0_lowered:
.L_overlay_start_1:
0x0: {  	(tag) =	ssettag $0x1  }
0x1: {  	s1 =	rddreg [dreg:$0x0]  }
0x2: {  	s6 =	rddreg [dreg:$0x1]  }
0x3: {  	s0 =	srdreg.scid;
	s8 =	rddreg [dreg:$0x2]  }
0x4: {  	s3 =	simm.s32 $0x0;
	s5 =	sand.u32 $0x1, s0;
	s0 =	stileid.u32  }
0x5: {  	[smem:$0x7FF] =	sst s3;
	s2 =	sshll.u32 s5, $0x4;
	s4 =	sshll.u32 s0, $0x4  }
0x6: {  	s5 =	ssub.s32 $0x2, s5;
	s26 =	sand.u32 $0x7, s0;
	s28 =	sadd.s32 $0xFFFFFFFF, s0  }
0x7: {  	s19 =	sadd.s32 $0x1, s0;
	s14 =	sadd.s32 $0x6, s0;
	s22 =	sadd.s32 $0x2, s0  }
0x8: {  	s23 =	sadd.s32 $0x5, s0;
	s7 =	sor.u32 s0, s2;
	s2 =	rddreg [dreg:$0x3]  }
0x9: {  	s4 =	sand.u32 $0x70, s4;
	_ =	strace $0x80000053;
	s25 =	sshrl.u32 s5, $0x1  }
0xa: {  	s10 =	sshll.u32 s26, $0x7;
	s13 =	sand.u32 $0x7, s28;
	s31 =	sshll.u32 s26, $0x6  }
0xb: {  	s14 =	sand.u32 $0x7, s14;
	s28 =	sadd.s32 $0x3, s0;
	s9 =	smul.u32 $0x2710, s7  }
0xc: {  	s7 =	smul.u32 $0x9E0, s7;
	s11 =	sxor.u32 $0x40, s4;
	s12 =	sadd.s32 $0x3FC, s10  }
0xd: {  	s30 =	sshll.u32 s13, $0x6;
	s18 =	sadd.s32 $0x80, s10;
	s15 =	sadd.s32 $0x300, s10  }
0xe: {  	s14 =	sshll.u32 s14, $0x6;
	s21 =	sadd.s32 $0x100, s10;
	s17 =	sadd.s32 $0x280, s10  }
0xf: {  	s26 =	sadd.s32 $0x180, s10;
	s10 =	sadd.s32 $0x200, s10;
	s13 =	sshrl.u32 s31, $0x2  }
0x10: {  	s29 =	sand.u32 $0x400, s12;
	s12 =	sand.u32 $0x7, s19;
	s15 =	sand.u32 $0x400, s15  }
0x11: {  	s24 =	sand.u32 $0x400, s17;
	s10 =	sand.u32 $0x400, s10;
	s11 =	sshll.u32 s11, $0x2  }
0x12: {  	v1 =	vmov s13;
	s13 =	simm.s32 $0x0;
	s9 =	ssub.s32 s9, s4;
	s7 =	sadd.s32 s7, s8  }
0x13: {  	s8 =	ssub.s32 s5, s25;
	s12 =	sshll.u32 s12, $0x6;
	s20 =	sor.u32 s14, s15  }
0x14: {  	s15 =	sand.u32 $0x7, s23;
	s9 =	sshrl.u32 s9, $0x2;
	s14 =	sor.u32 $0x200, s20  }
0x15: {  	s25 =	sshll.u32 s15, $0x6;
	s15 =	sand.u32 $0x7, s28;
	s9 =	sand.u32 $0xFFFFFE0, s9  }
0x16: {  	s15 =	sshll.u32 s15, $0x6;
	s14 =	sshrl.u32 s14, $0x2;
	s5 =	sadd.s32 s6, s9  }
0x17: {  	s6 =	sadd.s32 $0x4800, s7;
	s7 =	smax.u32 s8, $0x1;
	s8 =	sor.u32 s30, s29  }
0x18: {  	s9 =	sand.u32 $0x400, s18;
	s30 =	sor.u32 s11, s10;
	s10 =	simm.s32 $0x2  }
0x19: {  	s16 =	sor.u32 $0x200, s8;
	s12 =	sor.u32 s12, s9;
	s9 =	sand.u32 $0x7, s22  }
0x1a: {  	s8 =	sand.u32 $0x400, s21;
	s11 =	sor.u32 $0x200, s30;
	s9 =	sshll.u32 s9, $0x6  }
0x1b: {  	s12 =	sshrl.u32 s12, $0x2;
	s11 =	sshrl.u32 s11, $0x2;
	s16 =	sshrl.u32 s16, $0x2  }
0x1c: {  	s18 =	sor.u32 s9, s8;
	s8 =	sor.u32 s25, s24;
	s9 =	sand.u32 $0x400, s26;
	v8 =	vmov s16  }
0x1d: {  	v5 =	vmov s11;
	s11 =	simm.s32 $0x9E00;
	s29 =	sor.u32 $0x200, s8;
	s15 =	sor.u32 s15, s9  }
0x1e: {  	v0 =	vimm.f32 $0.0e+00;
	v7 =	vmov s14;
	v2 =	vmov s12;
	s18 =	sshrl.u32 s18, $0x2;
	s15 =	sshrl.u32 s15, $0x2;
	s31 =	sshrl.u32 s29, $0x2  }
0x1f: {  	s12 =	simm.s32 $0x3;
	s8 =	simm.s32 $0x4F00;
	s9 =	simm.s32 $0x1;
	v3 =	vmov s18;
	v4 =	vmov s15;
	v6 =	vmov s31  }
.LBB2_1:
0x20: {  	[tilespmem:s8], [sflag:$0x1] =	stream.linear.gather [hbm4b:s5+s3], $0x4F00, $0x38;
	[tilespmem:$0xED00] =	vst v63  }
0x21: {  	s14 =	simm.s32 $0x9E80  }
0x22: {  	[tilespmem:s3], [sflag:$0x2] =	stream.linear.gather [hbm4b:s1+s3], $0x4F00, $0x38;
	[tilespmem:$0xED00] =	vst v63  }
0x23: {  	[tilespmem:s14+$0xFFFFFF80] =	vst v0  }
0x24: {  	[tilespmem:s14+$0x70] =	vst v0  }
0x25: {  	[tilespmem:s14+$0xFFFFFFF0] =	vst v0  }
0x26: {  	[tilespmem:s14+$0x60] =	vst v0  }
0x27: {  	[tilespmem:s14+$0xFFFFFFE0] =	vst v0  }
0x28: {  	[tilespmem:s14+$0x50] =	vst v0  }
0x29: {  	[tilespmem:s14+$0xFFFFFFD0] =	vst v0  }
0x2a: {  	[tilespmem:s14+$0x40] =	vst v0  }
0x2b: {  	[tilespmem:s14+$0xFFFFFFC0] =	vst v0  }
0x2c: {  	[tilespmem:s14+$0x30] =	vst v0  }
0x2d: {  	[tilespmem:s14+$0xFFFFFFB0] =	vst v0  }
0x2e: {  	[tilespmem:s14+$0x20] =	vst v0  }
0x2f: {  	[tilespmem:s14+$0xFFFFFFA0] =	vst v0  }
0x30: {  	[tilespmem:s14+$0x10] =	vst v0  }
0x31: {  	s15 =	simm.s32 $0x0;
	[tilespmem:s14+$0xFFFFFF90] =	vst v0  }
.LBB2_2:
0x32: {  	s15 =	sadd.s32 $0x8, s15;
	[tilespmem:s14+$0x0] =	vst v0;
	s14 =	sadd.s32 $0x100, s14  }
0x33: {  	[tilespmem:s14+$0xFFFFFF80] =	vst v0;
	p0 =	slt.u32 s15, $0x268  }
0x34: {  	[tilespmem:s14+$0x70] =	vst v0  }
0x35: {  	[tilespmem:s14+$0xFFFFFFF0] =	vst v0  }
0x36: {  	[tilespmem:s14+$0x60] =	vst v0  }
0x37: {  	[tilespmem:s14+$0xFFFFFFE0] =	vst v0  }
0x38: {  	[tilespmem:s14+$0x50] =	vst v0  }
0x39: {  	[tilespmem:s14+$0xFFFFFFD0] =	vst v0  }
0x3a: {  	[tilespmem:s14+$0x40] =	vst v0  }
0x3b: {  	[tilespmem:s14+$0xFFFFFFC0] =	vst v0  }
0x3c: {  	[tilespmem:s14+$0x30] =	vst v0  }
.Ltmp0:
0x3d: {  	[tilespmem:s14+$0xFFFFFFB0] =	vst v0;
	(pc) =	sbr.rel @p0 .LBB2_2-.Ltmp0, $4  }
0x3e: {  	[tilespmem:s14+$0x20] =	vst v0  }
0x3f: {  	[tilespmem:s14+$0xFFFFFFA0] =	vst v0  }
0x40: {  	[tilespmem:s14+$0x10] =	vst v0  }
0x41: {  	[tilespmem:s14+$0xFFFFFF90] =	vst v0  }
0x42: {  	[tilespmem:s14+$0x0] =	vst v0  }
0x43: {  	[tilespmem:$0xEC00] =	vst v0  }
0x44: {  	[tilespmem:$0xEC80] =	vst v0  }
0x45: {  	_ =	swait.ge [sflag:s9], $0x4F00  }
0x46: {  	[sflag:s9] =	ssyncset.done $0x0  }
0x47: {  	[sflag:s9] =	ssyncadd.s32 $0xFFFFB100  }
0x48: {  	_ =	swait.ge [sflag:s10], $0x4F00  }
0x49: {  	[sflag:s10] =	ssyncset.done $0x0  }
0x4a: {  	s14 =	simm.s32 $0x4F00;
	[sflag:s10] =	ssyncadd.s32 $0xFFFFB100  }
0x4b: {  	v9 =	vld.idx.msk [tilespmem:v1+s14+$0x0 ss:$0x1], $0xffff  }
0x4c: {  	v10 =	vld.idx.msk [tilespmem:v8+s14+$0xFFFFFF80 ss:$0x1], $0xffff  }
0x4d: {  	v11 =	vld.idx.msk [tilespmem:v8+s14+$0x0 ss:$0x1], $0xffff  }
0x4e: {  	v12 =	vld.idx.msk [tilespmem:v2+s14+$0x0 ss:$0x1], $0xffff  }
0x4f: {  	v16 =	vld.idx.msk [tilespmem:v1+s14+$0x80 ss:$0x1], $0xffff  }
0x50: {  	v13 =	vld.idx.msk [tilespmem:v3+s14+$0x0 ss:$0x1], $0xffff  }
0x51: {  	v14 =	vld.idx.msk [tilespmem:v4+s14+$0x0 ss:$0x1], $0xffff;
	v15 =	vshll.u32 v9, $0x1  }
0x52: {  	v18 =	vld.idx.msk [tilespmem:v5+s14+$0xFFFFFF80 ss:$0x1], $0xffff;
	v9 =	vand.u32 $0x7F, v9;
	v15 =	vand.u32 $0xFFFFFF00, v15  }
0x53: {  	v21 =	vld.idx.msk [tilespmem:v7+s14+$0xFFFFFF80 ss:$0x1], $0xffff;
	v17 =	vshll.u32 v10, $0x1;
	v15 =	vor.u32 v9, v15  }
0x54: {  	v19 =	vld.idx.msk [tilespmem:v6+s14+$0xFFFFFF80 ss:$0x1], $0xffff;
	v22 =	vshll.u32 v16, $0x1;
	v9 =	vand.u32 $0x7F, v10;
	v10 =	vand.u32 $0xFFFFFF00, v17  }
0x55: {  	v28 =	vld.idx.msk [tilespmem:v7+s14+$0x0 ss:$0x1], $0xffff;
	v27 =	vshll.u32 v12, $0x1;
	v20 =	vor.u32 v9, v10;
	v10 =	vshll.u32 v11, $0x1  }
0x56: {  	v12 =	vand.u32 $0x7F, v12;
	v9 =	vld.idx.msk [tilespmem:v2+s14+$0x80 ss:$0x1], $0xffff;
	v11 =	vand.u32 $0x7F, v11;
	v17 =	vand.u32 $0xFFFFFF00, v10  }
0x57: {  	v22 =	vand.u32 $0xFFFFFF00, v22;
	v10 =	vld.idx.msk [tilespmem:v3+s14+$0x80 ss:$0x1], $0xffff;
	v26 =	vor.u32 v11, v17;
	v11 =	vand.u32 $0x7F, v16  }
0x58: {  	v27 =	vand.u32 $0xFFFFFF00, v27;
	v22 =	vor.u32 v11, v22;
	v11 =	vshll.u32 v21, $0x1;
	v16 =	vld.idx.msk [tilespmem:v15+s3+$0x0], $0xffff  }
0x59: {  	v17 =	vld.idx.msk [tilespmem:v6+s14+$0x0 ss:$0x1], $0xffff;
	v29 =	vand.u32 $0xFFFFFF00, v11;
	v11 =	vor.u32 v12, v27  }
0x5a: {  	v15 =	vor.u32 $0x80, v15;
	v27 =	vld.idx.msk [tilespmem:v4+s14+$0x80 ss:$0x1], $0xffff  }
0x5b: {  	v25 =	vshll.u32 v14, $0x1;
	v14 =	vand.u32 $0x7F, v14;
	v21 =	vand.u32 $0x7F, v21;
	v24 =	vld.idx.msk [tilespmem:v20+s3+$0x0], $0xffff  }
0x5c: {  	v61 =	vshll.u32 v13, $0x1;
	v12 =	vand.u32 $0xFFFFFF00, v25;
	v25 =	vld.idx.msk [tilespmem:v5+s14+$0x0 ss:$0x1], $0xffff;
	v21 =	vor.u32 v21, v29  }
0x5d: {  	v13 =	vand.u32 $0x7F, v13;
	v12 =	vor.u32 v14, v12;
	v14 =	vand.u32 $0xFFFFFF00, v61;
	[tilespmem:v22+s11+$0x0] =	vst.idx.add.f32.msk $0xffff, v16  }
0x5e: {  	v23 =	vshll.u32 v18, $0x1;
	v13 =	vor.u32 v13, v14;
	v14 =	vld.idx.msk [tilespmem:v11+s3+$0x0], $0xffff  }
0x5f: {  	v18 =	vand.u32 $0x7F, v18;
	v23 =	vand.u32 $0xFFFFFF00, v23;
	v22 =	vor.u32 $0x80, v22;
	v15 =	vld.idx.msk [tilespmem:v15+s3+$0x0], $0xffff  }
0x60: {  	v62 =	vor.u32 $0x80, v20;
	v16 =	vor.u32 v18, v23;
	v18 =	vshll.u32 v28, $0x1;
	[tilespmem:v26+s11+$0x0] =	vst.idx.add.f32.msk $0xffff, v24  }
0x61: {  	v23 =	vand.u32 $0x7F, v28;
	v20 =	vshll.u32 v27, $0x1;
	v24 =	vld.idx.msk [tilespmem:v21+s3+$0x0], $0xffff;
	v18 =	vand.u32 $0xFFFFFF00, v18  }
0x62: {  	v27 =	vand.u32 $0x7F, v27;
	v63 =	vld.idx.msk [tilespmem:v12+s3+$0x0], $0xffff;
	v20 =	vand.u32 $0xFFFFFF00, v20;
	v18 =	vor.u32 v23, v18  }
0x63: {  	v32 =	vor.u32 $0x80, v21;
	v30 =	vshll.u32 v25, $0x1;
	v23 =	vld.idx.msk [tilespmem:v13+s3+$0x0], $0xffff;
	v20 =	vor.u32 v27, v20  }
0x64: {  	v25 =	vand.u32 $0x7F, v25;
	v30 =	vand.u32 $0xFFFFFF00, v30;
	[tilespmem:v22+s11+$0x0] =	vst.idx.add.f32.msk $0xffff, v15;
	v15 =	vshll.u32 v19, $0x1  }
0x65: {  	v21 =	vor.u32 v25, v30;
	v31 =	vld.idx.msk [tilespmem:v16+s3+$0x0], $0xffff;
	v22 =	vand.u32 $0x7F, v19;
	v15 =	vand.u32 $0xFFFFFF00, v15  }
0x66: {  	v25 =	vld.idx.msk [tilespmem:v62+s3+$0x0], $0xffff;
	v15 =	vor.u32 v22, v15  }
0x67: {  	[tilespmem:v18+s11+$0x0] =	vst.idx.add.f32.msk $0xffff, v24  }
0x68: {  	v26 =	vor.u32 $0x80, v26;
	[tilespmem:v20+s11+$0x0] =	vst.idx.add.f32.msk $0xffff, v63  }
0x69: {  	v19 =	vld.idx.msk [tilespmem:v32+s3+$0x0], $0xffff;
	v22 =	vshll.u32 v9, $0x1  }
0x6a: {  	s15 =	simm.s32 $0x0;
	v24 =	vshll.u32 v10, $0x1;
	v22 =	vand.u32 $0xFFFFFF00, v22;
	[tilespmem:v21+s11+$0x0] =	vst.idx.add.f32.msk $0xffff, v31  }
.LBB2_4:
0x6b: {  	s15 =	sadd.s32 $0x8, s15;
	v27 =	vld.idx.msk [tilespmem:v15+s3+$0x0], $0xffff;
	s14 =	sadd.s32 $0x100, s14  }
0x6c: {  	v28 =	vld.idx.msk [tilespmem:v8+s14+$0x0 ss:$0x1], $0xffff;
	p0 =	slt.u32 s15, $0x268  }
0x6d: {  	[tilespmem:v26+s11+$0x0] =	vst.idx.add.f32.msk $0xffff, v25  }
0x6e: {  	v26 =	vshll.u32 v17, $0x1;
	v25 =	vld.idx.msk [tilespmem:v2+s14+$0x0 ss:$0x1], $0xffff  }
0x6f: {  	v17 =	vand.u32 $0x7F, v17;
	v26 =	vand.u32 $0xFFFFFF00, v26;
	v29 =	vld.idx.msk [tilespmem:v3+s14+$0x0 ss:$0x1], $0xffff  }
0x70: {  	v10 =	vand.u32 $0x7F, v10;
	v24 =	vand.u32 $0xFFFFFF00, v24;
	v17 =	vor.u32 v17, v26;
	v30 =	vld.idx.msk [tilespmem:v4+s14+$0x0 ss:$0x1], $0xffff  }
0x71: {  	v10 =	vor.u32 v10, v24;
	v26 =	vld.idx.msk [tilespmem:v5+s14+$0xFFFFFF80 ss:$0x1], $0xffff  }
0x72: {  	v31 =	vshll.u32 v28, $0x1;
	v24 =	vld.idx.msk [tilespmem:v6+s14+$0xFFFFFF80 ss:$0x1], $0xffff  }
0x73: {  	v31 =	vand.u32 $0xFFFFFF00, v31;
	v32 =	vld.idx.msk [tilespmem:v7+s14+$0xFFFFFF80 ss:$0x1], $0xffff  }
0x74: {  	v9 =	vand.u32 $0x7F, v9;
	v16 =	vor.u32 $0x80, v16;
	v33 =	vld.idx.msk [tilespmem:v8+s14+$0xFFFFFF80 ss:$0x1], $0xffff  }
0x75: {  	v9 =	vor.u32 v9, v22;
	[tilespmem:v17+s11+$0x0] =	vst.idx.add.f32.msk $0xffff, v27  }
0x76: {  	v12 =	vor.u32 $0x80, v12;
	[tilespmem:v10+s11+$0x0] =	vst.idx.add.f32.msk $0xffff, v23  }
0x77: {  	v13 =	vor.u32 $0x80, v13;
	v22 =	vld.idx.msk [tilespmem:v1+s14+$0x0 ss:$0x1], $0xffff  }
0x78: {  	v11 =	vor.u32 $0x80, v11;
	v15 =	vor.u32 $0x80, v15;
	v23 =	vld.idx.msk [tilespmem:v1+s14+$0x80 ss:$0x1], $0xffff  }
0x79: {  	v16 =	vld.idx.msk [tilespmem:v16+s3+$0x0], $0xffff  }
0x7a: {  	[tilespmem:v9+s11+$0x0] =	vst.idx.add.f32.msk $0xffff, v14;
	v14 =	vor.u32 $0x80, v21  }
0x7b: {  	v18 =	vor.u32 $0x80, v18;
	v12 =	vld.idx.msk [tilespmem:v12+s3+$0x0], $0xffff  }
0x7c: {  	v20 =	vor.u32 $0x80, v20;
	v13 =	vld.idx.msk [tilespmem:v13+s3+$0x0], $0xffff  }
0x7d: {  	v10 =	vor.u32 $0x80, v10;
	v9 =	vor.u32 $0x80, v9;
	v11 =	vld.idx.msk [tilespmem:v11+s3+$0x0], $0xffff  }
0x7e: {  	v27 =	vand.u32 $0x7F, v28;
	v17 =	vor.u32 $0x80, v17;
	v21 =	vshll.u32 v23, $0x1;
	v15 =	vld.idx.msk [tilespmem:v15+s3+$0x0], $0xffff  }
0x7f: {  	v27 =	vor.u32 v27, v31;
	v21 =	vand.u32 $0xFFFFFF00, v21;
	[tilespmem:v14+s11+$0x0] =	vst.idx.add.f32.msk $0xffff, v16  }
0x80: {  	v14 =	vand.u32 $0x7F, v22;
	v16 =	vshll.u32 v22, $0x1;
	v22 =	vand.u32 $0x7F, v23;
	[tilespmem:v18+s11+$0x0] =	vst.idx.add.f32.msk $0xffff, v19  }
0x81: {  	v16 =	vand.u32 $0xFFFFFF00, v16;
	v18 =	vor.u32 v22, v21;
	v19 =	vshll.u32 v33, $0x1;
	[tilespmem:v20+s11+$0x0] =	vst.idx.add.f32.msk $0xffff, v12  }
0x82: {  	v12 =	vor.u32 v14, v16;
	v14 =	vand.u32 $0x7F, v33;
	v16 =	vand.u32 $0xFFFFFF00, v19;
	[tilespmem:v10+s11+$0x0] =	vst.idx.add.f32.msk $0xffff, v13  }
0x83: {  	v19 =	vor.u32 $0x80, v12;
	v10 =	vshll.u32 v24, $0x1;
	v20 =	vor.u32 v14, v16;
	[tilespmem:v9+s11+$0x0] =	vst.idx.add.f32.msk $0xffff, v11  }
0x84: {  	v14 =	vshll.u32 v32, $0x1;
	v11 =	vshll.u32 v26, $0x1;
	v13 =	vand.u32 $0xFFFFFF00, v10;
	[tilespmem:v17+s11+$0x0] =	vst.idx.add.f32.msk $0xffff, v15  }
0x85: {  	v16 =	vand.u32 $0x7F, v26;
	v15 =	vshll.u32 v30, $0x1;
	v17 =	vand.u32 $0x7F, v24;
	v9 =	vld.idx.msk [tilespmem:v2+s14+$0x80 ss:$0x1], $0xffff  }
0x86: {  	v23 =	vand.u32 $0x7F, v32;
	v21 =	vshll.u32 v29, $0x1;
	v22 =	vand.u32 $0xFFFFFF00, v15;
	v10 =	vld.idx.msk [tilespmem:v3+s14+$0x80 ss:$0x1], $0xffff  }
0x87: {  	v14 =	vand.u32 $0xFFFFFF00, v14;
	v24 =	vand.u32 $0x7F, v30;
	v26 =	vld.idx.msk [tilespmem:v12+s3+$0x0], $0xffff;
	v12 =	vshll.u32 v25, $0x1  }
0x88: {  	v21 =	vand.u32 $0xFFFFFF00, v21;
	v15 =	vor.u32 v17, v13;
	v12 =	vand.u32 $0xFFFFFF00, v12;
	v28 =	vld.idx.msk [tilespmem:v20+s3+$0x0], $0xffff  }
0x89: {  	v13 =	vand.u32 $0x7F, v25;
	v25 =	vand.u32 $0x7F, v29;
	v29 =	vand.u32 $0xFFFFFF00, v11;
	v17 =	vld.idx.msk [tilespmem:v6+s14+$0x0 ss:$0x1], $0xffff  }
0x8a: {  	v16 =	vor.u32 v16, v29;
	v11 =	vor.u32 v13, v12;
	v12 =	vor.u32 v24, v22;
	v29 =	vld.idx.msk [tilespmem:v7+s14+$0x0 ss:$0x1], $0xffff  }
0x8b: {  	v23 =	vor.u32 v23, v14;
	v13 =	vor.u32 v25, v21;
	v22 =	vshll.u32 v9, $0x1;
	v21 =	vld.idx.msk [tilespmem:v4+s14+$0x80 ss:$0x1], $0xffff  }
0x8c: {  	v22 =	vand.u32 $0xFFFFFF00, v22;
	v24 =	vshll.u32 v10, $0x1;
	v25 =	vld.idx.msk [tilespmem:v5+s14+$0x0 ss:$0x1], $0xffff  }
0x8d: {  	[tilespmem:v18+s11+$0x0] =	vst.idx.add.f32.msk $0xffff, v26  }
0x8e: {  	[tilespmem:v27+s11+$0x0] =	vst.idx.add.f32.msk $0xffff, v28  }
0x8f: {  	v19 =	vld.idx.msk [tilespmem:v19+s3+$0x0], $0xffff  }
0x90: {  	v26 =	vor.u32 $0x80, v18;
	v18 =	vshll.u32 v29, $0x1;
	v14 =	vld.idx.msk [tilespmem:v11+s3+$0x0], $0xffff  }
0x91: {  	v30 =	vor.u32 $0x80, v20;
	v29 =	vand.u32 $0x7F, v29;
	v18 =	vand.u32 $0xFFFFFF00, v18;
	v28 =	vld.idx.msk [tilespmem:v23+s3+$0x0], $0xffff  }
0x92: {  	v20 =	vshll.u32 v21, $0x1;
	v32 =	vshll.u32 v25, $0x1;
	v18 =	vor.u32 v29, v18;
	v31 =	vld.idx.msk [tilespmem:v12+s3+$0x0], $0xffff  }
0x93: {  	v33 =	vor.u32 $0x80, v23;
	v25 =	vand.u32 $0x7F, v25;
	v32 =	vand.u32 $0xFFFFFF00, v32;
	v29 =	vld.idx.msk [tilespmem:v16+s3+$0x0], $0xffff  }
0x94: {  	v34 =	vand.u32 $0x7F, v21;
	v20 =	vand.u32 $0xFFFFFF00, v20;
	v21 =	vor.u32 v25, v32;
	v23 =	vld.idx.msk [tilespmem:v13+s3+$0x0], $0xffff  }
0x95: {  	v20 =	vor.u32 v34, v20;
	[tilespmem:v26+s11+$0x0] =	vst.idx.add.f32.msk $0xffff, v19  }
.Ltmp1:
0x96: {  	v25 =	vld.idx.msk [tilespmem:v30+s3+$0x0], $0xffff;
	(pc) =	sbr.rel @p0 .LBB2_4-.Ltmp1, $4  }
0x97: {  	[tilespmem:v18+s11+$0x0] =	vst.idx.add.f32.msk $0xffff, v28  }
0x98: {  	v26 =	vor.u32 $0x80, v27;
	v19 =	vld.idx.msk [tilespmem:v33+s3+$0x0], $0xffff  }
0x99: {  	[tilespmem:v21+s11+$0x0] =	vst.idx.add.f32.msk $0xffff, v29  }
0x9a: {  	[tilespmem:v20+s11+$0x0] =	vst.idx.add.f32.msk $0xffff, v31  }
0x9b: {  	_ = 	snop  }
0x9c: {  	v16 =	vor.u32 $0x80, v16  }
0x9d: {  	v12 =	vor.u32 $0x80, v12  }
0x9e: {  	v10 =	vand.u32 $0x7F, v10;
	v24 =	vand.u32 $0xFFFFFF00, v24;
	v18 =	vor.u32 $0x80, v18  }
0x9f: {  	v27 =	vshll.u32 v17, $0x1;
	v61 =	vld.idx.msk [tilespmem:v15+s3+$0x0], $0xffff;
	v9 =	vand.u32 $0x7F, v9;
	v10 =	vor.u32 v10, v24  }
0xa0: {  	v60 =	vand.u32 $0x7F, v17;
	[tilespmem:v26+s11+$0x0] =	vst.idx.add.f32.msk $0xffff, v25;
	v27 =	vand.u32 $0xFFFFFF00, v27;
	v9 =	vor.u32 v9, v22  }
0xa1: {  	v17 =	vor.u32 v60, v27;
	v16 =	vld.idx.msk [tilespmem:v16+s3+$0x0], $0xffff  }
0xa2: {  	v13 =	vor.u32 $0x80, v13;
	v12 =	vld.idx.msk [tilespmem:v12+s3+$0x0], $0xffff  }
0xa3: {  	v11 =	vor.u32 $0x80, v11;
	[tilespmem:v18+s11+$0x0] =	vst.idx.add.f32.msk $0xffff, v19  }
0xa4: {  	v62 =	vor.u32 $0x80, v15;
	[tilespmem:v10+s11+$0x0] =	vst.idx.add.f32.msk $0xffff, v23  }
0xa5: {  	v63 =	vor.u32 $0x80, v21;
	[tilespmem:v9+s11+$0x0] =	vst.idx.add.f32.msk $0xffff, v14  }
0xa6: {  	v20 =	vor.u32 $0x80, v20;
	[tilespmem:v17+s11+$0x0] =	vst.idx.add.f32.msk $0xffff, v61  }
0xa7: {  	v10 =	vor.u32 $0x80, v10;
	v13 =	vld.idx.msk [tilespmem:v13+s3+$0x0], $0xffff  }
0xa8: {  	v9 =	vor.u32 $0x80, v9;
	v11 =	vld.idx.msk [tilespmem:v11+s3+$0x0], $0xffff  }
0xa9: {  	v17 =	vor.u32 $0x80, v17;
	v15 =	vld.idx.msk [tilespmem:v62+s3+$0x0], $0xffff  }
0xaa: {  	[tilespmem:v63+s11+$0x0] =	vst.idx.add.f32.msk $0xffff, v16  }
0xab: {  	[tilespmem:v20+s11+$0x0] =	vst.idx.add.f32.msk $0xffff, v12  }
0xac: {  	[tilespmem:v10+s11+$0x0] =	vst.idx.add.f32.msk $0xffff, v13  }
0xad: {  	[tilespmem:v9+s11+$0x0] =	vst.idx.add.f32.msk $0xffff, v11  }
0xae: {  	[tilespmem:v17+s11+$0x0] =	vst.idx.add.f32.msk $0xffff, v15  }
0xaf: {  	v9 =	vld [tilespmem:s4+$0x9D00];
	_ =	sdelay $0x4  }
0xb0: {  	v10 =	vld [tilespmem:s4+$0x9D80];
	v11 =	vshll.u32 v9, $0x1  }
0xb1: {  	v9 =	vand.u32 $0x7F, v9;
	v11 =	vand.u32 $0xFFFFFF00, v11  }
0xb2: {  	v9 =	vor.u32 v9, v11;
	_ =	sdelay $0x2  }
0xb3: {  	v11 =	vshll.u32 v10, $0x1  }
0xb4: {  	v10 =	vand.u32 $0x7F, v10;
	v11 =	vand.u32 $0xFFFFFF00, v11  }
0xb5: {  	v10 =	vor.u32 v10, v11;
	v12 =	vld.idx.msk [tilespmem:v9+s3+$0x0], $0xffff  }
0xb6: {  	v9 =	vor.u32 $0x80, v9;
	_ =	sdelay $0x3  }
0xb7: {  	[tilespmem:v10+s11+$0x0] =	vst.idx.add.f32.msk $0xffff, v12  }
0xb8: {  	v10 =	vor.u32 $0x80, v10;
	v9 =	vld.idx.msk [tilespmem:v9+s3+$0x0], $0xffff;
	_ =	sdelay $0x2  }
0xb9: {  	s13 =	sadd.s32 $0x1, s13  }
0xba: {  	p0 =	sne.s32 s13, s7  }
.Ltmp2:
0xbb: {  	[tilespmem:v10+s11+$0x0] =	vst.idx.add.f32.msk $0xffff, v9;
	(pc) =	sbr.rel @p0 .LBB2_1-.Ltmp2, $4  }
0xbc: {  	[hbm4b:s6+s3] =	stream.linear.scatter [tilespmem:s11], [sflag:$0x3], $0x4F00, $0x38;
	[tilespmem:$0xED00] =	vst v63  }
0xbd: {  	_ =	swait.ge [sflag:s12], $0x4F00  }
0xbe: {  	[sflag:s12] =	ssyncset.done $0x0  }
0xbf: {  	[sflag:s12] =	ssyncadd.s32 $0xFFFFB100  }
0xc0: {  	_ =	sfence.sel $0x180000  }
0xc1: {  	[bflag:$0x0] =	sbarrier.arrive $0xFFFF  }
0xc2: {  	p0 =	sne.s32 s0, $0x0;
	_ =	strace $0x90000053  }
0xc3: {  	s0 =	sadd.s32 @!p0 $0x100000, s2;
	[bflag:$0x2] =	sbarrier.arrive $0xFFFF  }
0xc4: {  	[sflag:s0] =	ssyncadd.tile.s32 @!p0 $0x1;
	_ =	shalt  }
.Lfunc_end2:
_tile_overlayer_lowered:
.L_overlay_start_2:
0xc5: {  	(tag) =	ssettag $0x2  }
0xc6: {  	s0 =	rddreg [dreg:$0x0];
	s2 =	stileid.u32  }
0xc7: {  	s1 =	rddreg [dreg:$0x1];
	p0 =	sne.s32 s2, $0x0  }
0xc8: {  	s3 =	rddreg [dreg:$0x2];
	[bflag:$0x3] =	sbarrier.arrive $0xFFFF;
	s2 =	simm.s32 @!p0 $0x1C03  }
0xc9: {  	[timem:s3], [sflag:s2] =	dma.local @!p0 [hbm:s0], s1  }
0xca: {  	s0 =	simm.s32 @!p0 $0x3  }
0xcb: {  	_ =	swait.ge @!p0 [sflag:s0], s1  }
0xcc: {  	s1 =	ssub.s32 @!p0 $0x0, s1;
	[sflag:s0] =	ssyncset.done @!p0 $0x0  }
0xcd: {  	[sflag:s0] =	ssyncadd.s32 @!p0 s1  }
0xce: {  	[bflag:$0x3] =	sbarrier.arrive $0xFFFF  }
0xcf: {  	_ =	shalt  }

</sc_bundles>
